<compile_context>
chip_gen: v7x
topology: tpu7x:2x2x1
jax: 0.10.2.dev20260603
libtpu: 0.0.44.dev20260713+nightly
codegen_flags: <defaults>
</compile_context>

<pallas_src>
import functools
import math

import jax
import jax.numpy as jnp
from jax import lax
from jax.experimental import pallas as pl
from jax.experimental.pallas import tpu as pltpu
from jax.experimental.pallas import tpu_sc as plsc

INPUT_DIM = 64
NUM_PROJS = 7
NUM_BUCKETS = 1 << NUM_PROJS
BLOCK_SIZE = 256
SAMPLE_SIZE = 256
N_SEQ = 8192
NUM_BLOCKS = N_SEQ // BLOCK_SIZE
RANK_CHUNK = 512


def _rank_of_builder(pd):
    lane = lax.broadcasted_iota(jnp.int32, (N_SEQ, NUM_BUCKETS), 1)
    jr = lax.broadcasted_iota(jnp.int32, (NUM_BUCKETS, NUM_BUCKETS), 0)
    wrep = jnp.where(jr < NUM_PROJS,
                     1 << jnp.minimum(jr, NUM_PROJS - 1),
                     0).astype(jnp.bfloat16)
    r = lax.broadcasted_iota(jnp.int32, (RANK_CHUNK, RANK_CHUNK), 0)
    c = lax.broadcasted_iota(jnp.int32, (RANK_CHUNK, RANK_CHUNK), 1)
    U_incl = (r <= c).astype(jnp.float32)
    br = lax.broadcasted_iota(jnp.int32, (NUM_BUCKETS, NUM_BUCKETS), 0)
    bc = lax.broadcasted_iota(jnp.int32, (NUM_BUCKETS, NUM_BUCKETS), 1)
    SU = (br < bc).astype(jnp.float32)
    ones_n = jnp.ones((1, N_SEQ), jnp.bfloat16)
    ones_c = jnp.ones((RANK_CHUNK, 1), jnp.float32)
    ones_1c = jnp.ones((1, RANK_CHUNK), jnp.float32)

    def rank_of(x):
        proj = jax.lax.dot_general(x, pd, (((1,), (0,)), ((), ())),
                                   preferred_element_type=jnp.float32)
        sgnb = (proj > 0).astype(jnp.bfloat16)
        binv_f = jax.lax.dot_general(sgnb, wrep, (((1,), (0,)), ((), ())),
                                     preferred_element_type=jnp.float32)
        binv = binv_f.astype(jnp.int32)
        h = binv ^ (binv >> 1)
        ohb = (h == lane).astype(jnp.bfloat16)
        hist = jax.lax.dot_general(ones_n, ohb, (((1,), (0,)), ((), ())),
                                   preferred_element_type=jnp.float32)
        bs = jax.lax.dot_general(hist, SU, (((1,), (0,)), ((), ())),
                                 preferred_element_type=jnp.float32)

        def chunk(i, carry):
            ohcb = ohb[i * RANK_CHUNK:(i + 1) * RANK_CHUNK, :]
            ohc = ohcb.astype(jnp.float32)
            g = jax.lax.dot_general(ohcb, ohcb, (((1,), (1,)), ((), ())),
                                    preferred_element_type=jnp.float32)
            t_row = jax.lax.dot_general(ones_1c, g * U_incl,
                                        (((1,), (0,)), ((), ())),
                                        preferred_element_type=jnp.float32)
            base_row = jax.lax.dot_general(bs + carry, ohc,
                                           (((1,), (1,)), ((), ())),
                                           preferred_element_type=jnp.float32)
            posc = t_row + base_row - 1.0
            carry = carry + jax.lax.dot_general(
                ones_1c, ohc, (((1,), (0,)), ((), ())),
                preferred_element_type=jnp.float32)
            return posc.astype(jnp.int32), carry

        carry = jnp.zeros((1, NUM_BUCKETS), jnp.float32)
        pieces = []
        for i in range(N_SEQ // RANK_CHUNK):
            posc, carry = chunk(i, carry)
            pieces.append(posc)
        return jnp.concatenate(pieces, axis=1)[0]

    return rank_of


def _hashq_body(q_ref, pd_ref, posq_ref, qpad_ref):
    rank_of = _rank_of_builder(pd_ref[...])
    posq_ref[0, 0] = rank_of(q_ref[0]) + pl.program_id(0) * N_SEQ
    zpad = jnp.zeros((N_SEQ, INPUT_DIM), jnp.float32)
    qpad_ref[0] = jnp.concatenate([q_ref[0], zpad], axis=1)


def _hashkv_body(k_ref, v_ref, pd_ref, posk_ref, kv_ref):
    rank_of = _rank_of_builder(pd_ref[...])
    posk_ref[0, 0] = rank_of(k_ref[0]) + pl.program_id(0) * N_SEQ
    kv_ref[0] = jnp.concatenate([k_ref[0], v_ref[0]], axis=1)


_QSPEC = pl.BlockSpec((1, N_SEQ, INPUT_DIM), lambda i: (i, 0, 0))
_PSPEC = pl.BlockSpec((INPUT_DIM, NUM_BUCKETS), lambda i: (0, 0))
_OSPEC = pl.BlockSpec((1, 1, N_SEQ), lambda i: (i, 0, 0))
_WSPEC = pl.BlockSpec((1, N_SEQ, 2 * INPUT_DIM), lambda i: (i, 0, 0))


def _hashq(q2, proj_pad):
    BH = q2.shape[0]
    pos_q, qpad = pl.pallas_call(
        _hashq_body,
        grid=(BH,),
        in_specs=[_QSPEC, _PSPEC],
        out_specs=[_OSPEC, _WSPEC],
        out_shape=[jax.ShapeDtypeStruct((BH, 1, N_SEQ), jnp.int32),
                   jax.ShapeDtypeStruct((BH, N_SEQ, 2 * INPUT_DIM),
                                        jnp.float32)],
    )(q2, proj_pad)
    return pos_q.reshape(BH, N_SEQ), qpad


def _hashkv(k2, v2, proj_pad):
    BH = k2.shape[0]
    pos_k, kv = pl.pallas_call(
        _hashkv_body,
        grid=(BH,),
        in_specs=[_QSPEC, _QSPEC, _PSPEC],
        out_specs=[_OSPEC, _WSPEC],
        out_shape=[jax.ShapeDtypeStruct((BH, 1, N_SEQ), jnp.int32),
                   jax.ShapeDtypeStruct((BH, N_SEQ, 2 * INPUT_DIM),
                                        jnp.float32)],
    )(k2, v2, proj_pad)
    return pos_k.reshape(BH, N_SEQ), kv


BLOCKS_PER_STEP = 8


def _attn_body(q_ref, kv_ref, sub_ref, samp_ref, out_ref):
    scale = INPUT_DIM ** (-0.5)
    sub = sub_ref[0]
    ks = sub[:, :INPUT_DIM]
    vs = sub[:, INPUT_DIM:]
    samp = samp_ref[0, 0]
    blk_of_samp = samp // BLOCK_SIZE
    neg = jnp.float32(jnp.finfo(jnp.float32).min)

    for t in range(BLOCKS_PER_STEP):
        nb = pl.program_id(1) * BLOCKS_PER_STEP + t
        qb = q_ref[0, t][:, :INPUT_DIM]
        kvb = kv_ref[0, t]
        kb = kvb[:, :INPUT_DIM]
        vb = kvb[:, INPUT_DIM:]

        s1 = jax.lax.dot_general(qb, kb, (((1,), (1,)), ((), ())),
                                 preferred_element_type=jnp.float32) * scale
        m1 = jnp.max(s1, axis=1, keepdims=True)
        p1 = jnp.exp(s1 - m1)
        l1 = jnp.sum(p1, axis=1, keepdims=True)
        a1 = jax.lax.dot_general(p1, vb, (((1,), (0,)), ((), ())),
                                 preferred_element_type=jnp.float32)
        lse1 = m1 + jnp.log(l1)

        s2 = jax.lax.dot_general(qb, ks, (((1,), (1,)), ((), ())),
                                 preferred_element_type=jnp.float32) * scale
        bias = jnp.where(blk_of_samp == nb, neg, jnp.float32(0.0))[None, :]
        s2 = s2 + bias
        m2 = jnp.max(s2, axis=1, keepdims=True)
        p2 = jnp.exp(s2 - m2)
        l2 = jnp.sum(p2, axis=1, keepdims=True)
        a2 = jax.lax.dot_general(p2, vs, (((1,), (0,)), ((), ())),
                                 preferred_element_type=jnp.float32)
        lse2 = m2 + jnp.log(l2) + jnp.float32(math.log(N_SEQ / SAMPLE_SIZE))

        c = jax.nn.sigmoid(lse1 - lse2)
        out = c * (a1 / l1) + (1.0 - c) * (a2 / l2)
        out_ref[0, t] = out


SUPER = 256
NSUP = N_SEQ // SUPER
IDXW = 128


def _sc_scatter_rows(wid, idx_v, buf_v, sem, src_hbm, dst_hbm):
    base = wid * N_SEQ
    per = SUPER // IDXW

    def step(s, _):
        pltpu.sync_copy(src_hbm.at[pl.ds(base + s * SUPER, SUPER)], buf_v)
        for p in range(per):
            pltpu.async_copy(buf_v.at[pl.ds(p * IDXW, IDXW)],
                             dst_hbm.at[idx_v.at[s * per + p]], sem).wait()
        return 0

    lax.fori_loop(0, NSUP, step, 0)


def _make_permute_q(BH):
    info = plsc.get_sparse_core_info()
    NC = info.num_cores
    mesh = plsc.VectorSubcoreMesh(core_axis_name="c", subcore_axis_name="s")
    W = 2 * INPUT_DIM

    @functools.partial(
        pl.kernel,
        out_type=[jax.ShapeDtypeStruct((BH * N_SEQ, W), jnp.float32)],
        mesh=mesh,
        scratch_types=[pltpu.VMEM((N_SEQ // IDXW, IDXW), jnp.int32),
                       pltpu.VMEM((SUPER, W), jnp.float32),
                       pltpu.SemaphoreType.DMA],
        compiler_params=pltpu.CompilerParams(needs_layout_passes=False),
    )
    def permute_q(qpad_hbm, posq_hbm, qs_hbm, idx_v, buf_v, sem):
        wid = lax.axis_index("s") * NC + lax.axis_index("c")
        pltpu.sync_copy(posq_hbm.at[wid], idx_v)
        _sc_scatter_rows(wid, idx_v, buf_v, sem, qpad_hbm, qs_hbm)

    return permute_q


def _make_permute_kv(BH):
    info = plsc.get_sparse_core_info()
    NC = info.num_cores
    mesh = plsc.VectorSubcoreMesh(core_axis_name="c", subcore_axis_name="s")
    S = SAMPLE_SIZE
    W = 2 * INPUT_DIM

    @functools.partial(
        pl.kernel,
        out_type=[jax.ShapeDtypeStruct((BH * N_SEQ, W), jnp.float32),
                  jax.ShapeDtypeStruct((BH * S, W), jnp.float32)],
        mesh=mesh,
        scratch_types=[pltpu.VMEM((N_SEQ // IDXW, IDXW), jnp.int32),
                       pltpu.VMEM((SUPER, W), jnp.float32),
                       pltpu.VMEM((S // IDXW, IDXW), jnp.int32),
                       pltpu.VMEM((S, W), jnp.float32),
                       pltpu.SemaphoreType.DMA],
        compiler_params=pltpu.CompilerParams(needs_layout_passes=False),
    )
    def permute_kv(kv_hbm, posk_hbm, samp_hbm, kvs_hbm, sub_hbm,
                   idx_v, buf_v, sidx_v, sub_v, sem):
        wid = lax.axis_index("s") * NC + lax.axis_index("c")
        pltpu.sync_copy(posk_hbm.at[wid], idx_v)
        _sc_scatter_rows(wid, idx_v, buf_v, sem, kv_hbm, kvs_hbm)

        pltpu.sync_copy(samp_hbm.at[wid], sidx_v)
        for p in range(S // IDXW):
            pltpu.async_copy(kvs_hbm.at[sidx_v.at[p]],
                             sub_v.at[pl.ds(p * IDXW, IDXW)], sem).wait()
        pltpu.sync_copy(sub_v, sub_hbm.at[pl.ds(wid * S, S)])

    return permute_kv


def _fused_attention(qs_pad, kv_sorted, kv_sub, samp):
    BH = qs_pad.shape[0]
    D = INPUT_DIM
    nb = NUM_BLOCKS
    qs4 = qs_pad.reshape(BH, nb, BLOCK_SIZE, 2 * D)
    kvs4 = kv_sorted.reshape(BH, nb, BLOCK_SIZE, 2 * D)
    grid = (BH, nb // BLOCKS_PER_STEP)
    oblk = pl.BlockSpec((1, BLOCKS_PER_STEP, BLOCK_SIZE, D),
                        lambda i, j: (i, j, 0, 0))
    kvblk = pl.BlockSpec((1, BLOCKS_PER_STEP, BLOCK_SIZE, 2 * D),
                         lambda i, j: (i, j, 0, 0))
    sub = pl.BlockSpec((1, SAMPLE_SIZE, 2 * D), lambda i, j: (i, 0, 0))
    sspec = pl.BlockSpec((1, 1, SAMPLE_SIZE), lambda i, j: (i, 0, 0))
    out = pl.pallas_call(
        _attn_body,
        grid=grid,
        in_specs=[kvblk, kvblk, sub, sspec],
        out_specs=oblk,
        out_shape=jax.ShapeDtypeStruct((BH, nb, BLOCK_SIZE, D), jnp.float32),
    )(qs4, kvs4, kv_sub, samp)
    return out.reshape(BH, N_SEQ, D)


def kernel(query, key, value, proj_dir, sampled_set):
    B, H, N, D = query.shape
    BH = B * H
    q2 = query.reshape(BH, N, D)
    k2 = key.reshape(BH, N, D)
    v2 = value.reshape(BH, N, D)
    samp2 = sampled_set.reshape(BH, SAMPLE_SIZE)

    proj_pad = jnp.zeros((INPUT_DIM, NUM_BUCKETS), jnp.float32)
    proj_pad = proj_pad.at[:, :NUM_PROJS].set(proj_dir[:INPUT_DIM])

    offs = jnp.arange(BH, dtype=jnp.int32)[:, None] * N
    samp_g = (samp2 + offs).reshape(BH, SAMPLE_SIZE // IDXW, IDXW)

    pos_q, qpad = _hashq(q2, proj_pad)
    posq3 = pos_q.reshape(BH, N // IDXW, IDXW)
    qs = _make_permute_q(BH)(qpad.reshape(BH * N, 2 * D), posq3)[0]

    pos_k, kv = _hashkv(k2, v2, proj_pad)
    posk3 = pos_k.reshape(BH, N // IDXW, IDXW)
    kvs, sub = _make_permute_kv(BH)(
        kv.reshape(BH * N, 2 * D), posk3, samp_g)

    merged = _fused_attention(qs.reshape(BH, N, 2 * D),
                              kvs.reshape(BH, N, 2 * D),
                              sub.reshape(BH, SAMPLE_SIZE, 2 * D),
                              samp2.reshape(BH, 1, SAMPLE_SIZE))

    out = jnp.take(merged.reshape(BH * N, D), pos_q.reshape(BH * N), axis=0)
    return out.reshape(B, H, N, D)

# --- scband reference (transcript-rebuilt; emitter-appended) ---
"""Pipeline reference for scband-hyper-attention-31731218383034 (READ-ONLY COPY).

The authoritative reference and input builder live on the scoring server;
editing this copy changes nothing except your own understanding.
"""

import math
import jax, jax.numpy as jnp
import numpy as np

INPUT_DIM = 64
NUM_PROJS = 7
BLOCK_SIZE = 256
SAMPLE_SIZE = 256
MIN_SEQ_LEN = 4096
APPROX_UNSAMPLED = True


def _gray(n):
    if n == 1:
        return np.array([0, 1], dtype=np.int32)
    a = _gray(n - 1)
    return np.concatenate([a, a[::-1] + 2 ** (n - 1)]).astype(np.int32)


def setup_inputs(seed: int = 0) -> dict:
    key = jax.random.key(seed)
    k1, k2, k3, k4, k5 = jax.random.split(key, 5)
    B, H, N, D = 2, 16, 8192, 64
    q = jax.random.normal(k1, (B, H, N, D), dtype=jnp.float32)
    k = jax.random.normal(k2, (B, H, N, D), dtype=jnp.float32)
    v = jax.random.normal(k3, (B, H, N, D), dtype=jnp.float32)
    # AngularLSH projection directions, dim = input_dim + 1 per __init__
    proj_dir = jax.random.normal(k4, (INPUT_DIM + 1, NUM_PROJS), dtype=jnp.float32)
    # uniformly sampled key columns for the residual low-rank part
    sampled_set = jax.random.randint(k5, (B, H, SAMPLE_SIZE), 0, N, dtype=jnp.int32)
    return {"query": q, "key": k, "value": v, "proj_dir": proj_dir, "sampled_set": sampled_set}


def _lsh_hash(mat, proj_dir):
    perm = jnp.asarray(_gray(NUM_PROJS))
    enc = (2 ** jnp.arange(NUM_PROJS, dtype=jnp.int32))
    matp = jnp.concatenate([mat, jnp.zeros(mat.shape[:-1] + (1,), mat.dtype)], axis=-1)
    mask = jnp.einsum('bhnd,dr->bhnr', matp, proj_dir) > 0
    bin_ids = jnp.sum(mask.astype(jnp.int32) * enc, axis=-1)
    return perm[bin_ids]


def _indexing(x, idx, chunk_size=-1):
    out = jnp.take_along_axis(x, idx[..., None], axis=2)
    if chunk_size > 0 and (out.shape[2] % chunk_size != 0):
        pad = chunk_size - out.shape[2] % chunk_size
        out = jnp.pad(out, ((0, 0), (0, 0), (0, pad), (0, 0)))
    return out


def _exact_attention(q, k, v, scale, bias=None):
    qk = jnp.einsum('bhqd,bhkd->bhqk', q, k) * scale
    if bias is not None:
        qk = qk + bias
    lse = jax.scipy.special.logsumexp(qk, axis=-1, keepdims=True)
    attn = jnp.einsum('bhqk,bhkd->bhqd', jnp.exp(qk - lse), v)
    return attn, lse


def _add_self_attentions(a1, l1, a2, l2):
    c = 1.0 / (1.0 + jnp.exp(l2 - l1))
    attn = c * a1 + (1.0 - c) * a2
    lse = l1 - jnp.log(c + jnp.finfo(l1.dtype).eps)
    return attn, lse


def _hyper_attn_no_causal(query, key, value, proj_dir, sampled_set):
    B, H, Nq, D = query.shape
    Nk = key.shape[2]
    scale = D ** (-0.5)
    # 1. sortLSH block-diagonal part
    q_hash = _lsh_hash(query, proj_dir)
    k_hash = _lsh_hash(key, proj_dir)
    q_sort = jnp.argsort(q_hash, axis=2)
    k_sort = jnp.argsort(k_hash, axis=2)
    q_sort_inv = jnp.argsort(q_sort, axis=2)
    kbs = BLOCK_SIZE
    q_sorted = _indexing(query, q_sort, kbs)
    k_sorted = _indexing(key, k_sort, kbs)
    v_sorted = _indexing(value, k_sort, kbs)
    num_blocks = k_sorted.shape[2] // kbs
    qbs = q_sorted.shape[2] // num_blocks
    q_blk = q_sorted.reshape(-1, 1, qbs, D)
    k_blk = k_sorted.reshape(-1, 1, kbs, D)
    v_blk = v_sorted.reshape(-1, 1, kbs, D)
    attn_block, lse_block = _exact_attention(q_blk, k_blk, v_blk, scale)
    attn_block = attn_block.reshape(B, H, q_sorted.shape[2], D)
    lse_block = lse_block.reshape(B, H, q_sorted.shape[2], 1)
    attn_block = attn_block[:, :, :Nq, :]
    lse_block = lse_block[:, :, :Nq, :]
    q_sorted = q_sorted[:, :, :Nq, :]
    k_sorted = k_sorted[:, :, :Nk, :]
    v_sorted = v_sorted[:, :, :Nk, :]
    # 2. residual low-rank part via uniform column sampling
    v_sub = _indexing(v_sorted, sampled_set)
    k_sub = _indexing(k_sorted, sampled_set)
    offset_n = jnp.arange(Nq, dtype=jnp.int32)[None, None, :, None]
    blk_mask = (offset_n // qbs) == (sampled_set[:, :, None, :] // kbs)
    bias = blk_mask.astype(query.dtype) * jnp.finfo(query.dtype).min
    attn_res, lse_res = _exact_attention(q_sorted, k_sub, v_sub, scale, bias=bias)
    weights = (Nk / SAMPLE_SIZE) if APPROX_UNSAMPLED else 1.0
    lse_res = lse_res + math.log(weights)
    attn, lse = _add_self_attentions(attn_block, lse_block, attn_res, lse_res)
    # un-sort rows back to original query order
    attn = jnp.take_along_axis(attn, q_sort_inv[..., None], axis=2)
    lse = jnp.take_along_axis(lse, q_sort_inv[..., None], axis=2)
    return attn, lse


def reference(query, key, value, proj_dir, sampled_set):
    attn, _lse = _hyper_attn_no_causal(query, key, value, proj_dir, sampled_set)
    return attn

if __name__ == "__main__":
    import jax
    _d = setup_inputs()
    print(jax.jit(kernel)(*tuple(_d.values())))

</pallas_src>

<mosaic_0001>
#map = affine_map<(d0, d1) -> (0, 0)>
#map1 = affine_map<(d0, d1) -> (0, 0, 0)>
module attributes {stable_mosaic.version = 14 : i64} {
  func.func @permute_q(%arg0: i32, %arg1: i32, %arg2: memref<262144x128xf32, #tpu.memory_space<hbm>>, %arg3: memref<32x64x128xi32, #tpu.memory_space<hbm>>, %arg4: memref<262144x128xf32, #tpu.memory_space<hbm>>, %arg5: memref<64x128xi32, #tpu.memory_space<vmem>>, %arg6: memref<256x128xf32, #tpu.memory_space<vmem>>, %arg7: memref<!tpu.dma_semaphore, #tpu.memory_space<semaphore_mem>>) attributes {dimension_semantics = [#tpu.dimension_semantics<core_parallel>, #tpu.dimension_semantics<subcore_parallel>], iteration_bounds = array<i64: 2, 16>, scalar_prefetch = 0 : i64, scratch_operands = 3 : i64, tpu.core_type = #tpu.core_type<sc_vector_subcore>, window_params = [{transform_indices = #map}, {transform_indices = #map1}, {transform_indices = #map}]} {
    %mul3A = arith.constant 2 : i32
    %mul3A_0 = arith.muli %arg1, %mul3A : i32
    %add3A = arith.addi %mul3A_0, %arg0 : i32
    "tpu.region"() ({
      %run_scoped3A = tpu.sem_alloc : memref<!tpu.dma_semaphore, #tpu.memory_space<semaphore_mem>>
      %dma_start3A = arith.constant 0 : i32
      %dma_start3A_9 = arith.constant 0 : i32
      %dma_start3A_10 = tpu.memref_slice %arg3[%add3A, %dma_start3A, %dma_start3A_9] : memref<32x64x128xi32, #tpu.memory_space<hbm>> -> memref<1x64x128xi32, #tpu.memory_space<hbm>>
      %dma_start3A_11 = tpu.memref_squeeze %dma_start3A_10 : memref<1x64x128xi32, #tpu.memory_space<hbm>> -> memref<64x128xi32, #tpu.memory_space<hbm>>
      %dma_start3A_12 = arith.constant 0 : i32
      %dma_start3A_13 = arith.constant 0 : i32
      %dma_start3A_14 = tpu.memref_slice %arg3[%add3A, %dma_start3A_12, %dma_start3A_13] : memref<32x64x128xi32, #tpu.memory_space<hbm>> -> memref<1x64x128xi32, #tpu.memory_space<hbm>>
      %dma_start3A_15 = tpu.memref_squeeze %dma_start3A_14 : memref<1x64x128xi32, #tpu.memory_space<hbm>> -> memref<64x128xi32, #tpu.memory_space<hbm>>
      tpu.enqueue_dma source(%dma_start3A_15 : memref<64x128xi32, #tpu.memory_space<hbm>>) target(%arg5 : memref<64x128xi32, #tpu.memory_space<vmem>>) target_semaphore(%run_scoped3A : memref<!tpu.dma_semaphore, #tpu.memory_space<semaphore_mem>>)
      %dma_wait3A = arith.constant 0 : i32
      %dma_wait3A_16 = arith.constant 0 : i32
      %dma_wait3A_17 = tpu.memref_slice %arg3[%add3A, %dma_wait3A, %dma_wait3A_16] : memref<32x64x128xi32, #tpu.memory_space<hbm>> -> memref<1x64x128xi32, #tpu.memory_space<hbm>>
      %dma_wait3A_18 = tpu.memref_squeeze %dma_wait3A_17 : memref<1x64x128xi32, #tpu.memory_space<hbm>> -> memref<64x128xi32, #tpu.memory_space<hbm>>
      %dma_wait3A_19 = arith.constant 0 : i32
      %dma_wait3A_20 = arith.constant 0 : i32
      %dma_wait3A_21 = tpu.memref_slice %arg3[%add3A, %dma_wait3A_19, %dma_wait3A_20] : memref<32x64x128xi32, #tpu.memory_space<hbm>> -> memref<1x64x128xi32, #tpu.memory_space<hbm>>
      %dma_wait3A_22 = tpu.memref_squeeze %dma_wait3A_21 : memref<1x64x128xi32, #tpu.memory_space<hbm>> -> memref<64x128xi32, #tpu.memory_space<hbm>>
      tpu.wait_dma2 semaphore(%run_scoped3A : memref<!tpu.dma_semaphore, #tpu.memory_space<semaphore_mem>>) src(%dma_wait3A_22 : memref<64x128xi32, #tpu.memory_space<hbm>>) dst(%arg5 : memref<64x128xi32, #tpu.memory_space<vmem>>)
      tpu.yield
    }) : () -> ()
    %mul3A_1 = arith.constant 8192 : i32
    %mul3A_2 = arith.muli %add3A, %mul3A_1 : i32
    %scan3A = arith.constant 0 : i32
    %scan3A_3 = arith.constant 0 : i32
    %scan3A_4 = arith.constant 32 : i32
    %scan3A_5 = arith.addi %scan3A_3, %scan3A_4 : i32
    %scan3A_6 = arith.constant 1 : i32
    %scan3A_7 = scf.for %scan3A_9 = %scan3A_3 to %scan3A_5 step %scan3A_6 iter_args(%scan3A_10 = %scan3A) -> (i32)  : i32 {
      %mul3A_11 = arith.constant 256 : i32
      %mul3A_12 = arith.muli %scan3A_9, %mul3A_11 : i32
      %add3A_13 = arith.addi %mul3A_2, %mul3A_12 : i32
      "tpu.region"() ({
        %run_scoped3A = tpu.sem_alloc : memref<!tpu.dma_semaphore, #tpu.memory_space<semaphore_mem>>
        %dma_start3A_57 = arith.constant 0 : i32
        %dma_start3A_58 = tpu.memref_slice %arg2[%add3A_13, %dma_start3A_57] : memref<262144x128xf32, #tpu.memory_space<hbm>> -> memref<256x128xf32, #tpu.memory_space<hbm>>
        %dma_start3A_59 = arith.constant 0 : i32
        %dma_start3A_60 = tpu.memref_slice %arg2[%add3A_13, %dma_start3A_59] : memref<262144x128xf32, #tpu.memory_space<hbm>> -> memref<256x128xf32, #tpu.memory_space<hbm>>
        tpu.enqueue_dma source(%dma_start3A_60 : memref<256x128xf32, #tpu.memory_space<hbm>>) target(%arg6 : memref<256x128xf32, #tpu.memory_space<vmem>>) target_semaphore(%run_scoped3A : memref<!tpu.dma_semaphore, #tpu.memory_space<semaphore_mem>>)
        %dma_wait3A_61 = arith.constant 0 : i32
        %dma_wait3A_62 = tpu.memref_slice %arg2[%add3A_13, %dma_wait3A_61] : memref<262144x128xf32, #tpu.memory_space<hbm>> -> memref<256x128xf32, #tpu.memory_space<hbm>>
        %dma_wait3A_63 = arith.constant 0 : i32
        %dma_wait3A_64 = tpu.memref_slice %arg2[%add3A_13, %dma_wait3A_63] : memref<262144x128xf32, #tpu.memory_space<hbm>> -> memref<256x128xf32, #tpu.memory_space<hbm>>
        tpu.wait_dma2 semaphore(%run_scoped3A : memref<!tpu.dma_semaphore, #tpu.memory_space<semaphore_mem>>) src(%dma_wait3A_64 : memref<256x128xf32, #tpu.memory_space<hbm>>) dst(%arg6 : memref<256x128xf32, #tpu.memory_space<vmem>>)
        tpu.yield
      }) : () -> ()
      %mul3A_14 = arith.constant 2 : i32
      %mul3A_15 = arith.muli %scan3A_9, %mul3A_14 : i32
      %add3A_16 = arith.constant 0 : i32
      %add3A_17 = arith.addi %mul3A_15, %add3A_16 : i32
      %dma_start3A = arith.constant 0 : i32
      %dma_start3A_18 = arith.constant 0 : i32
      %dma_start3A_19 = tpu.memref_slice %arg6[%dma_start3A, %dma_start3A_18] : memref<256x128xf32, #tpu.memory_space<vmem>> -> memref<128x128xf32, #tpu.memory_space<vmem>>
      %dma_start3A_20 = arith.constant 0 : i32
      %dma_start3A_21 = tpu.memref_slice %arg5[%add3A_17, %dma_start3A_20] : memref<64x128xi32, #tpu.memory_space<vmem>> -> memref<1x128xi32, #tpu.memory_space<vmem>>
      %dma_start3A_22 = tpu.memref_squeeze %dma_start3A_21 : memref<1x128xi32, #tpu.memory_space<vmem>> -> memref<128xi32, #tpu.memory_space<vmem>>
      %dma_start3A_23 = arith.constant 0 : i32
      %dma_start3A_24 = arith.constant 0 : i32
      %dma_start3A_25 = tpu.memref_slice %arg4[%dma_start3A_23, %dma_start3A_24] : memref<262144x128xf32, #tpu.memory_space<hbm>> -> memref<262144x128xf32, #tpu.memory_space<hbm>>
      tpu.enqueue_indirect_dma source(%dma_start3A_19 : memref<128x128xf32, #tpu.memory_space<vmem>>) target(%dma_start3A_25 : memref<262144x128xf32, #tpu.memory_space<hbm>>) offsets(%dma_start3A_22 : memref<128xi32, #tpu.memory_space<vmem>>) semaphore(%arg7 : memref<!tpu.dma_semaphore, #tpu.memory_space<semaphore_mem>>)
      %dma_wait3A = arith.constant 0 : i32
      %dma_wait3A_26 = arith.constant 0 : i32
      %dma_wait3A_27 = tpu.memref_slice %arg6[%dma_wait3A, %dma_wait3A_26] : memref<256x128xf32, #tpu.memory_space<vmem>> -> memref<128x128xf32, #tpu.memory_space<vmem>>
      %dma_wait3A_28 = arith.constant 0 : i32
      %dma_wait3A_29 = tpu.memref_slice %arg5[%add3A_17, %dma_wait3A_28] : memref<64x128xi32, #tpu.memory_space<vmem>> -> memref<1x128xi32, #tpu.memory_space<vmem>>
      %dma_wait3A_30 = tpu.memref_squeeze %dma_wait3A_29 : memref<1x128xi32, #tpu.memory_space<vmem>> -> memref<128xi32, #tpu.memory_space<vmem>>
      %dma_wait3A_31 = arith.constant 0 : i32
      %dma_wait3A_32 = arith.constant 0 : i32
      %dma_wait3A_33 = tpu.memref_slice %arg4[%dma_wait3A_31, %dma_wait3A_32] : memref<262144x128xf32, #tpu.memory_space<hbm>> -> memref<262144x128xf32, #tpu.memory_space<hbm>>
      tpu.wait_indirect_dma semaphore(%arg7 : memref<!tpu.dma_semaphore, #tpu.memory_space<semaphore_mem>>) src(%dma_wait3A_27 : memref<128x128xf32, #tpu.memory_space<vmem>>) dst(%dma_wait3A_33 : memref<262144x128xf32, #tpu.memory_space<hbm>>)
      %mul3A_34 = arith.constant 2 : i32
      %mul3A_35 = arith.muli %scan3A_9, %mul3A_34 : i32
      %add3A_36 = arith.constant 1 : i32
      %add3A_37 = arith.addi %mul3A_35, %add3A_36 : i32
      %dma_start3A_38 = arith.constant 128 : i32
      %dma_start3A_39 = arith.constant 0 : i32
      %dma_start3A_40 = tpu.memref_slice %arg6[%dma_start3A_38, %dma_start3A_39] : memref<256x128xf32, #tpu.memory_space<vmem>> -> memref<128x128xf32, #tpu.memory_space<vmem>>
      %dma_start3A_41 = arith.constant 0 : i32
      %dma_start3A_42 = tpu.memref_slice %arg5[%add3A_37, %dma_start3A_41] : memref<64x128xi32, #tpu.memory_space<vmem>> -> memref<1x128xi32, #tpu.memory_space<vmem>>
      %dma_start3A_43 = tpu.memref_squeeze %dma_start3A_42 : memref<1x128xi32, #tpu.memory_space<vmem>> -> memref<128xi32, #tpu.memory_space<vmem>>
      %dma_start3A_44 = arith.constant 0 : i32
      %dma_start3A_45 = arith.constant 0 : i32
      %dma_start3A_46 = tpu.memref_slice %arg4[%dma_start3A_44, %dma_start3A_45] : memref<262144x128xf32, #tpu.memory_space<hbm>> -> memref<262144x128xf32, #tpu.memory_space<hbm>>
      tpu.enqueue_indirect_dma source(%dma_start3A_40 : memref<128x128xf32, #tpu.memory_space<vmem>>) target(%dma_start3A_46 : memref<262144x128xf32, #tpu.memory_space<hbm>>) offsets(%dma_start3A_43 : memref<128xi32, #tpu.memory_space<vmem>>) semaphore(%arg7 : memref<!tpu.dma_semaphore, #tpu.memory_space<semaphore_mem>>)
      %dma_wait3A_47 = arith.constant 128 : i32
      %dma_wait3A_48 = arith.constant 0 : i32
      %dma_wait3A_49 = tpu.memref_slice %arg6[%dma_wait3A_47, %dma_wait3A_48] : memref<256x128xf32, #tpu.memory_space<vmem>> -> memref<128x128xf32, #tpu.memory_space<vmem>>
      %dma_wait3A_50 = arith.constant 0 : i32
      %dma_wait3A_51 = tpu.memref_slice %arg5[%add3A_37, %dma_wait3A_50] : memref<64x128xi32, #tpu.memory_space<vmem>> -> memref<1x128xi32, #tpu.memory_space<vmem>>
      %dma_wait3A_52 = tpu.memref_squeeze %dma_wait3A_51 : memref<1x128xi32, #tpu.memory_space<vmem>> -> memref<128xi32, #tpu.memory_space<vmem>>
      %dma_wait3A_53 = arith.constant 0 : i32
      %dma_wait3A_54 = arith.constant 0 : i32
      %dma_wait3A_55 = tpu.memref_slice %arg4[%dma_wait3A_53, %dma_wait3A_54] : memref<262144x128xf32, #tpu.memory_space<hbm>> -> memref<262144x128xf32, #tpu.memory_space<hbm>>
      tpu.wait_indirect_dma semaphore(%arg7 : memref<!tpu.dma_semaphore, #tpu.memory_space<semaphore_mem>>) src(%dma_wait3A_49 : memref<128x128xf32, #tpu.memory_space<vmem>>) dst(%dma_wait3A_55 : memref<262144x128xf32, #tpu.memory_space<hbm>>)
      %scan3A_56 = arith.constant 0 : i32
      scf.yield %scan3A_56 : i32
    }
    %scan3A_8 = arith.constant 32 : i32
    return
  }
}

#map = affine_map<(d0, d1) -> (0, 0)>
#map1 = affine_map<(d0, d1) -> (0, 0, 0)>
module attributes {stable_mosaic.version = 14 : i64} {
  func.func @permute_kv(%arg0: i32, %arg1: i32, %arg2: memref<262144x128xf32, #tpu.memory_space<hbm>>, %arg3: memref<32x64x128xi32, #tpu.memory_space<hbm>>, %arg4: memref<32x2x128xi32, #tpu.memory_space<hbm>>, %arg5: memref<262144x128xf32, #tpu.memory_space<hbm>>, %arg6: memref<8192x128xf32, #tpu.memory_space<hbm>>, %arg7: memref<64x128xi32, #tpu.memory_space<vmem>>, %arg8: memref<256x128xf32, #tpu.memory_space<vmem>>, %arg9: memref<2x128xi32, #tpu.memory_space<vmem>>, %arg10: memref<256x128xf32, #tpu.memory_space<vmem>>, %arg11: memref<!tpu.dma_semaphore, #tpu.memory_space<semaphore_mem>>) attributes {dimension_semantics = [#tpu.dimension_semantics<core_parallel>, #tpu.dimension_semantics<subcore_parallel>], iteration_bounds = array<i64: 2, 16>, scalar_prefetch = 0 : i64, scratch_operands = 5 : i64, tpu.core_type = #tpu.core_type<sc_vector_subcore>, window_params = [{transform_indices = #map}, {transform_indices = #map1}, {transform_indices = #map1}, {transform_indices = #map}, {transform_indices = #map}]} {
    %mul3A = arith.constant 2 : i32
    %mul3A_0 = arith.muli %arg1, %mul3A : i32
    %add3A = arith.addi %mul3A_0, %arg0 : i32
    "tpu.region"() ({
      %run_scoped3A = tpu.sem_alloc : memref<!tpu.dma_semaphore, #tpu.memory_space<semaphore_mem>>
      %dma_start3A_49 = arith.constant 0 : i32
      %dma_start3A_50 = arith.constant 0 : i32
      %dma_start3A_51 = tpu.memref_slice %arg3[%add3A, %dma_start3A_49, %dma_start3A_50] : memref<32x64x128xi32, #tpu.memory_space<hbm>> -> memref<1x64x128xi32, #tpu.memory_space<hbm>>
      %dma_start3A_52 = tpu.memref_squeeze %dma_start3A_51 : memref<1x64x128xi32, #tpu.memory_space<hbm>> -> memref<64x128xi32, #tpu.memory_space<hbm>>
      %dma_start3A_53 = arith.constant 0 : i32
      %dma_start3A_54 = arith.constant 0 : i32
      %dma_start3A_55 = tpu.memref_slice %arg3[%add3A, %dma_start3A_53, %dma_start3A_54] : memref<32x64x128xi32, #tpu.memory_space<hbm>> -> memref<1x64x128xi32, #tpu.memory_space<hbm>>
      %dma_start3A_56 = tpu.memref_squeeze %dma_start3A_55 : memref<1x64x128xi32, #tpu.memory_space<hbm>> -> memref<64x128xi32, #tpu.memory_space<hbm>>
      tpu.enqueue_dma source(%dma_start3A_56 : memref<64x128xi32, #tpu.memory_space<hbm>>) target(%arg7 : memref<64x128xi32, #tpu.memory_space<vmem>>) target_semaphore(%run_scoped3A : memref<!tpu.dma_semaphore, #tpu.memory_space<semaphore_mem>>)
      %dma_wait3A_57 = arith.constant 0 : i32
      %dma_wait3A_58 = arith.constant 0 : i32
      %dma_wait3A_59 = tpu.memref_slice %arg3[%add3A, %dma_wait3A_57, %dma_wait3A_58] : memref<32x64x128xi32, #tpu.memory_space<hbm>> -> memref<1x64x128xi32, #tpu.memory_space<hbm>>
      %dma_wait3A_60 = tpu.memref_squeeze %dma_wait3A_59 : memref<1x64x128xi32, #tpu.memory_space<hbm>> -> memref<64x128xi32, #tpu.memory_space<hbm>>
      %dma_wait3A_61 = arith.constant 0 : i32
      %dma_wait3A_62 = arith.constant 0 : i32
      %dma_wait3A_63 = tpu.memref_slice %arg3[%add3A, %dma_wait3A_61, %dma_wait3A_62] : memref<32x64x128xi32, #tpu.memory_space<hbm>> -> memref<1x64x128xi32, #tpu.memory_space<hbm>>
      %dma_wait3A_64 = tpu.memref_squeeze %dma_wait3A_63 : memref<1x64x128xi32, #tpu.memory_space<hbm>> -> memref<64x128xi32, #tpu.memory_space<hbm>>
      tpu.wait_dma2 semaphore(%run_scoped3A : memref<!tpu.dma_semaphore, #tpu.memory_space<semaphore_mem>>) src(%dma_wait3A_64 : memref<64x128xi32, #tpu.memory_space<hbm>>) dst(%arg7 : memref<64x128xi32, #tpu.memory_space<vmem>>)
      tpu.yield
    }) : () -> ()
    %mul3A_1 = arith.constant 8192 : i32
    %mul3A_2 = arith.muli %add3A, %mul3A_1 : i32
    %scan3A = arith.constant 0 : i32
    %scan3A_3 = arith.constant 0 : i32
    %scan3A_4 = arith.constant 32 : i32
    %scan3A_5 = arith.addi %scan3A_3, %scan3A_4 : i32
    %scan3A_6 = arith.constant 1 : i32
    %scan3A_7 = scf.for %scan3A_49 = %scan3A_3 to %scan3A_5 step %scan3A_6 iter_args(%scan3A_50 = %scan3A) -> (i32)  : i32 {
      %mul3A_51 = arith.constant 256 : i32
      %mul3A_52 = arith.muli %scan3A_49, %mul3A_51 : i32
      %add3A_53 = arith.addi %mul3A_2, %mul3A_52 : i32
      "tpu.region"() ({
        %run_scoped3A = tpu.sem_alloc : memref<!tpu.dma_semaphore, #tpu.memory_space<semaphore_mem>>
        %dma_start3A_99 = arith.constant 0 : i32
        %dma_start3A_100 = tpu.memref_slice %arg2[%add3A_53, %dma_start3A_99] : memref<262144x128xf32, #tpu.memory_space<hbm>> -> memref<256x128xf32, #tpu.memory_space<hbm>>
        %dma_start3A_101 = arith.constant 0 : i32
        %dma_start3A_102 = tpu.memref_slice %arg2[%add3A_53, %dma_start3A_101] : memref<262144x128xf32, #tpu.memory_space<hbm>> -> memref<256x128xf32, #tpu.memory_space<hbm>>
        tpu.enqueue_dma source(%dma_start3A_102 : memref<256x128xf32, #tpu.memory_space<hbm>>) target(%arg8 : memref<256x128xf32, #tpu.memory_space<vmem>>) target_semaphore(%run_scoped3A : memref<!tpu.dma_semaphore, #tpu.memory_space<semaphore_mem>>)
        %dma_wait3A_103 = arith.constant 0 : i32
        %dma_wait3A_104 = tpu.memref_slice %arg2[%add3A_53, %dma_wait3A_103] : memref<262144x128xf32, #tpu.memory_space<hbm>> -> memref<256x128xf32, #tpu.memory_space<hbm>>
        %dma_wait3A_105 = arith.constant 0 : i32
        %dma_wait3A_106 = tpu.memref_slice %arg2[%add3A_53, %dma_wait3A_105] : memref<262144x128xf32, #tpu.memory_space<hbm>> -> memref<256x128xf32, #tpu.memory_space<hbm>>
        tpu.wait_dma2 semaphore(%run_scoped3A : memref<!tpu.dma_semaphore, #tpu.memory_space<semaphore_mem>>) src(%dma_wait3A_106 : memref<256x128xf32, #tpu.memory_space<hbm>>) dst(%arg8 : memref<256x128xf32, #tpu.memory_space<vmem>>)
        tpu.yield
      }) : () -> ()
      %mul3A_54 = arith.constant 2 : i32
      %mul3A_55 = arith.muli %scan3A_49, %mul3A_54 : i32
      %add3A_56 = arith.constant 0 : i32
      %add3A_57 = arith.addi %mul3A_55, %add3A_56 : i32
      %dma_start3A_58 = arith.constant 0 : i32
      %dma_start3A_59 = arith.constant 0 : i32
      %dma_start3A_60 = tpu.memref_slice %arg8[%dma_start3A_58, %dma_start3A_59] : memref<256x128xf32, #tpu.memory_space<vmem>> -> memref<128x128xf32, #tpu.memory_space<vmem>>
      %dma_start3A_61 = arith.constant 0 : i32
      %dma_start3A_62 = tpu.memref_slice %arg7[%add3A_57, %dma_start3A_61] : memref<64x128xi32, #tpu.memory_space<vmem>> -> memref<1x128xi32, #tpu.memory_space<vmem>>
      %dma_start3A_63 = tpu.memref_squeeze %dma_start3A_62 : memref<1x128xi32, #tpu.memory_space<vmem>> -> memref<128xi32, #tpu.memory_space<vmem>>
      %dma_start3A_64 = arith.constant 0 : i32
      %dma_start3A_65 = arith.constant 0 : i32
      %dma_start3A_66 = tpu.memref_slice %arg5[%dma_start3A_64, %dma_start3A_65] : memref<262144x128xf32, #tpu.memory_space<hbm>> -> memref<262144x128xf32, #tpu.memory_space<hbm>>
      tpu.enqueue_indirect_dma source(%dma_start3A_60 : memref<128x128xf32, #tpu.memory_space<vmem>>) target(%dma_start3A_66 : memref<262144x128xf32, #tpu.memory_space<hbm>>) offsets(%dma_start3A_63 : memref<128xi32, #tpu.memory_space<vmem>>) semaphore(%arg11 : memref<!tpu.dma_semaphore, #tpu.memory_space<semaphore_mem>>)
      %dma_wait3A_67 = arith.constant 0 : i32
      %dma_wait3A_68 = arith.constant 0 : i32
      %dma_wait3A_69 = tpu.memref_slice %arg8[%dma_wait3A_67, %dma_wait3A_68] : memref<256x128xf32, #tpu.memory_space<vmem>> -> memref<128x128xf32, #tpu.memory_space<vmem>>
      %dma_wait3A_70 = arith.constant 0 : i32
      %dma_wait3A_71 = tpu.memref_slice %arg7[%add3A_57, %dma_wait3A_70] : memref<64x128xi32, #tpu.memory_space<vmem>> -> memref<1x128xi32, #tpu.memory_space<vmem>>
      %dma_wait3A_72 = tpu.memref_squeeze %dma_wait3A_71 : memref<1x128xi32, #tpu.memory_space<vmem>> -> memref<128xi32, #tpu.memory_space<vmem>>
      %dma_wait3A_73 = arith.constant 0 : i32
      %dma_wait3A_74 = arith.constant 0 : i32
      %dma_wait3A_75 = tpu.memref_slice %arg5[%dma_wait3A_73, %dma_wait3A_74] : memref<262144x128xf32, #tpu.memory_space<hbm>> -> memref<262144x128xf32, #tpu.memory_space<hbm>>
      tpu.wait_indirect_dma semaphore(%arg11 : memref<!tpu.dma_semaphore, #tpu.memory_space<semaphore_mem>>) src(%dma_wait3A_69 : memref<128x128xf32, #tpu.memory_space<vmem>>) dst(%dma_wait3A_75 : memref<262144x128xf32, #tpu.memory_space<hbm>>)
      %mul3A_76 = arith.constant 2 : i32
      %mul3A_77 = arith.muli %scan3A_49, %mul3A_76 : i32
      %add3A_78 = arith.constant 1 : i32
      %add3A_79 = arith.addi %mul3A_77, %add3A_78 : i32
      %dma_start3A_80 = arith.constant 128 : i32
      %dma_start3A_81 = arith.constant 0 : i32
      %dma_start3A_82 = tpu.memref_slice %arg8[%dma_start3A_80, %dma_start3A_81] : memref<256x128xf32, #tpu.memory_space<vmem>> -> memref<128x128xf32, #tpu.memory_space<vmem>>
      %dma_start3A_83 = arith.constant 0 : i32
      %dma_start3A_84 = tpu.memref_slice %arg7[%add3A_79, %dma_start3A_83] : memref<64x128xi32, #tpu.memory_space<vmem>> -> memref<1x128xi32, #tpu.memory_space<vmem>>
      %dma_start3A_85 = tpu.memref_squeeze %dma_start3A_84 : memref<1x128xi32, #tpu.memory_space<vmem>> -> memref<128xi32, #tpu.memory_space<vmem>>
      %dma_start3A_86 = arith.constant 0 : i32
      %dma_start3A_87 = arith.constant 0 : i32
      %dma_start3A_88 = tpu.memref_slice %arg5[%dma_start3A_86, %dma_start3A_87] : memref<262144x128xf32, #tpu.memory_space<hbm>> -> memref<262144x128xf32, #tpu.memory_space<hbm>>
      tpu.enqueue_indirect_dma source(%dma_start3A_82 : memref<128x128xf32, #tpu.memory_space<vmem>>) target(%dma_start3A_88 : memref<262144x128xf32, #tpu.memory_space<hbm>>) offsets(%dma_start3A_85 : memref<128xi32, #tpu.memory_space<vmem>>) semaphore(%arg11 : memref<!tpu.dma_semaphore, #tpu.memory_space<semaphore_mem>>)
      %dma_wait3A_89 = arith.constant 128 : i32
      %dma_wait3A_90 = arith.constant 0 : i32
      %dma_wait3A_91 = tpu.memref_slice %arg8[%dma_wait3A_89, %dma_wait3A_90] : memref<256x128xf32, #tpu.memory_space<vmem>> -> memref<128x128xf32, #tpu.memory_space<vmem>>
      %dma_wait3A_92 = arith.constant 0 : i32
      %dma_wait3A_93 = tpu.memref_slice %arg7[%add3A_79, %dma_wait3A_92] : memref<64x128xi32, #tpu.memory_space<vmem>> -> memref<1x128xi32, #tpu.memory_space<vmem>>
      %dma_wait3A_94 = tpu.memref_squeeze %dma_wait3A_93 : memref<1x128xi32, #tpu.memory_space<vmem>> -> memref<128xi32, #tpu.memory_space<vmem>>
      %dma_wait3A_95 = arith.constant 0 : i32
      %dma_wait3A_96 = arith.constant 0 : i32
      %dma_wait3A_97 = tpu.memref_slice %arg5[%dma_wait3A_95, %dma_wait3A_96] : memref<262144x128xf32, #tpu.memory_space<hbm>> -> memref<262144x128xf32, #tpu.memory_space<hbm>>
      tpu.wait_indirect_dma semaphore(%arg11 : memref<!tpu.dma_semaphore, #tpu.memory_space<semaphore_mem>>) src(%dma_wait3A_91 : memref<128x128xf32, #tpu.memory_space<vmem>>) dst(%dma_wait3A_97 : memref<262144x128xf32, #tpu.memory_space<hbm>>)
      %scan3A_98 = arith.constant 0 : i32
      scf.yield %scan3A_98 : i32
    }
    %scan3A_8 = arith.constant 32 : i32
    "tpu.region"() ({
      %run_scoped3A = tpu.sem_alloc : memref<!tpu.dma_semaphore, #tpu.memory_space<semaphore_mem>>
      %dma_start3A_49 = arith.constant 0 : i32
      %dma_start3A_50 = arith.constant 0 : i32
      %dma_start3A_51 = tpu.memref_slice %arg4[%add3A, %dma_start3A_49, %dma_start3A_50] : memref<32x2x128xi32, #tpu.memory_space<hbm>> -> memref<1x2x128xi32, #tpu.memory_space<hbm>>
      %dma_start3A_52 = tpu.memref_squeeze %dma_start3A_51 : memref<1x2x128xi32, #tpu.memory_space<hbm>> -> memref<2x128xi32, #tpu.memory_space<hbm>>
      %dma_start3A_53 = arith.constant 0 : i32
      %dma_start3A_54 = arith.constant 0 : i32
      %dma_start3A_55 = tpu.memref_slice %arg4[%add3A, %dma_start3A_53, %dma_start3A_54] : memref<32x2x128xi32, #tpu.memory_space<hbm>> -> memref<1x2x128xi32, #tpu.memory_space<hbm>>
      %dma_start3A_56 = tpu.memref_squeeze %dma_start3A_55 : memref<1x2x128xi32, #tpu.memory_space<hbm>> -> memref<2x128xi32, #tpu.memory_space<hbm>>
      tpu.enqueue_dma source(%dma_start3A_56 : memref<2x128xi32, #tpu.memory_space<hbm>>) target(%arg9 : memref<2x128xi32, #tpu.memory_space<vmem>>) target_semaphore(%run_scoped3A : memref<!tpu.dma_semaphore, #tpu.memory_space<semaphore_mem>>)
      %dma_wait3A_57 = arith.constant 0 : i32
      %dma_wait3A_58 = arith.constant 0 : i32
      %dma_wait3A_59 = tpu.memref_slice %arg4[%add3A, %dma_wait3A_57, %dma_wait3A_58] : memref<32x2x128xi32, #tpu.memory_space<hbm>> -> memref<1x2x128xi32, #tpu.memory_space<hbm>>
      %dma_wait3A_60 = tpu.memref_squeeze %dma_wait3A_59 : memref<1x2x128xi32, #tpu.memory_space<hbm>> -> memref<2x128xi32, #tpu.memory_space<hbm>>
      %dma_wait3A_61 = arith.constant 0 : i32
      %dma_wait3A_62 = arith.constant 0 : i32
      %dma_wait3A_63 = tpu.memref_slice %arg4[%add3A, %dma_wait3A_61, %dma_wait3A_62] : memref<32x2x128xi32, #tpu.memory_space<hbm>> -> memref<1x2x128xi32, #tpu.memory_space<hbm>>
      %dma_wait3A_64 = tpu.memref_squeeze %dma_wait3A_63 : memref<1x2x128xi32, #tpu.memory_space<hbm>> -> memref<2x128xi32, #tpu.memory_space<hbm>>
      tpu.wait_dma2 semaphore(%run_scoped3A : memref<!tpu.dma_semaphore, #tpu.memory_space<semaphore_mem>>) src(%dma_wait3A_64 : memref<2x128xi32, #tpu.memory_space<hbm>>) dst(%arg9 : memref<2x128xi32, #tpu.memory_space<vmem>>)
      tpu.yield
    }) : () -> ()
    %dma_start3A = arith.constant 0 : i32
    %dma_start3A_9 = arith.constant 0 : i32
    %dma_start3A_10 = arith.constant 0 : i32
    %dma_start3A_11 = tpu.memref_slice %arg10[%dma_start3A_9, %dma_start3A_10] : memref<256x128xf32, #tpu.memory_space<vmem>> -> memref<128x128xf32, #tpu.memory_space<vmem>>
    %dma_start3A_12 = arith.constant 0 : i32
    %dma_start3A_13 = tpu.memref_slice %arg9[%dma_start3A, %dma_start3A_12] : memref<2x128xi32, #tpu.memory_space<vmem>> -> memref<1x128xi32, #tpu.memory_space<vmem>>
    %dma_start3A_14 = tpu.memref_squeeze %dma_start3A_13 : memref<1x128xi32, #tpu.memory_space<vmem>> -> memref<128xi32, #tpu.memory_space<vmem>>
    %dma_start3A_15 = arith.constant 0 : i32
    %dma_start3A_16 = arith.constant 0 : i32
    %dma_start3A_17 = tpu.memref_slice %arg5[%dma_start3A_15, %dma_start3A_16] : memref<262144x128xf32, #tpu.memory_space<hbm>> -> memref<262144x128xf32, #tpu.memory_space<hbm>>
    tpu.enqueue_indirect_dma source(%dma_start3A_17 : memref<262144x128xf32, #tpu.memory_space<hbm>>) target(%dma_start3A_11 : memref<128x128xf32, #tpu.memory_space<vmem>>) offsets(%dma_start3A_14 : memref<128xi32, #tpu.memory_space<vmem>>) semaphore(%arg11 : memref<!tpu.dma_semaphore, #tpu.memory_space<semaphore_mem>>)
    %dma_wait3A = arith.constant 0 : i32
    %dma_wait3A_18 = arith.constant 0 : i32
    %dma_wait3A_19 = arith.constant 0 : i32
    %dma_wait3A_20 = tpu.memref_slice %arg10[%dma_wait3A_18, %dma_wait3A_19] : memref<256x128xf32, #tpu.memory_space<vmem>> -> memref<128x128xf32, #tpu.memory_space<vmem>>
    %dma_wait3A_21 = arith.constant 0 : i32
    %dma_wait3A_22 = tpu.memref_slice %arg9[%dma_wait3A, %dma_wait3A_21] : memref<2x128xi32, #tpu.memory_space<vmem>> -> memref<1x128xi32, #tpu.memory_space<vmem>>
    %dma_wait3A_23 = tpu.memref_squeeze %dma_wait3A_22 : memref<1x128xi32, #tpu.memory_space<vmem>> -> memref<128xi32, #tpu.memory_space<vmem>>
    %dma_wait3A_24 = arith.constant 0 : i32
    %dma_wait3A_25 = arith.constant 0 : i32
    %dma_wait3A_26 = tpu.memref_slice %arg5[%dma_wait3A_24, %dma_wait3A_25] : memref<262144x128xf32, #tpu.memory_space<hbm>> -> memref<262144x128xf32, #tpu.memory_space<hbm>>
    tpu.wait_indirect_dma semaphore(%arg11 : memref<!tpu.dma_semaphore, #tpu.memory_space<semaphore_mem>>) src(%dma_wait3A_26 : memref<262144x128xf32, #tpu.memory_space<hbm>>) dst(%dma_wait3A_20 : memref<128x128xf32, #tpu.memory_space<vmem>>)
    %dma_start3A_27 = arith.constant 1 : i32
    %dma_start3A_28 = arith.constant 128 : i32
    %dma_start3A_29 = arith.constant 0 : i32
    %dma_start3A_30 = tpu.memref_slice %arg10[%dma_start3A_28, %dma_start3A_29] : memref<256x128xf32, #tpu.memory_space<vmem>> -> memref<128x128xf32, #tpu.memory_space<vmem>>
    %dma_start3A_31 = arith.constant 0 : i32
    %dma_start3A_32 = tpu.memref_slice %arg9[%dma_start3A_27, %dma_start3A_31] : memref<2x128xi32, #tpu.memory_space<vmem>> -> memref<1x128xi32, #tpu.memory_space<vmem>>
    %dma_start3A_33 = tpu.memref_squeeze %dma_start3A_32 : memref<1x128xi32, #tpu.memory_space<vmem>> -> memref<128xi32, #tpu.memory_space<vmem>>
    %dma_start3A_34 = arith.constant 0 : i32
    %dma_start3A_35 = arith.constant 0 : i32
    %dma_start3A_36 = tpu.memref_slice %arg5[%dma_start3A_34, %dma_start3A_35] : memref<262144x128xf32, #tpu.memory_space<hbm>> -> memref<262144x128xf32, #tpu.memory_space<hbm>>
    tpu.enqueue_indirect_dma source(%dma_start3A_36 : memref<262144x128xf32, #tpu.memory_space<hbm>>) target(%dma_start3A_30 : memref<128x128xf32, #tpu.memory_space<vmem>>) offsets(%dma_start3A_33 : memref<128xi32, #tpu.memory_space<vmem>>) semaphore(%arg11 : memref<!tpu.dma_semaphore, #tpu.memory_space<semaphore_mem>>)
    %dma_wait3A_37 = arith.constant 1 : i32
    %dma_wait3A_38 = arith.constant 128 : i32
    %dma_wait3A_39 = arith.constant 0 : i32
    %dma_wait3A_40 = tpu.memref_slice %arg10[%dma_wait3A_38, %dma_wait3A_39] : memref<256x128xf32, #tpu.memory_space<vmem>> -> memref<128x128xf32, #tpu.memory_space<vmem>>
    %dma_wait3A_41 = arith.constant 0 : i32
    %dma_wait3A_42 = tpu.memref_slice %arg9[%dma_wait3A_37, %dma_wait3A_41] : memref<2x128xi32, #tpu.memory_space<vmem>> -> memref<1x128xi32, #tpu.memory_space<vmem>>
    %dma_wait3A_43 = tpu.memref_squeeze %dma_wait3A_42 : memref<1x128xi32, #tpu.memory_space<vmem>> -> memref<128xi32, #tpu.memory_space<vmem>>
    %dma_wait3A_44 = arith.constant 0 : i32
    %dma_wait3A_45 = arith.constant 0 : i32
    %dma_wait3A_46 = tpu.memref_slice %arg5[%dma_wait3A_44, %dma_wait3A_45] : memref<262144x128xf32, #tpu.memory_space<hbm>> -> memref<262144x128xf32, #tpu.memory_space<hbm>>
    tpu.wait_indirect_dma semaphore(%arg11 : memref<!tpu.dma_semaphore, #tpu.memory_space<semaphore_mem>>) src(%dma_wait3A_46 : memref<262144x128xf32, #tpu.memory_space<hbm>>) dst(%dma_wait3A_40 : memref<128x128xf32, #tpu.memory_space<vmem>>)
    %mul3A_47 = arith.constant 256 : i32
    %mul3A_48 = arith.muli %add3A, %mul3A_47 : i32
    "tpu.region"() ({
      %run_scoped3A = tpu.sem_alloc : memref<!tpu.dma_semaphore, #tpu.memory_space<semaphore_mem>>
      %dma_start3A_49 = arith.constant 0 : i32
      %dma_start3A_50 = tpu.memref_slice %arg6[%mul3A_48, %dma_start3A_49] : memref<8192x128xf32, #tpu.memory_space<hbm>> -> memref<256x128xf32, #tpu.memory_space<hbm>>
      %dma_start3A_51 = arith.constant 0 : i32
      %dma_start3A_52 = tpu.memref_slice %arg6[%mul3A_48, %dma_start3A_51] : memref<8192x128xf32, #tpu.memory_space<hbm>> -> memref<256x128xf32, #tpu.memory_space<hbm>>
      tpu.enqueue_dma source(%arg10 : memref<256x128xf32, #tpu.memory_space<vmem>>) target(%dma_start3A_52 : memref<256x128xf32, #tpu.memory_space<hbm>>) target_semaphore(%run_scoped3A : memref<!tpu.dma_semaphore, #tpu.memory_space<semaphore_mem>>)
      %dma_wait3A_53 = arith.constant 0 : i32
      %dma_wait3A_54 = tpu.memref_slice %arg6[%mul3A_48, %dma_wait3A_53] : memref<8192x128xf32, #tpu.memory_space<hbm>> -> memref<256x128xf32, #tpu.memory_space<hbm>>
      %dma_wait3A_55 = arith.constant 0 : i32
      %dma_wait3A_56 = tpu.memref_slice %arg6[%mul3A_48, %dma_wait3A_55] : memref<8192x128xf32, #tpu.memory_space<hbm>> -> memref<256x128xf32, #tpu.memory_space<hbm>>
      tpu.wait_dma2 semaphore(%run_scoped3A : memref<!tpu.dma_semaphore, #tpu.memory_space<semaphore_mem>>) src(%arg10 : memref<256x128xf32, #tpu.memory_space<vmem>>) dst(%dma_wait3A_56 : memref<256x128xf32, #tpu.memory_space<hbm>>)
      tpu.yield
    }) : () -> ()
    return
  }
}

module attributes {stable_mosaic.version = 14 : i64} {
  func.func @_hashq_body(%arg0: i32, %arg1: memref<1x8192x64xf32, #tpu.memory_space<vmem>>, %arg2: memref<64x128xf32, #tpu.memory_space<vmem>>, %arg3: memref<1x1x8192xi32, #tpu.memory_space<vmem>>, %arg4: memref<1x8192x128xf32, #tpu.memory_space<vmem>>) attributes {dimension_semantics = [#tpu.dimension_semantics<arbitrary>], iteration_bounds = array<i64: 32>, scalar_prefetch = 0 : i64, scratch_operands = 0 : i64, tpu.core_type = #tpu.core_type<tc>, window_params = [{transform_indices = @transform_0, window_bounds = array<i64: 1, 8192, 64>}, {pipeline_mode = #tpu.pipeline_mode<synchronous>, transform_indices = @transform_1, window_bounds = array<i64: 64, 128>}, {transform_indices = @transform_2, window_bounds = array<i64: 1, 1, 8192>}, {transform_indices = @transform_3, window_bounds = array<i64: 1, 8192, 128>}]} {
    %get3A = arith.constant 0 : index
    %get3A_0 = arith.constant 0 : index
    %get3A_1 = vector.load %arg2[%get3A, %get3A_0] : memref<64x128xf32, #tpu.memory_space<vmem>>, vector<64x128xf32>
    %iota3A = tpu.iota {dimensions = array<i32: 1>} : vector<8192x128xi32>
    %iota3A_2 = tpu.iota {dimensions = array<i32: 0>} : vector<128x128xi32>
    %lt3A = arith.constant 7 : i32
    %lt3A_3 = vector.broadcast %lt3A : i32 to vector<128x128xi32>
    %lt3A_4 = arith.cmpi slt, %iota3A_2, %lt3A_3 : vector<128x128xi32>
    %min3A = arith.constant 6 : i32
    %min3A_5 = vector.broadcast %min3A : i32 to vector<128x128xi32>
    %min3A_6 = arith.minsi %iota3A_2, %min3A_5 : vector<128x128xi32>
    %shift_left3A = arith.constant 1 : i32
    %shift_left3A_7 = vector.broadcast %shift_left3A : i32 to vector<128x128xi32>
    %shift_left3A_8 = arith.shli %shift_left3A_7, %min3A_6 : vector<128x128xi32>
    %jit3A = arith.constant 0 : i32
    %broadcast_in_dim3A = vector.broadcast %jit3A : i32 to vector<128x128xi32>
    %select_n3A = arith.select %lt3A_4, %shift_left3A_8, %broadcast_in_dim3A : vector<128x128xi1>, vector<128x128xi32>
    %convert_element_type3A = arith.sitofp %select_n3A : vector<128x128xi32> to vector<128x128xbf16>
    %iota3A_9 = tpu.iota {dimensions = array<i32: 0>} : vector<512x512xi32>
    %iota3A_10 = tpu.iota {dimensions = array<i32: 1>} : vector<512x512xi32>
    %le3A = arith.cmpi sle, %iota3A_9, %iota3A_10 : vector<512x512xi32>
    %convert_element_type3A_11 = arith.extui %le3A : vector<512x512xi1> to vector<512x512xi32>
    %convert_element_type3A_12 = arith.sitofp %convert_element_type3A_11 : vector<512x512xi32> to vector<512x512xf32>
    %iota3A_13 = tpu.iota {dimensions = array<i32: 0>} : vector<128x128xi32>
    %iota3A_14 = tpu.iota {dimensions = array<i32: 1>} : vector<128x128xi32>
    %lt3A_15 = arith.cmpi slt, %iota3A_13, %iota3A_14 : vector<128x128xi32>
    %convert_element_type3A_16 = arith.extui %lt3A_15 : vector<128x128xi1> to vector<128x128xi32>
    %convert_element_type3A_17 = arith.sitofp %convert_element_type3A_16 : vector<128x128xi32> to vector<128x128xf32>
    %broadcast_in_dim3A_18 = arith.constant 1.000000e+00 : bf16
    %broadcast_in_dim3A_19 = vector.broadcast %broadcast_in_dim3A_18 : bf16 to vector<1x8192xbf16>
    %broadcast_in_dim3A_20 = arith.constant 1.000000e+00 : f32
    %broadcast_in_dim3A_21 = vector.broadcast %broadcast_in_dim3A_20 : f32 to vector<1x512xf32>
    %get3A_22 = arith.constant 0 : index
    %get3A_23 = arith.constant 0 : index
    %get3A_24 = arith.constant 0 : index
    %get3A_25 = vector.load %arg1[%get3A_22, %get3A_23, %get3A_24] : memref<1x8192x64xf32, #tpu.memory_space<vmem>>, vector<1x8192x64xf32>
    %get3A_26 = vector.shape_cast %get3A_25 : vector<1x8192x64xf32> to vector<8192x64xf32>
    %dot_general3A = arith.constant dense<0.000000e+00> : vector<8192x128xf32>
    %dot_general3A_27 = tpu.matmul %get3A_26, %get3A_1, %dot_general3A {dimension_numbers = #tpu.dot_dimension_numbers<[1], [0], [0], [1], [0, 0, 1, 1], [], []>, transpose_lhs_hint = false} : vector<8192x64xf32>, vector<64x128xf32>, vector<8192x128xf32> -> vector<8192x128xf32>
    %gt3A = arith.constant 0.000000e+00 : f32
    %gt3A_28 = vector.broadcast %gt3A : f32 to vector<8192x128xf32>
    %gt3A_29 = arith.cmpf ogt, %dot_general3A_27, %gt3A_28 : vector<8192x128xf32>
    %convert_element_type3A_30 = arith.extui %gt3A_29 : vector<8192x128xi1> to vector<8192x128xi32>
    %convert_element_type3A_31 = arith.sitofp %convert_element_type3A_30 : vector<8192x128xi32> to vector<8192x128xf32>
    %convert_element_type3A_32 = arith.truncf %convert_element_type3A_31 : vector<8192x128xf32> to vector<8192x128xbf16>
    %dot_general3A_33 = arith.constant dense<0.000000e+00> : vector<8192x128xf32>
    %dot_general3A_34 = tpu.matmul %convert_element_type3A_32, %convert_element_type3A, %dot_general3A_33 {dimension_numbers = #tpu.dot_dimension_numbers<[1], [0], [0], [1], [0, 0, 1, 1], [], []>, transpose_lhs_hint = false} : vector<8192x128xbf16>, vector<128x128xbf16>, vector<8192x128xf32> -> vector<8192x128xf32>
    %convert_element_type3A_35 = arith.fptosi %dot_general3A_34 : vector<8192x128xf32> to vector<8192x128xi32>
    %shift_right_arithmetic3A = arith.constant 1 : i32
    %shift_right_arithmetic3A_36 = vector.broadcast %shift_right_arithmetic3A : i32 to vector<8192x128xi32>
    %shift_right_arithmetic3A_37 = arith.shrsi %convert_element_type3A_35, %shift_right_arithmetic3A_36 : vector<8192x128xi32>
    %xor3A = arith.xori %convert_element_type3A_35, %shift_right_arithmetic3A_37 : vector<8192x128xi32>
    %eq3A = arith.cmpi eq, %xor3A, %iota3A : vector<8192x128xi32>
    %convert_element_type3A_38 = arith.extui %eq3A : vector<8192x128xi1> to vector<8192x128xi32>
    %convert_element_type3A_39 = arith.sitofp %convert_element_type3A_38 : vector<8192x128xi32> to vector<8192x128xf32>
    %convert_element_type3A_40 = arith.truncf %convert_element_type3A_39 : vector<8192x128xf32> to vector<8192x128xbf16>
    %dot_general3A_41 = arith.constant dense<0.000000e+00> : vector<1x128xf32>
    %dot_general3A_42 = tpu.matmul %broadcast_in_dim3A_19, %convert_element_type3A_40, %dot_general3A_41 {dimension_numbers = #tpu.dot_dimension_numbers<[1], [0], [0], [1], [0, 0, 1, 1], [], []>, transpose_lhs_hint = false} : vector<1x8192xbf16>, vector<8192x128xbf16>, vector<1x128xf32> -> vector<1x128xf32>
    %dot_general3A_43 = arith.constant dense<0.000000e+00> : vector<1x128xf32>
    %dot_general3A_44 = tpu.matmul %dot_general3A_42, %convert_element_type3A_17, %dot_general3A_43 {dimension_numbers = #tpu.dot_dimension_numbers<[1], [0], [0], [1], [0, 0, 1, 1], [], []>, transpose_lhs_hint = false} : vector<1x128xf32>, vector<128x128xf32>, vector<1x128xf32> -> vector<1x128xf32>
    %broadcast_in_dim3A_45 = arith.constant 0.000000e+00 : f32
    %broadcast_in_dim3A_46 = vector.broadcast %broadcast_in_dim3A_45 : f32 to vector<1x128xf32>
    %slice3A = vector.extract_strided_slice %convert_element_type3A_40 {offsets = [0, 0], sizes = [512, 128], strides = [1, 1]} : vector<8192x128xbf16> to vector<512x128xbf16>
    %convert_element_type3A_47 = arith.extf %slice3A : vector<512x128xbf16> to vector<512x128xf32>
    %dot_general3A_48 = arith.constant dense<0.000000e+00> : vector<512x512xf32>
    %dot_general3A_49 = tpu.matmul %slice3A, %slice3A, %dot_general3A_48 {dimension_numbers = #tpu.dot_dimension_numbers<[1], [1], [0], [0], [0, 0, 1, 0], [], []>, transpose_lhs_hint = false} : vector<512x128xbf16>, vector<512x128xbf16>, vector<512x512xf32> -> vector<512x512xf32>
    %mul3A = arith.mulf %dot_general3A_49, %convert_element_type3A_12 : vector<512x512xf32>
    %dot_general3A_50 = arith.constant dense<0.000000e+00> : vector<1x512xf32>
    %dot_general3A_51 = tpu.matmul %broadcast_in_dim3A_21, %mul3A, %dot_general3A_50 {dimension_numbers = #tpu.dot_dimension_numbers<[1], [0], [0], [1], [0, 0, 1, 1], [], []>, transpose_lhs_hint = false} : vector<1x512xf32>, vector<512x512xf32>, vector<1x512xf32> -> vector<1x512xf32>
    %add3A = arith.addf %dot_general3A_44, %broadcast_in_dim3A_46 : vector<1x128xf32>
    %dot_general3A_52 = arith.constant dense<0.000000e+00> : vector<1x512xf32>
    %dot_general3A_53 = tpu.matmul %add3A, %convert_element_type3A_47, %dot_general3A_52 {dimension_numbers = #tpu.dot_dimension_numbers<[1], [1], [0], [0], [0, 0, 1, 0], [], []>, transpose_lhs_hint = false} : vector<1x128xf32>, vector<512x128xf32>, vector<1x512xf32> -> vector<1x512xf32>
    %add3A_54 = arith.addf %dot_general3A_51, %dot_general3A_53 : vector<1x512xf32>
    %sub3A = arith.constant 1.000000e+00 : f32
    %sub3A_55 = vector.broadcast %sub3A : f32 to vector<1x512xf32>
    %sub3A_56 = arith.subf %add3A_54, %sub3A_55 : vector<1x512xf32>
    %dot_general3A_57 = arith.constant dense<0.000000e+00> : vector<1x128xf32>
    %dot_general3A_58 = tpu.matmul %broadcast_in_dim3A_21, %convert_element_type3A_47, %dot_general3A_57 {dimension_numbers = #tpu.dot_dimension_numbers<[1], [0], [0], [1], [0, 0, 1, 1], [], []>, transpose_lhs_hint = false} : vector<1x512xf32>, vector<512x128xf32>, vector<1x128xf32> -> vector<1x128xf32>
    %add3A_59 = arith.addf %broadcast_in_dim3A_46, %dot_general3A_58 : vector<1x128xf32>
    %convert_element_type3A_60 = arith.fptosi %sub3A_56 : vector<1x512xf32> to vector<1x512xi32>
    %slice3A_61 = vector.extract_strided_slice %convert_element_type3A_40 {offsets = [512, 0], sizes = [512, 128], strides = [1, 1]} : vector<8192x128xbf16> to vector<512x128xbf16>
    %convert_element_type3A_62 = arith.extf %slice3A_61 : vector<512x128xbf16> to vector<512x128xf32>
    %dot_general3A_63 = arith.constant dense<0.000000e+00> : vector<512x512xf32>
    %dot_general3A_64 = tpu.matmul %slice3A_61, %slice3A_61, %dot_general3A_63 {dimension_numbers = #tpu.dot_dimension_numbers<[1], [1], [0], [0], [0, 0, 1, 0], [], []>, transpose_lhs_hint = false} : vector<512x128xbf16>, vector<512x128xbf16>, vector<512x512xf32> -> vector<512x512xf32>
    %mul3A_65 = arith.mulf %dot_general3A_64, %convert_element_type3A_12 : vector<512x512xf32>
    %dot_general3A_66 = arith.constant dense<0.000000e+00> : vector<1x512xf32>
    %dot_general3A_67 = tpu.matmul %broadcast_in_dim3A_21, %mul3A_65, %dot_general3A_66 {dimension_numbers = #tpu.dot_dimension_numbers<[1], [0], [0], [1], [0, 0, 1, 1], [], []>, transpose_lhs_hint = false} : vector<1x512xf32>, vector<512x512xf32>, vector<1x512xf32> -> vector<1x512xf32>
    %add3A_68 = arith.addf %dot_general3A_44, %add3A_59 : vector<1x128xf32>
    %dot_general3A_69 = arith.constant dense<0.000000e+00> : vector<1x512xf32>
    %dot_general3A_70 = tpu.matmul %add3A_68, %convert_element_type3A_62, %dot_general3A_69 {dimension_numbers = #tpu.dot_dimension_numbers<[1], [1], [0], [0], [0, 0, 1, 0], [], []>, transpose_lhs_hint = false} : vector<1x128xf32>, vector<512x128xf32>, vector<1x512xf32> -> vector<1x512xf32>
    %add3A_71 = arith.addf %dot_general3A_67, %dot_general3A_70 : vector<1x512xf32>
    %sub3A_72 = arith.constant 1.000000e+00 : f32
    %sub3A_73 = vector.broadcast %sub3A_72 : f32 to vector<1x512xf32>
    %sub3A_74 = arith.subf %add3A_71, %sub3A_73 : vector<1x512xf32>
    %dot_general3A_75 = arith.constant dense<0.000000e+00> : vector<1x128xf32>
    %dot_general3A_76 = tpu.matmul %broadcast_in_dim3A_21, %convert_element_type3A_62, %dot_general3A_75 {dimension_numbers = #tpu.dot_dimension_numbers<[1], [0], [0], [1], [0, 0, 1, 1], [], []>, transpose_lhs_hint = false} : vector<1x512xf32>, vector<512x128xf32>, vector<1x128xf32> -> vector<1x128xf32>
    %add3A_77 = arith.addf %add3A_59, %dot_general3A_76 : vector<1x128xf32>
    %convert_element_type3A_78 = arith.fptosi %sub3A_74 : vector<1x512xf32> to vector<1x512xi32>
    %slice3A_79 = vector.extract_strided_slice %convert_element_type3A_40 {offsets = [1024, 0], sizes = [512, 128], strides = [1, 1]} : vector<8192x128xbf16> to vector<512x128xbf16>
    %convert_element_type3A_80 = arith.extf %slice3A_79 : vector<512x128xbf16> to vector<512x128xf32>
    %dot_general3A_81 = arith.constant dense<0.000000e+00> : vector<512x512xf32>
    %dot_general3A_82 = tpu.matmul %slice3A_79, %slice3A_79, %dot_general3A_81 {dimension_numbers = #tpu.dot_dimension_numbers<[1], [1], [0], [0], [0, 0, 1, 0], [], []>, transpose_lhs_hint = false} : vector<512x128xbf16>, vector<512x128xbf16>, vector<512x512xf32> -> vector<512x512xf32>
    %mul3A_83 = arith.mulf %dot_general3A_82, %convert_element_type3A_12 : vector<512x512xf32>
    %dot_general3A_84 = arith.constant dense<0.000000e+00> : vector<1x512xf32>
    %dot_general3A_85 = tpu.matmul %broadcast_in_dim3A_21, %mul3A_83, %dot_general3A_84 {dimension_numbers = #tpu.dot_dimension_numbers<[1], [0], [0], [1], [0, 0, 1, 1], [], []>, transpose_lhs_hint = false} : vector<1x512xf32>, vector<512x512xf32>, vector<1x512xf32> -> vector<1x512xf32>
    %add3A_86 = arith.addf %dot_general3A_44, %add3A_77 : vector<1x128xf32>
    %dot_general3A_87 = arith.constant dense<0.000000e+00> : vector<1x512xf32>
    %dot_general3A_88 = tpu.matmul %add3A_86, %convert_element_type3A_80, %dot_general3A_87 {dimension_numbers = #tpu.dot_dimension_numbers<[1], [1], [0], [0], [0, 0, 1, 0], [], []>, transpose_lhs_hint = false} : vector<1x128xf32>, vector<512x128xf32>, vector<1x512xf32> -> vector<1x512xf32>
    %add3A_89 = arith.addf %dot_general3A_85, %dot_general3A_88 : vector<1x512xf32>
    %sub3A_90 = arith.constant 1.000000e+00 : f32
    %sub3A_91 = vector.broadcast %sub3A_90 : f32 to vector<1x512xf32>
    %sub3A_92 = arith.subf %add3A_89, %sub3A_91 : vector<1x512xf32>
    %dot_general3A_93 = arith.constant dense<0.000000e+00> : vector<1x128xf32>
    %dot_general3A_94 = tpu.matmul %broadcast_in_dim3A_21, %convert_element_type3A_80, %dot_general3A_93 {dimension_numbers = #tpu.dot_dimension_numbers<[1], [0], [0], [1], [0, 0, 1, 1], [], []>, transpose_lhs_hint = false} : vector<1x512xf32>, vector<512x128xf32>, vector<1x128xf32> -> vector<1x128xf32>
    %add3A_95 = arith.addf %add3A_77, %dot_general3A_94 : vector<1x128xf32>
    %convert_element_type3A_96 = arith.fptosi %sub3A_92 : vector<1x512xf32> to vector<1x512xi32>
    %slice3A_97 = vector.extract_strided_slice %convert_element_type3A_40 {offsets = [1536, 0], sizes = [512, 128], strides = [1, 1]} : vector<8192x128xbf16> to vector<512x128xbf16>
    %convert_element_type3A_98 = arith.extf %slice3A_97 : vector<512x128xbf16> to vector<512x128xf32>
    %dot_general3A_99 = arith.constant dense<0.000000e+00> : vector<512x512xf32>
    %dot_general3A_100 = tpu.matmul %slice3A_97, %slice3A_97, %dot_general3A_99 {dimension_numbers = #tpu.dot_dimension_numbers<[1], [1], [0], [0], [0, 0, 1, 0], [], []>, transpose_lhs_hint = false} : vector<512x128xbf16>, vector<512x128xbf16>, vector<512x512xf32> -> vector<512x512xf32>
    %mul3A_101 = arith.mulf %dot_general3A_100, %convert_element_type3A_12 : vector<512x512xf32>
    %dot_general3A_102 = arith.constant dense<0.000000e+00> : vector<1x512xf32>
    %dot_general3A_103 = tpu.matmul %broadcast_in_dim3A_21, %mul3A_101, %dot_general3A_102 {dimension_numbers = #tpu.dot_dimension_numbers<[1], [0], [0], [1], [0, 0, 1, 1], [], []>, transpose_lhs_hint = false} : vector<1x512xf32>, vector<512x512xf32>, vector<1x512xf32> -> vector<1x512xf32>
    %add3A_104 = arith.addf %dot_general3A_44, %add3A_95 : vector<1x128xf32>
    %dot_general3A_105 = arith.constant dense<0.000000e+00> : vector<1x512xf32>
    %dot_general3A_106 = tpu.matmul %add3A_104, %convert_element_type3A_98, %dot_general3A_105 {dimension_numbers = #tpu.dot_dimension_numbers<[1], [1], [0], [0], [0, 0, 1, 0], [], []>, transpose_lhs_hint = false} : vector<1x128xf32>, vector<512x128xf32>, vector<1x512xf32> -> vector<1x512xf32>
    %add3A_107 = arith.addf %dot_general3A_103, %dot_general3A_106 : vector<1x512xf32>
    %sub3A_108 = arith.constant 1.000000e+00 : f32
    %sub3A_109 = vector.broadcast %sub3A_108 : f32 to vector<1x512xf32>
    %sub3A_110 = arith.subf %add3A_107, %sub3A_109 : vector<1x512xf32>
    %dot_general3A_111 = arith.constant dense<0.000000e+00> : vector<1x128xf32>
    %dot_general3A_112 = tpu.matmul %broadcast_in_dim3A_21, %convert_element_type3A_98, %dot_general3A_111 {dimension_numbers = #tpu.dot_dimension_numbers<[1], [0], [0], [1], [0, 0, 1, 1], [], []>, transpose_lhs_hint = false} : vector<1x512xf32>, vector<512x128xf32>, vector<1x128xf32> -> vector<1x128xf32>
    %add3A_113 = arith.addf %add3A_95, %dot_general3A_112 : vector<1x128xf32>
    %convert_element_type3A_114 = arith.fptosi %sub3A_110 : vector<1x512xf32> to vector<1x512xi32>
    %slice3A_115 = vector.extract_strided_slice %convert_element_type3A_40 {offsets = [2048, 0], sizes = [512, 128], strides = [1, 1]} : vector<8192x128xbf16> to vector<512x128xbf16>
    %convert_element_type3A_116 = arith.extf %slice3A_115 : vector<512x128xbf16> to vector<512x128xf32>
    %dot_general3A_117 = arith.constant dense<0.000000e+00> : vector<512x512xf32>
    %dot_general3A_118 = tpu.matmul %slice3A_115, %slice3A_115, %dot_general3A_117 {dimension_numbers = #tpu.dot_dimension_numbers<[1], [1], [0], [0], [0, 0, 1, 0], [], []>, transpose_lhs_hint = false} : vector<512x128xbf16>, vector<512x128xbf16>, vector<512x512xf32> -> vector<512x512xf32>
    %mul3A_119 = arith.mulf %dot_general3A_118, %convert_element_type3A_12 : vector<512x512xf32>
    %dot_general3A_120 = arith.constant dense<0.000000e+00> : vector<1x512xf32>
    %dot_general3A_121 = tpu.matmul %broadcast_in_dim3A_21, %mul3A_119, %dot_general3A_120 {dimension_numbers = #tpu.dot_dimension_numbers<[1], [0], [0], [1], [0, 0, 1, 1], [], []>, transpose_lhs_hint = false} : vector<1x512xf32>, vector<512x512xf32>, vector<1x512xf32> -> vector<1x512xf32>
    %add3A_122 = arith.addf %dot_general3A_44, %add3A_113 : vector<1x128xf32>
    %dot_general3A_123 = arith.constant dense<0.000000e+00> : vector<1x512xf32>
    %dot_general3A_124 = tpu.matmul %add3A_122, %convert_element_type3A_116, %dot_general3A_123 {dimension_numbers = #tpu.dot_dimension_numbers<[1], [1], [0], [0], [0, 0, 1, 0], [], []>, transpose_lhs_hint = false} : vector<1x128xf32>, vector<512x128xf32>, vector<1x512xf32> -> vector<1x512xf32>
    %add3A_125 = arith.addf %dot_general3A_121, %dot_general3A_124 : vector<1x512xf32>
    %sub3A_126 = arith.constant 1.000000e+00 : f32
    %sub3A_127 = vector.broadcast %sub3A_126 : f32 to vector<1x512xf32>
    %sub3A_128 = arith.subf %add3A_125, %sub3A_127 : vector<1x512xf32>
    %dot_general3A_129 = arith.constant dense<0.000000e+00> : vector<1x128xf32>
    %dot_general3A_130 = tpu.matmul %broadcast_in_dim3A_21, %convert_element_type3A_116, %dot_general3A_129 {dimension_numbers = #tpu.dot_dimension_numbers<[1], [0], [0], [1], [0, 0, 1, 1], [], []>, transpose_lhs_hint = false} : vector<1x512xf32>, vector<512x128xf32>, vector<1x128xf32> -> vector<1x128xf32>
    %add3A_131 = arith.addf %add3A_113, %dot_general3A_130 : vector<1x128xf32>
    %convert_element_type3A_132 = arith.fptosi %sub3A_128 : vector<1x512xf32> to vector<1x512xi32>
    %slice3A_133 = vector.extract_strided_slice %convert_element_type3A_40 {offsets = [2560, 0], sizes = [512, 128], strides = [1, 1]} : vector<8192x128xbf16> to vector<512x128xbf16>
    %convert_element_type3A_134 = arith.extf %slice3A_133 : vector<512x128xbf16> to vector<512x128xf32>
    %dot_general3A_135 = arith.constant dense<0.000000e+00> : vector<512x512xf32>
    %dot_general3A_136 = tpu.matmul %slice3A_133, %slice3A_133, %dot_general3A_135 {dimension_numbers = #tpu.dot_dimension_numbers<[1], [1], [0], [0], [0, 0, 1, 0], [], []>, transpose_lhs_hint = false} : vector<512x128xbf16>, vector<512x128xbf16>, vector<512x512xf32> -> vector<512x512xf32>
    %mul3A_137 = arith.mulf %dot_general3A_136, %convert_element_type3A_12 : vector<512x512xf32>
    %dot_general3A_138 = arith.constant dense<0.000000e+00> : vector<1x512xf32>
    %dot_general3A_139 = tpu.matmul %broadcast_in_dim3A_21, %mul3A_137, %dot_general3A_138 {dimension_numbers = #tpu.dot_dimension_numbers<[1], [0], [0], [1], [0, 0, 1, 1], [], []>, transpose_lhs_hint = false} : vector<1x512xf32>, vector<512x512xf32>, vector<1x512xf32> -> vector<1x512xf32>
    %add3A_140 = arith.addf %dot_general3A_44, %add3A_131 : vector<1x128xf32>
    %dot_general3A_141 = arith.constant dense<0.000000e+00> : vector<1x512xf32>
    %dot_general3A_142 = tpu.matmul %add3A_140, %convert_element_type3A_134, %dot_general3A_141 {dimension_numbers = #tpu.dot_dimension_numbers<[1], [1], [0], [0], [0, 0, 1, 0], [], []>, transpose_lhs_hint = false} : vector<1x128xf32>, vector<512x128xf32>, vector<1x512xf32> -> vector<1x512xf32>
    %add3A_143 = arith.addf %dot_general3A_139, %dot_general3A_142 : vector<1x512xf32>
    %sub3A_144 = arith.constant 1.000000e+00 : f32
    %sub3A_145 = vector.broadcast %sub3A_144 : f32 to vector<1x512xf32>
    %sub3A_146 = arith.subf %add3A_143, %sub3A_145 : vector<1x512xf32>
    %dot_general3A_147 = arith.constant dense<0.000000e+00> : vector<1x128xf32>
    %dot_general3A_148 = tpu.matmul %broadcast_in_dim3A_21, %convert_element_type3A_134, %dot_general3A_147 {dimension_numbers = #tpu.dot_dimension_numbers<[1], [0], [0], [1], [0, 0, 1, 1], [], []>, transpose_lhs_hint = false} : vector<1x512xf32>, vector<512x128xf32>, vector<1x128xf32> -> vector<1x128xf32>
    %add3A_149 = arith.addf %add3A_131, %dot_general3A_148 : vector<1x128xf32>
    %convert_element_type3A_150 = arith.fptosi %sub3A_146 : vector<1x512xf32> to vector<1x512xi32>
    %slice3A_151 = vector.extract_strided_slice %convert_element_type3A_40 {offsets = [3072, 0], sizes = [512, 128], strides = [1, 1]} : vector<8192x128xbf16> to vector<512x128xbf16>
    %convert_element_type3A_152 = arith.extf %slice3A_151 : vector<512x128xbf16> to vector<512x128xf32>
    %dot_general3A_153 = arith.constant dense<0.000000e+00> : vector<512x512xf32>
    %dot_general3A_154 = tpu.matmul %slice3A_151, %slice3A_151, %dot_general3A_153 {dimension_numbers = #tpu.dot_dimension_numbers<[1], [1], [0], [0], [0, 0, 1, 0], [], []>, transpose_lhs_hint = false} : vector<512x128xbf16>, vector<512x128xbf16>, vector<512x512xf32> -> vector<512x512xf32>
    %mul3A_155 = arith.mulf %dot_general3A_154, %convert_element_type3A_12 : vector<512x512xf32>
    %dot_general3A_156 = arith.constant dense<0.000000e+00> : vector<1x512xf32>
    %dot_general3A_157 = tpu.matmul %broadcast_in_dim3A_21, %mul3A_155, %dot_general3A_156 {dimension_numbers = #tpu.dot_dimension_numbers<[1], [0], [0], [1], [0, 0, 1, 1], [], []>, transpose_lhs_hint = false} : vector<1x512xf32>, vector<512x512xf32>, vector<1x512xf32> -> vector<1x512xf32>
    %add3A_158 = arith.addf %dot_general3A_44, %add3A_149 : vector<1x128xf32>
    %dot_general3A_159 = arith.constant dense<0.000000e+00> : vector<1x512xf32>
    %dot_general3A_160 = tpu.matmul %add3A_158, %convert_element_type3A_152, %dot_general3A_159 {dimension_numbers = #tpu.dot_dimension_numbers<[1], [1], [0], [0], [0, 0, 1, 0], [], []>, transpose_lhs_hint = false} : vector<1x128xf32>, vector<512x128xf32>, vector<1x512xf32> -> vector<1x512xf32>
    %add3A_161 = arith.addf %dot_general3A_157, %dot_general3A_160 : vector<1x512xf32>
    %sub3A_162 = arith.constant 1.000000e+00 : f32
    %sub3A_163 = vector.broadcast %sub3A_162 : f32 to vector<1x512xf32>
    %sub3A_164 = arith.subf %add3A_161, %sub3A_163 : vector<1x512xf32>
    %dot_general3A_165 = arith.constant dense<0.000000e+00> : vector<1x128xf32>
    %dot_general3A_166 = tpu.matmul %broadcast_in_dim3A_21, %convert_element_type3A_152, %dot_general3A_165 {dimension_numbers = #tpu.dot_dimension_numbers<[1], [0], [0], [1], [0, 0, 1, 1], [], []>, transpose_lhs_hint = false} : vector<1x512xf32>, vector<512x128xf32>, vector<1x128xf32> -> vector<1x128xf32>
    %add3A_167 = arith.addf %add3A_149, %dot_general3A_166 : vector<1x128xf32>
    %convert_element_type3A_168 = arith.fptosi %sub3A_164 : vector<1x512xf32> to vector<1x512xi32>
    %slice3A_169 = vector.extract_strided_slice %convert_element_type3A_40 {offsets = [3584, 0], sizes = [512, 128], strides = [1, 1]} : vector<8192x128xbf16> to vector<512x128xbf16>
    %convert_element_type3A_170 = arith.extf %slice3A_169 : vector<512x128xbf16> to vector<512x128xf32>
    %dot_general3A_171 = arith.constant dense<0.000000e+00> : vector<512x512xf32>
    %dot_general3A_172 = tpu.matmul %slice3A_169, %slice3A_169, %dot_general3A_171 {dimension_numbers = #tpu.dot_dimension_numbers<[1], [1], [0], [0], [0, 0, 1, 0], [], []>, transpose_lhs_hint = false} : vector<512x128xbf16>, vector<512x128xbf16>, vector<512x512xf32> -> vector<512x512xf32>
    %mul3A_173 = arith.mulf %dot_general3A_172, %convert_element_type3A_12 : vector<512x512xf32>
    %dot_general3A_174 = arith.constant dense<0.000000e+00> : vector<1x512xf32>
    %dot_general3A_175 = tpu.matmul %broadcast_in_dim3A_21, %mul3A_173, %dot_general3A_174 {dimension_numbers = #tpu.dot_dimension_numbers<[1], [0], [0], [1], [0, 0, 1, 1], [], []>, transpose_lhs_hint = false} : vector<1x512xf32>, vector<512x512xf32>, vector<1x512xf32> -> vector<1x512xf32>
    %add3A_176 = arith.addf %dot_general3A_44, %add3A_167 : vector<1x128xf32>
    %dot_general3A_177 = arith.constant dense<0.000000e+00> : vector<1x512xf32>
    %dot_general3A_178 = tpu.matmul %add3A_176, %convert_element_type3A_170, %dot_general3A_177 {dimension_numbers = #tpu.dot_dimension_numbers<[1], [1], [0], [0], [0, 0, 1, 0], [], []>, transpose_lhs_hint = false} : vector<1x128xf32>, vector<512x128xf32>, vector<1x512xf32> -> vector<1x512xf32>
    %add3A_179 = arith.addf %dot_general3A_175, %dot_general3A_178 : vector<1x512xf32>
    %sub3A_180 = arith.constant 1.000000e+00 : f32
    %sub3A_181 = vector.broadcast %sub3A_180 : f32 to vector<1x512xf32>
    %sub3A_182 = arith.subf %add3A_179, %sub3A_181 : vector<1x512xf32>
    %dot_general3A_183 = arith.constant dense<0.000000e+00> : vector<1x128xf32>
    %dot_general3A_184 = tpu.matmul %broadcast_in_dim3A_21, %convert_element_type3A_170, %dot_general3A_183 {dimension_numbers = #tpu.dot_dimension_numbers<[1], [0], [0], [1], [0, 0, 1, 1], [], []>, transpose_lhs_hint = false} : vector<1x512xf32>, vector<512x128xf32>, vector<1x128xf32> -> vector<1x128xf32>
    %add3A_185 = arith.addf %add3A_167, %dot_general3A_184 : vector<1x128xf32>
    %convert_element_type3A_186 = arith.fptosi %sub3A_182 : vector<1x512xf32> to vector<1x512xi32>
    %slice3A_187 = vector.extract_strided_slice %convert_element_type3A_40 {offsets = [4096, 0], sizes = [512, 128], strides = [1, 1]} : vector<8192x128xbf16> to vector<512x128xbf16>
    %convert_element_type3A_188 = arith.extf %slice3A_187 : vector<512x128xbf16> to vector<512x128xf32>
    %dot_general3A_189 = arith.constant dense<0.000000e+00> : vector<512x512xf32>
    %dot_general3A_190 = tpu.matmul %slice3A_187, %slice3A_187, %dot_general3A_189 {dimension_numbers = #tpu.dot_dimension_numbers<[1], [1], [0], [0], [0, 0, 1, 0], [], []>, transpose_lhs_hint = false} : vector<512x128xbf16>, vector<512x128xbf16>, vector<512x512xf32> -> vector<512x512xf32>
    %mul3A_191 = arith.mulf %dot_general3A_190, %convert_element_type3A_12 : vector<512x512xf32>
    %dot_general3A_192 = arith.constant dense<0.000000e+00> : vector<1x512xf32>
    %dot_general3A_193 = tpu.matmul %broadcast_in_dim3A_21, %mul3A_191, %dot_general3A_192 {dimension_numbers = #tpu.dot_dimension_numbers<[1], [0], [0], [1], [0, 0, 1, 1], [], []>, transpose_lhs_hint = false} : vector<1x512xf32>, vector<512x512xf32>, vector<1x512xf32> -> vector<1x512xf32>
    %add3A_194 = arith.addf %dot_general3A_44, %add3A_185 : vector<1x128xf32>
    %dot_general3A_195 = arith.constant dense<0.000000e+00> : vector<1x512xf32>
    %dot_general3A_196 = tpu.matmul %add3A_194, %convert_element_type3A_188, %dot_general3A_195 {dimension_numbers = #tpu.dot_dimension_numbers<[1], [1], [0], [0], [0, 0, 1, 0], [], []>, transpose_lhs_hint = false} : vector<1x128xf32>, vector<512x128xf32>, vector<1x512xf32> -> vector<1x512xf32>
    %add3A_197 = arith.addf %dot_general3A_193, %dot_general3A_196 : vector<1x512xf32>
    %sub3A_198 = arith.constant 1.000000e+00 : f32
    %sub3A_199 = vector.broadcast %sub3A_198 : f32 to vector<1x512xf32>
    %sub3A_200 = arith.subf %add3A_197, %sub3A_199 : vector<1x512xf32>
    %dot_general3A_201 = arith.constant dense<0.000000e+00> : vector<1x128xf32>
    %dot_general3A_202 = tpu.matmul %broadcast_in_dim3A_21, %convert_element_type3A_188, %dot_general3A_201 {dimension_numbers = #tpu.dot_dimension_numbers<[1], [0], [0], [1], [0, 0, 1, 1], [], []>, transpose_lhs_hint = false} : vector<1x512xf32>, vector<512x128xf32>, vector<1x128xf32> -> vector<1x128xf32>
    %add3A_203 = arith.addf %add3A_185, %dot_general3A_202 : vector<1x128xf32>
    %convert_element_type3A_204 = arith.fptosi %sub3A_200 : vector<1x512xf32> to vector<1x512xi32>
    %slice3A_205 = vector.extract_strided_slice %convert_element_type3A_40 {offsets = [4608, 0], sizes = [512, 128], strides = [1, 1]} : vector<8192x128xbf16> to vector<512x128xbf16>
    %convert_element_type3A_206 = arith.extf %slice3A_205 : vector<512x128xbf16> to vector<512x128xf32>
    %dot_general3A_207 = arith.constant dense<0.000000e+00> : vector<512x512xf32>
    %dot_general3A_208 = tpu.matmul %slice3A_205, %slice3A_205, %dot_general3A_207 {dimension_numbers = #tpu.dot_dimension_numbers<[1], [1], [0], [0], [0, 0, 1, 0], [], []>, transpose_lhs_hint = false} : vector<512x128xbf16>, vector<512x128xbf16>, vector<512x512xf32> -> vector<512x512xf32>
    %mul3A_209 = arith.mulf %dot_general3A_208, %convert_element_type3A_12 : vector<512x512xf32>
    %dot_general3A_210 = arith.constant dense<0.000000e+00> : vector<1x512xf32>
    %dot_general3A_211 = tpu.matmul %broadcast_in_dim3A_21, %mul3A_209, %dot_general3A_210 {dimension_numbers = #tpu.dot_dimension_numbers<[1], [0], [0], [1], [0, 0, 1, 1], [], []>, transpose_lhs_hint = false} : vector<1x512xf32>, vector<512x512xf32>, vector<1x512xf32> -> vector<1x512xf32>
    %add3A_212 = arith.addf %dot_general3A_44, %add3A_203 : vector<1x128xf32>
    %dot_general3A_213 = arith.constant dense<0.000000e+00> : vector<1x512xf32>
    %dot_general3A_214 = tpu.matmul %add3A_212, %convert_element_type3A_206, %dot_general3A_213 {dimension_numbers = #tpu.dot_dimension_numbers<[1], [1], [0], [0], [0, 0, 1, 0], [], []>, transpose_lhs_hint = false} : vector<1x128xf32>, vector<512x128xf32>, vector<1x512xf32> -> vector<1x512xf32>
    %add3A_215 = arith.addf %dot_general3A_211, %dot_general3A_214 : vector<1x512xf32>
    %sub3A_216 = arith.constant 1.000000e+00 : f32
    %sub3A_217 = vector.broadcast %sub3A_216 : f32 to vector<1x512xf32>
    %sub3A_218 = arith.subf %add3A_215, %sub3A_217 : vector<1x512xf32>
    %dot_general3A_219 = arith.constant dense<0.000000e+00> : vector<1x128xf32>
    %dot_general3A_220 = tpu.matmul %broadcast_in_dim3A_21, %convert_element_type3A_206, %dot_general3A_219 {dimension_numbers = #tpu.dot_dimension_numbers<[1], [0], [0], [1], [0, 0, 1, 1], [], []>, transpose_lhs_hint = false} : vector<1x512xf32>, vector<512x128xf32>, vector<1x128xf32> -> vector<1x128xf32>
    %add3A_221 = arith.addf %add3A_203, %dot_general3A_220 : vector<1x128xf32>
    %convert_element_type3A_222 = arith.fptosi %sub3A_218 : vector<1x512xf32> to vector<1x512xi32>
    %slice3A_223 = vector.extract_strided_slice %convert_element_type3A_40 {offsets = [5120, 0], sizes = [512, 128], strides = [1, 1]} : vector<8192x128xbf16> to vector<512x128xbf16>
    %convert_element_type3A_224 = arith.extf %slice3A_223 : vector<512x128xbf16> to vector<512x128xf32>
    %dot_general3A_225 = arith.constant dense<0.000000e+00> : vector<512x512xf32>
    %dot_general3A_226 = tpu.matmul %slice3A_223, %slice3A_223, %dot_general3A_225 {dimension_numbers = #tpu.dot_dimension_numbers<[1], [1], [0], [0], [0, 0, 1, 0], [], []>, transpose_lhs_hint = false} : vector<512x128xbf16>, vector<512x128xbf16>, vector<512x512xf32> -> vector<512x512xf32>
    %mul3A_227 = arith.mulf %dot_general3A_226, %convert_element_type3A_12 : vector<512x512xf32>
    %dot_general3A_228 = arith.constant dense<0.000000e+00> : vector<1x512xf32>
    %dot_general3A_229 = tpu.matmul %broadcast_in_dim3A_21, %mul3A_227, %dot_general3A_228 {dimension_numbers = #tpu.dot_dimension_numbers<[1], [0], [0], [1], [0, 0, 1, 1], [], []>, transpose_lhs_hint = false} : vector<1x512xf32>, vector<512x512xf32>, vector<1x512xf32> -> vector<1x512xf32>
    %add3A_230 = arith.addf %dot_general3A_44, %add3A_221 : vector<1x128xf32>
    %dot_general3A_231 = arith.constant dense<0.000000e+00> : vector<1x512xf32>
    %dot_general3A_232 = tpu.matmul %add3A_230, %convert_element_type3A_224, %dot_general3A_231 {dimension_numbers = #tpu.dot_dimension_numbers<[1], [1], [0], [0], [0, 0, 1, 0], [], []>, transpose_lhs_hint = false} : vector<1x128xf32>, vector<512x128xf32>, vector<1x512xf32> -> vector<1x512xf32>
    %add3A_233 = arith.addf %dot_general3A_229, %dot_general3A_232 : vector<1x512xf32>
    %sub3A_234 = arith.constant 1.000000e+00 : f32
    %sub3A_235 = vector.broadcast %sub3A_234 : f32 to vector<1x512xf32>
    %sub3A_236 = arith.subf %add3A_233, %sub3A_235 : vector<1x512xf32>
    %dot_general3A_237 = arith.constant dense<0.000000e+00> : vector<1x128xf32>
    %dot_general3A_238 = tpu.matmul %broadcast_in_dim3A_21, %convert_element_type3A_224, %dot_general3A_237 {dimension_numbers = #tpu.dot_dimension_numbers<[1], [0], [0], [1], [0, 0, 1, 1], [], []>, transpose_lhs_hint = false} : vector<1x512xf32>, vector<512x128xf32>, vector<1x128xf32> -> vector<1x128xf32>
    %add3A_239 = arith.addf %add3A_221, %dot_general3A_238 : vector<1x128xf32>
    %convert_element_type3A_240 = arith.fptosi %sub3A_236 : vector<1x512xf32> to vector<1x512xi32>
    %slice3A_241 = vector.extract_strided_slice %convert_element_type3A_40 {offsets = [5632, 0], sizes = [512, 128], strides = [1, 1]} : vector<8192x128xbf16> to vector<512x128xbf16>
    %convert_element_type3A_242 = arith.extf %slice3A_241 : vector<512x128xbf16> to vector<512x128xf32>
    %dot_general3A_243 = arith.constant dense<0.000000e+00> : vector<512x512xf32>
    %dot_general3A_244 = tpu.matmul %slice3A_241, %slice3A_241, %dot_general3A_243 {dimension_numbers = #tpu.dot_dimension_numbers<[1], [1], [0], [0], [0, 0, 1, 0], [], []>, transpose_lhs_hint = false} : vector<512x128xbf16>, vector<512x128xbf16>, vector<512x512xf32> -> vector<512x512xf32>
    %mul3A_245 = arith.mulf %dot_general3A_244, %convert_element_type3A_12 : vector<512x512xf32>
    %dot_general3A_246 = arith.constant dense<0.000000e+00> : vector<1x512xf32>
    %dot_general3A_247 = tpu.matmul %broadcast_in_dim3A_21, %mul3A_245, %dot_general3A_246 {dimension_numbers = #tpu.dot_dimension_numbers<[1], [0], [0], [1], [0, 0, 1, 1], [], []>, transpose_lhs_hint = false} : vector<1x512xf32>, vector<512x512xf32>, vector<1x512xf32> -> vector<1x512xf32>
    %add3A_248 = arith.addf %dot_general3A_44, %add3A_239 : vector<1x128xf32>
    %dot_general3A_249 = arith.constant dense<0.000000e+00> : vector<1x512xf32>
    %dot_general3A_250 = tpu.matmul %add3A_248, %convert_element_type3A_242, %dot_general3A_249 {dimension_numbers = #tpu.dot_dimension_numbers<[1], [1], [0], [0], [0, 0, 1, 0], [], []>, transpose_lhs_hint = false} : vector<1x128xf32>, vector<512x128xf32>, vector<1x512xf32> -> vector<1x512xf32>
    %add3A_251 = arith.addf %dot_general3A_247, %dot_general3A_250 : vector<1x512xf32>
    %sub3A_252 = arith.constant 1.000000e+00 : f32
    %sub3A_253 = vector.broadcast %sub3A_252 : f32 to vector<1x512xf32>
    %sub3A_254 = arith.subf %add3A_251, %sub3A_253 : vector<1x512xf32>
    %dot_general3A_255 = arith.constant dense<0.000000e+00> : vector<1x128xf32>
    %dot_general3A_256 = tpu.matmul %broadcast_in_dim3A_21, %convert_element_type3A_242, %dot_general3A_255 {dimension_numbers = #tpu.dot_dimension_numbers<[1], [0], [0], [1], [0, 0, 1, 1], [], []>, transpose_lhs_hint = false} : vector<1x512xf32>, vector<512x128xf32>, vector<1x128xf32> -> vector<1x128xf32>
    %add3A_257 = arith.addf %add3A_239, %dot_general3A_256 : vector<1x128xf32>
    %convert_element_type3A_258 = arith.fptosi %sub3A_254 : vector<1x512xf32> to vector<1x512xi32>
    %slice3A_259 = vector.extract_strided_slice %convert_element_type3A_40 {offsets = [6144, 0], sizes = [512, 128], strides = [1, 1]} : vector<8192x128xbf16> to vector<512x128xbf16>
    %convert_element_type3A_260 = arith.extf %slice3A_259 : vector<512x128xbf16> to vector<512x128xf32>
    %dot_general3A_261 = arith.constant dense<0.000000e+00> : vector<512x512xf32>
    %dot_general3A_262 = tpu.matmul %slice3A_259, %slice3A_259, %dot_general3A_261 {dimension_numbers = #tpu.dot_dimension_numbers<[1], [1], [0], [0], [0, 0, 1, 0], [], []>, transpose_lhs_hint = false} : vector<512x128xbf16>, vector<512x128xbf16>, vector<512x512xf32> -> vector<512x512xf32>
    %mul3A_263 = arith.mulf %dot_general3A_262, %convert_element_type3A_12 : vector<512x512xf32>
    %dot_general3A_264 = arith.constant dense<0.000000e+00> : vector<1x512xf32>
    %dot_general3A_265 = tpu.matmul %broadcast_in_dim3A_21, %mul3A_263, %dot_general3A_264 {dimension_numbers = #tpu.dot_dimension_numbers<[1], [0], [0], [1], [0, 0, 1, 1], [], []>, transpose_lhs_hint = false} : vector<1x512xf32>, vector<512x512xf32>, vector<1x512xf32> -> vector<1x512xf32>
    %add3A_266 = arith.addf %dot_general3A_44, %add3A_257 : vector<1x128xf32>
    %dot_general3A_267 = arith.constant dense<0.000000e+00> : vector<1x512xf32>
    %dot_general3A_268 = tpu.matmul %add3A_266, %convert_element_type3A_260, %dot_general3A_267 {dimension_numbers = #tpu.dot_dimension_numbers<[1], [1], [0], [0], [0, 0, 1, 0], [], []>, transpose_lhs_hint = false} : vector<1x128xf32>, vector<512x128xf32>, vector<1x512xf32> -> vector<1x512xf32>
    %add3A_269 = arith.addf %dot_general3A_265, %dot_general3A_268 : vector<1x512xf32>
    %sub3A_270 = arith.constant 1.000000e+00 : f32
    %sub3A_271 = vector.broadcast %sub3A_270 : f32 to vector<1x512xf32>
    %sub3A_272 = arith.subf %add3A_269, %sub3A_271 : vector<1x512xf32>
    %dot_general3A_273 = arith.constant dense<0.000000e+00> : vector<1x128xf32>
    %dot_general3A_274 = tpu.matmul %broadcast_in_dim3A_21, %convert_element_type3A_260, %dot_general3A_273 {dimension_numbers = #tpu.dot_dimension_numbers<[1], [0], [0], [1], [0, 0, 1, 1], [], []>, transpose_lhs_hint = false} : vector<1x512xf32>, vector<512x128xf32>, vector<1x128xf32> -> vector<1x128xf32>
    %add3A_275 = arith.addf %add3A_257, %dot_general3A_274 : vector<1x128xf32>
    %convert_element_type3A_276 = arith.fptosi %sub3A_272 : vector<1x512xf32> to vector<1x512xi32>
    %slice3A_277 = vector.extract_strided_slice %convert_element_type3A_40 {offsets = [6656, 0], sizes = [512, 128], strides = [1, 1]} : vector<8192x128xbf16> to vector<512x128xbf16>
    %convert_element_type3A_278 = arith.extf %slice3A_277 : vector<512x128xbf16> to vector<512x128xf32>
    %dot_general3A_279 = arith.constant dense<0.000000e+00> : vector<512x512xf32>
    %dot_general3A_280 = tpu.matmul %slice3A_277, %slice3A_277, %dot_general3A_279 {dimension_numbers = #tpu.dot_dimension_numbers<[1], [1], [0], [0], [0, 0, 1, 0], [], []>, transpose_lhs_hint = false} : vector<512x128xbf16>, vector<512x128xbf16>, vector<512x512xf32> -> vector<512x512xf32>
    %mul3A_281 = arith.mulf %dot_general3A_280, %convert_element_type3A_12 : vector<512x512xf32>
    %dot_general3A_282 = arith.constant dense<0.000000e+00> : vector<1x512xf32>
    %dot_general3A_283 = tpu.matmul %broadcast_in_dim3A_21, %mul3A_281, %dot_general3A_282 {dimension_numbers = #tpu.dot_dimension_numbers<[1], [0], [0], [1], [0, 0, 1, 1], [], []>, transpose_lhs_hint = false} : vector<1x512xf32>, vector<512x512xf32>, vector<1x512xf32> -> vector<1x512xf32>
    %add3A_284 = arith.addf %dot_general3A_44, %add3A_275 : vector<1x128xf32>
    %dot_general3A_285 = arith.constant dense<0.000000e+00> : vector<1x512xf32>
    %dot_general3A_286 = tpu.matmul %add3A_284, %convert_element_type3A_278, %dot_general3A_285 {dimension_numbers = #tpu.dot_dimension_numbers<[1], [1], [0], [0], [0, 0, 1, 0], [], []>, transpose_lhs_hint = false} : vector<1x128xf32>, vector<512x128xf32>, vector<1x512xf32> -> vector<1x512xf32>
    %add3A_287 = arith.addf %dot_general3A_283, %dot_general3A_286 : vector<1x512xf32>
    %sub3A_288 = arith.constant 1.000000e+00 : f32
    %sub3A_289 = vector.broadcast %sub3A_288 : f32 to vector<1x512xf32>
    %sub3A_290 = arith.subf %add3A_287, %sub3A_289 : vector<1x512xf32>
    %dot_general3A_291 = arith.constant dense<0.000000e+00> : vector<1x128xf32>
    %dot_general3A_292 = tpu.matmul %broadcast_in_dim3A_21, %convert_element_type3A_278, %dot_general3A_291 {dimension_numbers = #tpu.dot_dimension_numbers<[1], [0], [0], [1], [0, 0, 1, 1], [], []>, transpose_lhs_hint = false} : vector<1x512xf32>, vector<512x128xf32>, vector<1x128xf32> -> vector<1x128xf32>
    %add3A_293 = arith.addf %add3A_275, %dot_general3A_292 : vector<1x128xf32>
    %convert_element_type3A_294 = arith.fptosi %sub3A_290 : vector<1x512xf32> to vector<1x512xi32>
    %slice3A_295 = vector.extract_strided_slice %convert_element_type3A_40 {offsets = [7168, 0], sizes = [512, 128], strides = [1, 1]} : vector<8192x128xbf16> to vector<512x128xbf16>
    %convert_element_type3A_296 = arith.extf %slice3A_295 : vector<512x128xbf16> to vector<512x128xf32>
    %dot_general3A_297 = arith.constant dense<0.000000e+00> : vector<512x512xf32>
    %dot_general3A_298 = tpu.matmul %slice3A_295, %slice3A_295, %dot_general3A_297 {dimension_numbers = #tpu.dot_dimension_numbers<[1], [1], [0], [0], [0, 0, 1, 0], [], []>, transpose_lhs_hint = false} : vector<512x128xbf16>, vector<512x128xbf16>, vector<512x512xf32> -> vector<512x512xf32>
    %mul3A_299 = arith.mulf %dot_general3A_298, %convert_element_type3A_12 : vector<512x512xf32>
    %dot_general3A_300 = arith.constant dense<0.000000e+00> : vector<1x512xf32>
    %dot_general3A_301 = tpu.matmul %broadcast_in_dim3A_21, %mul3A_299, %dot_general3A_300 {dimension_numbers = #tpu.dot_dimension_numbers<[1], [0], [0], [1], [0, 0, 1, 1], [], []>, transpose_lhs_hint = false} : vector<1x512xf32>, vector<512x512xf32>, vector<1x512xf32> -> vector<1x512xf32>
    %add3A_302 = arith.addf %dot_general3A_44, %add3A_293 : vector<1x128xf32>
    %dot_general3A_303 = arith.constant dense<0.000000e+00> : vector<1x512xf32>
    %dot_general3A_304 = tpu.matmul %add3A_302, %convert_element_type3A_296, %dot_general3A_303 {dimension_numbers = #tpu.dot_dimension_numbers<[1], [1], [0], [0], [0, 0, 1, 0], [], []>, transpose_lhs_hint = false} : vector<1x128xf32>, vector<512x128xf32>, vector<1x512xf32> -> vector<1x512xf32>
    %add3A_305 = arith.addf %dot_general3A_301, %dot_general3A_304 : vector<1x512xf32>
    %sub3A_306 = arith.constant 1.000000e+00 : f32
    %sub3A_307 = vector.broadcast %sub3A_306 : f32 to vector<1x512xf32>
    %sub3A_308 = arith.subf %add3A_305, %sub3A_307 : vector<1x512xf32>
    %dot_general3A_309 = arith.constant dense<0.000000e+00> : vector<1x128xf32>
    %dot_general3A_310 = tpu.matmul %broadcast_in_dim3A_21, %convert_element_type3A_296, %dot_general3A_309 {dimension_numbers = #tpu.dot_dimension_numbers<[1], [0], [0], [1], [0, 0, 1, 1], [], []>, transpose_lhs_hint = false} : vector<1x512xf32>, vector<512x128xf32>, vector<1x128xf32> -> vector<1x128xf32>
    %add3A_311 = arith.addf %add3A_293, %dot_general3A_310 : vector<1x128xf32>
    %convert_element_type3A_312 = arith.fptosi %sub3A_308 : vector<1x512xf32> to vector<1x512xi32>
    %slice3A_313 = vector.extract_strided_slice %convert_element_type3A_40 {offsets = [7680, 0], sizes = [512, 128], strides = [1, 1]} : vector<8192x128xbf16> to vector<512x128xbf16>
    %convert_element_type3A_314 = arith.extf %slice3A_313 : vector<512x128xbf16> to vector<512x128xf32>
    %dot_general3A_315 = arith.constant dense<0.000000e+00> : vector<512x512xf32>
    %dot_general3A_316 = tpu.matmul %slice3A_313, %slice3A_313, %dot_general3A_315 {dimension_numbers = #tpu.dot_dimension_numbers<[1], [1], [0], [0], [0, 0, 1, 0], [], []>, transpose_lhs_hint = false} : vector<512x128xbf16>, vector<512x128xbf16>, vector<512x512xf32> -> vector<512x512xf32>
    %mul3A_317 = arith.mulf %dot_general3A_316, %convert_element_type3A_12 : vector<512x512xf32>
    %dot_general3A_318 = arith.constant dense<0.000000e+00> : vector<1x512xf32>
    %dot_general3A_319 = tpu.matmul %broadcast_in_dim3A_21, %mul3A_317, %dot_general3A_318 {dimension_numbers = #tpu.dot_dimension_numbers<[1], [0], [0], [1], [0, 0, 1, 1], [], []>, transpose_lhs_hint = false} : vector<1x512xf32>, vector<512x512xf32>, vector<1x512xf32> -> vector<1x512xf32>
    %add3A_320 = arith.addf %dot_general3A_44, %add3A_311 : vector<1x128xf32>
    %dot_general3A_321 = arith.constant dense<0.000000e+00> : vector<1x512xf32>
    %dot_general3A_322 = tpu.matmul %add3A_320, %convert_element_type3A_314, %dot_general3A_321 {dimension_numbers = #tpu.dot_dimension_numbers<[1], [1], [0], [0], [0, 0, 1, 0], [], []>, transpose_lhs_hint = false} : vector<1x128xf32>, vector<512x128xf32>, vector<1x512xf32> -> vector<1x512xf32>
    %add3A_323 = arith.addf %dot_general3A_319, %dot_general3A_322 : vector<1x512xf32>
    %sub3A_324 = arith.constant 1.000000e+00 : f32
    %sub3A_325 = vector.broadcast %sub3A_324 : f32 to vector<1x512xf32>
    %sub3A_326 = arith.subf %add3A_323, %sub3A_325 : vector<1x512xf32>
    %convert_element_type3A_327 = arith.fptosi %sub3A_326 : vector<1x512xf32> to vector<1x512xi32>
    %concatenate3A = tpu.concatenate %convert_element_type3A_60, %convert_element_type3A_78, %convert_element_type3A_96, %convert_element_type3A_114, %convert_element_type3A_132, %convert_element_type3A_150, %convert_element_type3A_168, %convert_element_type3A_186, %convert_element_type3A_204, %convert_element_type3A_222, %convert_element_type3A_240, %convert_element_type3A_258, %convert_element_type3A_276, %convert_element_type3A_294, %convert_element_type3A_312, %convert_element_type3A_327 in 1 : vector<1x512xi32>, vector<1x512xi32>, vector<1x512xi32>, vector<1x512xi32>, vector<1x512xi32>, vector<1x512xi32>, vector<1x512xi32>, vector<1x512xi32>, vector<1x512xi32>, vector<1x512xi32>, vector<1x512xi32>, vector<1x512xi32>, vector<1x512xi32>, vector<1x512xi32>, vector<1x512xi32>, vector<1x512xi32> -> vector<1x8192xi32>
    %squeeze3A = vector.shape_cast %concatenate3A : vector<1x8192xi32> to vector<8192xi32>
    %mul3A_328 = arith.constant 8192 : i32
    %mul3A_329 = arith.muli %arg0, %mul3A_328 : i32
    %add3A_330 = vector.broadcast %mul3A_329 : i32 to vector<8192xi32>
    %add3A_331 = arith.addi %squeeze3A, %add3A_330 : vector<8192xi32>
    %swap3A = arith.constant 0 : index
    %swap3A_332 = arith.constant 0 : index
    %swap3A_333 = arith.constant 0 : index
    %swap3A_334 = vector.load %arg3[%swap3A, %swap3A_332, %swap3A_333] : memref<1x1x8192xi32, #tpu.memory_space<vmem>>, vector<1x1x8192xi32>
    %swap3A_335 = vector.shape_cast %swap3A_334 : vector<1x1x8192xi32> to vector<8192xi32>
    %swap3A_336 = vector.shape_cast %add3A_331 : vector<8192xi32> to vector<1x1x8192xi32>
    tpu.vector_store %arg3[%swap3A, %swap3A_332, %swap3A_333], %swap3A_336 {strides = array<i32>} : memref<1x1x8192xi32, #tpu.memory_space<vmem>>, vector<1x1x8192xi32>,
    %broadcast_in_dim3A_337 = arith.constant 0.000000e+00 : f32
    %broadcast_in_dim3A_338 = vector.broadcast %broadcast_in_dim3A_337 : f32 to vector<8192x64xf32>
    %get3A_339 = arith.constant 0 : index
    %get3A_340 = arith.constant 0 : index
    %get3A_341 = arith.constant 0 : index
    %get3A_342 = vector.load %arg1[%get3A_339, %get3A_340, %get3A_341] : memref<1x8192x64xf32, #tpu.memory_space<vmem>>, vector<1x8192x64xf32>
    %get3A_343 = vector.shape_cast %get3A_342 : vector<1x8192x64xf32> to vector<8192x64xf32>
    %concatenate3A_344 = tpu.concatenate %get3A_343, %broadcast_in_dim3A_338 in 1 : vector<8192x64xf32>, vector<8192x64xf32> -> vector<8192x128xf32>
    %swap3A_345 = arith.constant 0 : index
    %swap3A_346 = arith.constant 0 : index
    %swap3A_347 = arith.constant 0 : index
    %swap3A_348 = vector.load %arg4[%swap3A_345, %swap3A_346, %swap3A_347] : memref<1x8192x128xf32, #tpu.memory_space<vmem>>, vector<1x8192x128xf32>
    %swap3A_349 = vector.shape_cast %swap3A_348 : vector<1x8192x128xf32> to vector<8192x128xf32>
    %swap3A_350 = vector.shape_cast %concatenate3A_344 : vector<8192x128xf32> to vector<1x8192x128xf32>
    tpu.vector_store %arg4[%swap3A_345, %swap3A_346, %swap3A_347], %swap3A_350 {strides = array<i32>} : memref<1x8192x128xf32, #tpu.memory_space<vmem>>, vector<1x8192x128xf32>,
    return
  }
  func.func @transform_0(%arg0: i32) -> (i32, i32, i32) {
    %c0_i32 = arith.constant 0 : i32
    %c0_i32_0 = arith.constant 0 : i32
    %c0_i32_1 = arith.constant 0 : i32
    return %arg0, %c0_i32, %c0_i32_0 : i32, i32, i32
  }
  func.func @transform_1(%arg0: i32) -> (i32, i32) {
    %c0_i32 = arith.constant 0 : i32
    %c0_i32_0 = arith.constant 0 : i32
    %c0_i32_1 = arith.constant 0 : i32
    return %c0_i32, %c0_i32_0 : i32, i32
  }
  func.func @transform_2(%arg0: i32) -> (i32, i32, i32) {
    %c0_i32 = arith.constant 0 : i32
    %c0_i32_0 = arith.constant 0 : i32
    %c0_i32_1 = arith.constant 0 : i32
    return %arg0, %c0_i32, %c0_i32_0 : i32, i32, i32
  }
  func.func @transform_3(%arg0: i32) -> (i32, i32, i32) {
    %c0_i32 = arith.constant 0 : i32
    %c0_i32_0 = arith.constant 0 : i32
    %c0_i32_1 = arith.constant 0 : i32
    return %arg0, %c0_i32, %c0_i32_0 : i32, i32, i32
  }
}

module attributes {stable_mosaic.version = 14 : i64} {
  func.func @_hashkv_body(%arg0: i32, %arg1: memref<1x8192x64xf32, #tpu.memory_space<vmem>>, %arg2: memref<1x8192x64xf32, #tpu.memory_space<vmem>>, %arg3: memref<64x128xf32, #tpu.memory_space<vmem>>, %arg4: memref<1x1x8192xi32, #tpu.memory_space<vmem>>, %arg5: memref<1x8192x128xf32, #tpu.memory_space<vmem>>) attributes {dimension_semantics = [#tpu.dimension_semantics<arbitrary>], iteration_bounds = array<i64: 32>, scalar_prefetch = 0 : i64, scratch_operands = 0 : i64, tpu.core_type = #tpu.core_type<tc>, window_params = [{transform_indices = @transform_0, window_bounds = array<i64: 1, 8192, 64>}, {transform_indices = @transform_1, window_bounds = array<i64: 1, 8192, 64>}, {pipeline_mode = #tpu.pipeline_mode<synchronous>, transform_indices = @transform_2, window_bounds = array<i64: 64, 128>}, {transform_indices = @transform_3, window_bounds = array<i64: 1, 1, 8192>}, {transform_indices = @transform_4, window_bounds = array<i64: 1, 8192, 128>}]} {
    %get3A = arith.constant 0 : index
    %get3A_0 = arith.constant 0 : index
    %get3A_1 = vector.load %arg3[%get3A, %get3A_0] : memref<64x128xf32, #tpu.memory_space<vmem>>, vector<64x128xf32>
    %iota3A = tpu.iota {dimensions = array<i32: 1>} : vector<8192x128xi32>
    %iota3A_2 = tpu.iota {dimensions = array<i32: 0>} : vector<128x128xi32>
    %lt3A = arith.constant 7 : i32
    %lt3A_3 = vector.broadcast %lt3A : i32 to vector<128x128xi32>
    %lt3A_4 = arith.cmpi slt, %iota3A_2, %lt3A_3 : vector<128x128xi32>
    %min3A = arith.constant 6 : i32
    %min3A_5 = vector.broadcast %min3A : i32 to vector<128x128xi32>
    %min3A_6 = arith.minsi %iota3A_2, %min3A_5 : vector<128x128xi32>
    %shift_left3A = arith.constant 1 : i32
    %shift_left3A_7 = vector.broadcast %shift_left3A : i32 to vector<128x128xi32>
    %shift_left3A_8 = arith.shli %shift_left3A_7, %min3A_6 : vector<128x128xi32>
    %jit3A = arith.constant 0 : i32
    %broadcast_in_dim3A = vector.broadcast %jit3A : i32 to vector<128x128xi32>
    %select_n3A = arith.select %lt3A_4, %shift_left3A_8, %broadcast_in_dim3A : vector<128x128xi1>, vector<128x128xi32>
    %convert_element_type3A = arith.sitofp %select_n3A : vector<128x128xi32> to vector<128x128xbf16>
    %iota3A_9 = tpu.iota {dimensions = array<i32: 0>} : vector<512x512xi32>
    %iota3A_10 = tpu.iota {dimensions = array<i32: 1>} : vector<512x512xi32>
    %le3A = arith.cmpi sle, %iota3A_9, %iota3A_10 : vector<512x512xi32>
    %convert_element_type3A_11 = arith.extui %le3A : vector<512x512xi1> to vector<512x512xi32>
    %convert_element_type3A_12 = arith.sitofp %convert_element_type3A_11 : vector<512x512xi32> to vector<512x512xf32>
    %iota3A_13 = tpu.iota {dimensions = array<i32: 0>} : vector<128x128xi32>
    %iota3A_14 = tpu.iota {dimensions = array<i32: 1>} : vector<128x128xi32>
    %lt3A_15 = arith.cmpi slt, %iota3A_13, %iota3A_14 : vector<128x128xi32>
    %convert_element_type3A_16 = arith.extui %lt3A_15 : vector<128x128xi1> to vector<128x128xi32>
    %convert_element_type3A_17 = arith.sitofp %convert_element_type3A_16 : vector<128x128xi32> to vector<128x128xf32>
    %broadcast_in_dim3A_18 = arith.constant 1.000000e+00 : bf16
    %broadcast_in_dim3A_19 = vector.broadcast %broadcast_in_dim3A_18 : bf16 to vector<1x8192xbf16>
    %broadcast_in_dim3A_20 = arith.constant 1.000000e+00 : f32
    %broadcast_in_dim3A_21 = vector.broadcast %broadcast_in_dim3A_20 : f32 to vector<1x512xf32>
    %get3A_22 = arith.constant 0 : index
    %get3A_23 = arith.constant 0 : index
    %get3A_24 = arith.constant 0 : index
    %get3A_25 = vector.load %arg1[%get3A_22, %get3A_23, %get3A_24] : memref<1x8192x64xf32, #tpu.memory_space<vmem>>, vector<1x8192x64xf32>
    %get3A_26 = vector.shape_cast %get3A_25 : vector<1x8192x64xf32> to vector<8192x64xf32>
    %dot_general3A = arith.constant dense<0.000000e+00> : vector<8192x128xf32>
    %dot_general3A_27 = tpu.matmul %get3A_26, %get3A_1, %dot_general3A {dimension_numbers = #tpu.dot_dimension_numbers<[1], [0], [0], [1], [0, 0, 1, 1], [], []>, transpose_lhs_hint = false} : vector<8192x64xf32>, vector<64x128xf32>, vector<8192x128xf32> -> vector<8192x128xf32>
    %gt3A = arith.constant 0.000000e+00 : f32
    %gt3A_28 = vector.broadcast %gt3A : f32 to vector<8192x128xf32>
    %gt3A_29 = arith.cmpf ogt, %dot_general3A_27, %gt3A_28 : vector<8192x128xf32>
    %convert_element_type3A_30 = arith.extui %gt3A_29 : vector<8192x128xi1> to vector<8192x128xi32>
    %convert_element_type3A_31 = arith.sitofp %convert_element_type3A_30 : vector<8192x128xi32> to vector<8192x128xf32>
    %convert_element_type3A_32 = arith.truncf %convert_element_type3A_31 : vector<8192x128xf32> to vector<8192x128xbf16>
    %dot_general3A_33 = arith.constant dense<0.000000e+00> : vector<8192x128xf32>
    %dot_general3A_34 = tpu.matmul %convert_element_type3A_32, %convert_element_type3A, %dot_general3A_33 {dimension_numbers = #tpu.dot_dimension_numbers<[1], [0], [0], [1], [0, 0, 1, 1], [], []>, transpose_lhs_hint = false} : vector<8192x128xbf16>, vector<128x128xbf16>, vector<8192x128xf32> -> vector<8192x128xf32>
    %convert_element_type3A_35 = arith.fptosi %dot_general3A_34 : vector<8192x128xf32> to vector<8192x128xi32>
    %shift_right_arithmetic3A = arith.constant 1 : i32
    %shift_right_arithmetic3A_36 = vector.broadcast %shift_right_arithmetic3A : i32 to vector<8192x128xi32>
    %shift_right_arithmetic3A_37 = arith.shrsi %convert_element_type3A_35, %shift_right_arithmetic3A_36 : vector<8192x128xi32>
    %xor3A = arith.xori %convert_element_type3A_35, %shift_right_arithmetic3A_37 : vector<8192x128xi32>
    %eq3A = arith.cmpi eq, %xor3A, %iota3A : vector<8192x128xi32>
    %convert_element_type3A_38 = arith.extui %eq3A : vector<8192x128xi1> to vector<8192x128xi32>
    %convert_element_type3A_39 = arith.sitofp %convert_element_type3A_38 : vector<8192x128xi32> to vector<8192x128xf32>
    %convert_element_type3A_40 = arith.truncf %convert_element_type3A_39 : vector<8192x128xf32> to vector<8192x128xbf16>
    %dot_general3A_41 = arith.constant dense<0.000000e+00> : vector<1x128xf32>
    %dot_general3A_42 = tpu.matmul %broadcast_in_dim3A_19, %convert_element_type3A_40, %dot_general3A_41 {dimension_numbers = #tpu.dot_dimension_numbers<[1], [0], [0], [1], [0, 0, 1, 1], [], []>, transpose_lhs_hint = false} : vector<1x8192xbf16>, vector<8192x128xbf16>, vector<1x128xf32> -> vector<1x128xf32>
    %dot_general3A_43 = arith.constant dense<0.000000e+00> : vector<1x128xf32>
    %dot_general3A_44 = tpu.matmul %dot_general3A_42, %convert_element_type3A_17, %dot_general3A_43 {dimension_numbers = #tpu.dot_dimension_numbers<[1], [0], [0], [1], [0, 0, 1, 1], [], []>, transpose_lhs_hint = false} : vector<1x128xf32>, vector<128x128xf32>, vector<1x128xf32> -> vector<1x128xf32>
    %broadcast_in_dim3A_45 = arith.constant 0.000000e+00 : f32
    %broadcast_in_dim3A_46 = vector.broadcast %broadcast_in_dim3A_45 : f32 to vector<1x128xf32>
    %slice3A = vector.extract_strided_slice %convert_element_type3A_40 {offsets = [0, 0], sizes = [512, 128], strides = [1, 1]} : vector<8192x128xbf16> to vector<512x128xbf16>
    %convert_element_type3A_47 = arith.extf %slice3A : vector<512x128xbf16> to vector<512x128xf32>
    %dot_general3A_48 = arith.constant dense<0.000000e+00> : vector<512x512xf32>
    %dot_general3A_49 = tpu.matmul %slice3A, %slice3A, %dot_general3A_48 {dimension_numbers = #tpu.dot_dimension_numbers<[1], [1], [0], [0], [0, 0, 1, 0], [], []>, transpose_lhs_hint = false} : vector<512x128xbf16>, vector<512x128xbf16>, vector<512x512xf32> -> vector<512x512xf32>
    %mul3A = arith.mulf %dot_general3A_49, %convert_element_type3A_12 : vector<512x512xf32>
    %dot_general3A_50 = arith.constant dense<0.000000e+00> : vector<1x512xf32>
    %dot_general3A_51 = tpu.matmul %broadcast_in_dim3A_21, %mul3A, %dot_general3A_50 {dimension_numbers = #tpu.dot_dimension_numbers<[1], [0], [0], [1], [0, 0, 1, 1], [], []>, transpose_lhs_hint = false} : vector<1x512xf32>, vector<512x512xf32>, vector<1x512xf32> -> vector<1x512xf32>
    %add3A = arith.addf %dot_general3A_44, %broadcast_in_dim3A_46 : vector<1x128xf32>
    %dot_general3A_52 = arith.constant dense<0.000000e+00> : vector<1x512xf32>
    %dot_general3A_53 = tpu.matmul %add3A, %convert_element_type3A_47, %dot_general3A_52 {dimension_numbers = #tpu.dot_dimension_numbers<[1], [1], [0], [0], [0, 0, 1, 0], [], []>, transpose_lhs_hint = false} : vector<1x128xf32>, vector<512x128xf32>, vector<1x512xf32> -> vector<1x512xf32>
    %add3A_54 = arith.addf %dot_general3A_51, %dot_general3A_53 : vector<1x512xf32>
    %sub3A = arith.constant 1.000000e+00 : f32
    %sub3A_55 = vector.broadcast %sub3A : f32 to vector<1x512xf32>
    %sub3A_56 = arith.subf %add3A_54, %sub3A_55 : vector<1x512xf32>
    %dot_general3A_57 = arith.constant dense<0.000000e+00> : vector<1x128xf32>
    %dot_general3A_58 = tpu.matmul %broadcast_in_dim3A_21, %convert_element_type3A_47, %dot_general3A_57 {dimension_numbers = #tpu.dot_dimension_numbers<[1], [0], [0], [1], [0, 0, 1, 1], [], []>, transpose_lhs_hint = false} : vector<1x512xf32>, vector<512x128xf32>, vector<1x128xf32> -> vector<1x128xf32>
    %add3A_59 = arith.addf %broadcast_in_dim3A_46, %dot_general3A_58 : vector<1x128xf32>
    %convert_element_type3A_60 = arith.fptosi %sub3A_56 : vector<1x512xf32> to vector<1x512xi32>
    %slice3A_61 = vector.extract_strided_slice %convert_element_type3A_40 {offsets = [512, 0], sizes = [512, 128], strides = [1, 1]} : vector<8192x128xbf16> to vector<512x128xbf16>
    %convert_element_type3A_62 = arith.extf %slice3A_61 : vector<512x128xbf16> to vector<512x128xf32>
    %dot_general3A_63 = arith.constant dense<0.000000e+00> : vector<512x512xf32>
    %dot_general3A_64 = tpu.matmul %slice3A_61, %slice3A_61, %dot_general3A_63 {dimension_numbers = #tpu.dot_dimension_numbers<[1], [1], [0], [0], [0, 0, 1, 0], [], []>, transpose_lhs_hint = false} : vector<512x128xbf16>, vector<512x128xbf16>, vector<512x512xf32> -> vector<512x512xf32>
    %mul3A_65 = arith.mulf %dot_general3A_64, %convert_element_type3A_12 : vector<512x512xf32>
    %dot_general3A_66 = arith.constant dense<0.000000e+00> : vector<1x512xf32>
    %dot_general3A_67 = tpu.matmul %broadcast_in_dim3A_21, %mul3A_65, %dot_general3A_66 {dimension_numbers = #tpu.dot_dimension_numbers<[1], [0], [0], [1], [0, 0, 1, 1], [], []>, transpose_lhs_hint = false} : vector<1x512xf32>, vector<512x512xf32>, vector<1x512xf32> -> vector<1x512xf32>
    %add3A_68 = arith.addf %dot_general3A_44, %add3A_59 : vector<1x128xf32>
    %dot_general3A_69 = arith.constant dense<0.000000e+00> : vector<1x512xf32>
    %dot_general3A_70 = tpu.matmul %add3A_68, %convert_element_type3A_62, %dot_general3A_69 {dimension_numbers = #tpu.dot_dimension_numbers<[1], [1], [0], [0], [0, 0, 1, 0], [], []>, transpose_lhs_hint = false} : vector<1x128xf32>, vector<512x128xf32>, vector<1x512xf32> -> vector<1x512xf32>
    %add3A_71 = arith.addf %dot_general3A_67, %dot_general3A_70 : vector<1x512xf32>
    %sub3A_72 = arith.constant 1.000000e+00 : f32
    %sub3A_73 = vector.broadcast %sub3A_72 : f32 to vector<1x512xf32>
    %sub3A_74 = arith.subf %add3A_71, %sub3A_73 : vector<1x512xf32>
    %dot_general3A_75 = arith.constant dense<0.000000e+00> : vector<1x128xf32>
    %dot_general3A_76 = tpu.matmul %broadcast_in_dim3A_21, %convert_element_type3A_62, %dot_general3A_75 {dimension_numbers = #tpu.dot_dimension_numbers<[1], [0], [0], [1], [0, 0, 1, 1], [], []>, transpose_lhs_hint = false} : vector<1x512xf32>, vector<512x128xf32>, vector<1x128xf32> -> vector<1x128xf32>
    %add3A_77 = arith.addf %add3A_59, %dot_general3A_76 : vector<1x128xf32>
    %convert_element_type3A_78 = arith.fptosi %sub3A_74 : vector<1x512xf32> to vector<1x512xi32>
    %slice3A_79 = vector.extract_strided_slice %convert_element_type3A_40 {offsets = [1024, 0], sizes = [512, 128], strides = [1, 1]} : vector<8192x128xbf16> to vector<512x128xbf16>
    %convert_element_type3A_80 = arith.extf %slice3A_79 : vector<512x128xbf16> to vector<512x128xf32>
    %dot_general3A_81 = arith.constant dense<0.000000e+00> : vector<512x512xf32>
    %dot_general3A_82 = tpu.matmul %slice3A_79, %slice3A_79, %dot_general3A_81 {dimension_numbers = #tpu.dot_dimension_numbers<[1], [1], [0], [0], [0, 0, 1, 0], [], []>, transpose_lhs_hint = false} : vector<512x128xbf16>, vector<512x128xbf16>, vector<512x512xf32> -> vector<512x512xf32>
    %mul3A_83 = arith.mulf %dot_general3A_82, %convert_element_type3A_12 : vector<512x512xf32>
    %dot_general3A_84 = arith.constant dense<0.000000e+00> : vector<1x512xf32>
    %dot_general3A_85 = tpu.matmul %broadcast_in_dim3A_21, %mul3A_83, %dot_general3A_84 {dimension_numbers = #tpu.dot_dimension_numbers<[1], [0], [0], [1], [0, 0, 1, 1], [], []>, transpose_lhs_hint = false} : vector<1x512xf32>, vector<512x512xf32>, vector<1x512xf32> -> vector<1x512xf32>
    %add3A_86 = arith.addf %dot_general3A_44, %add3A_77 : vector<1x128xf32>
    %dot_general3A_87 = arith.constant dense<0.000000e+00> : vector<1x512xf32>
    %dot_general3A_88 = tpu.matmul %add3A_86, %convert_element_type3A_80, %dot_general3A_87 {dimension_numbers = #tpu.dot_dimension_numbers<[1], [1], [0], [0], [0, 0, 1, 0], [], []>, transpose_lhs_hint = false} : vector<1x128xf32>, vector<512x128xf32>, vector<1x512xf32> -> vector<1x512xf32>
    %add3A_89 = arith.addf %dot_general3A_85, %dot_general3A_88 : vector<1x512xf32>
    %sub3A_90 = arith.constant 1.000000e+00 : f32
    %sub3A_91 = vector.broadcast %sub3A_90 : f32 to vector<1x512xf32>
    %sub3A_92 = arith.subf %add3A_89, %sub3A_91 : vector<1x512xf32>
    %dot_general3A_93 = arith.constant dense<0.000000e+00> : vector<1x128xf32>
    %dot_general3A_94 = tpu.matmul %broadcast_in_dim3A_21, %convert_element_type3A_80, %dot_general3A_93 {dimension_numbers = #tpu.dot_dimension_numbers<[1], [0], [0], [1], [0, 0, 1, 1], [], []>, transpose_lhs_hint = false} : vector<1x512xf32>, vector<512x128xf32>, vector<1x128xf32> -> vector<1x128xf32>
    %add3A_95 = arith.addf %add3A_77, %dot_general3A_94 : vector<1x128xf32>
    %convert_element_type3A_96 = arith.fptosi %sub3A_92 : vector<1x512xf32> to vector<1x512xi32>
    %slice3A_97 = vector.extract_strided_slice %convert_element_type3A_40 {offsets = [1536, 0], sizes = [512, 128], strides = [1, 1]} : vector<8192x128xbf16> to vector<512x128xbf16>
    %convert_element_type3A_98 = arith.extf %slice3A_97 : vector<512x128xbf16> to vector<512x128xf32>
    %dot_general3A_99 = arith.constant dense<0.000000e+00> : vector<512x512xf32>
    %dot_general3A_100 = tpu.matmul %slice3A_97, %slice3A_97, %dot_general3A_99 {dimension_numbers = #tpu.dot_dimension_numbers<[1], [1], [0], [0], [0, 0, 1, 0], [], []>, transpose_lhs_hint = false} : vector<512x128xbf16>, vector<512x128xbf16>, vector<512x512xf32> -> vector<512x512xf32>
    %mul3A_101 = arith.mulf %dot_general3A_100, %convert_element_type3A_12 : vector<512x512xf32>
    %dot_general3A_102 = arith.constant dense<0.000000e+00> : vector<1x512xf32>
    %dot_general3A_103 = tpu.matmul %broadcast_in_dim3A_21, %mul3A_101, %dot_general3A_102 {dimension_numbers = #tpu.dot_dimension_numbers<[1], [0], [0], [1], [0, 0, 1, 1], [], []>, transpose_lhs_hint = false} : vector<1x512xf32>, vector<512x512xf32>, vector<1x512xf32> -> vector<1x512xf32>
    %add3A_104 = arith.addf %dot_general3A_44, %add3A_95 : vector<1x128xf32>
    %dot_general3A_105 = arith.constant dense<0.000000e+00> : vector<1x512xf32>
    %dot_general3A_106 = tpu.matmul %add3A_104, %convert_element_type3A_98, %dot_general3A_105 {dimension_numbers = #tpu.dot_dimension_numbers<[1], [1], [0], [0], [0, 0, 1, 0], [], []>, transpose_lhs_hint = false} : vector<1x128xf32>, vector<512x128xf32>, vector<1x512xf32> -> vector<1x512xf32>
    %add3A_107 = arith.addf %dot_general3A_103, %dot_general3A_106 : vector<1x512xf32>
    %sub3A_108 = arith.constant 1.000000e+00 : f32
    %sub3A_109 = vector.broadcast %sub3A_108 : f32 to vector<1x512xf32>
    %sub3A_110 = arith.subf %add3A_107, %sub3A_109 : vector<1x512xf32>
    %dot_general3A_111 = arith.constant dense<0.000000e+00> : vector<1x128xf32>
    %dot_general3A_112 = tpu.matmul %broadcast_in_dim3A_21, %convert_element_type3A_98, %dot_general3A_111 {dimension_numbers = #tpu.dot_dimension_numbers<[1], [0], [0], [1], [0, 0, 1, 1], [], []>, transpose_lhs_hint = false} : vector<1x512xf32>, vector<512x128xf32>, vector<1x128xf32> -> vector<1x128xf32>
    %add3A_113 = arith.addf %add3A_95, %dot_general3A_112 : vector<1x128xf32>
    %convert_element_type3A_114 = arith.fptosi %sub3A_110 : vector<1x512xf32> to vector<1x512xi32>
    %slice3A_115 = vector.extract_strided_slice %convert_element_type3A_40 {offsets = [2048, 0], sizes = [512, 128], strides = [1, 1]} : vector<8192x128xbf16> to vector<512x128xbf16>
    %convert_element_type3A_116 = arith.extf %slice3A_115 : vector<512x128xbf16> to vector<512x128xf32>
    %dot_general3A_117 = arith.constant dense<0.000000e+00> : vector<512x512xf32>
    %dot_general3A_118 = tpu.matmul %slice3A_115, %slice3A_115, %dot_general3A_117 {dimension_numbers = #tpu.dot_dimension_numbers<[1], [1], [0], [0], [0, 0, 1, 0], [], []>, transpose_lhs_hint = false} : vector<512x128xbf16>, vector<512x128xbf16>, vector<512x512xf32> -> vector<512x512xf32>
    %mul3A_119 = arith.mulf %dot_general3A_118, %convert_element_type3A_12 : vector<512x512xf32>
    %dot_general3A_120 = arith.constant dense<0.000000e+00> : vector<1x512xf32>
    %dot_general3A_121 = tpu.matmul %broadcast_in_dim3A_21, %mul3A_119, %dot_general3A_120 {dimension_numbers = #tpu.dot_dimension_numbers<[1], [0], [0], [1], [0, 0, 1, 1], [], []>, transpose_lhs_hint = false} : vector<1x512xf32>, vector<512x512xf32>, vector<1x512xf32> -> vector<1x512xf32>
    %add3A_122 = arith.addf %dot_general3A_44, %add3A_113 : vector<1x128xf32>
    %dot_general3A_123 = arith.constant dense<0.000000e+00> : vector<1x512xf32>
    %dot_general3A_124 = tpu.matmul %add3A_122, %convert_element_type3A_116, %dot_general3A_123 {dimension_numbers = #tpu.dot_dimension_numbers<[1], [1], [0], [0], [0, 0, 1, 0], [], []>, transpose_lhs_hint = false} : vector<1x128xf32>, vector<512x128xf32>, vector<1x512xf32> -> vector<1x512xf32>
    %add3A_125 = arith.addf %dot_general3A_121, %dot_general3A_124 : vector<1x512xf32>
    %sub3A_126 = arith.constant 1.000000e+00 : f32
    %sub3A_127 = vector.broadcast %sub3A_126 : f32 to vector<1x512xf32>
    %sub3A_128 = arith.subf %add3A_125, %sub3A_127 : vector<1x512xf32>
    %dot_general3A_129 = arith.constant dense<0.000000e+00> : vector<1x128xf32>
    %dot_general3A_130 = tpu.matmul %broadcast_in_dim3A_21, %convert_element_type3A_116, %dot_general3A_129 {dimension_numbers = #tpu.dot_dimension_numbers<[1], [0], [0], [1], [0, 0, 1, 1], [], []>, transpose_lhs_hint = false} : vector<1x512xf32>, vector<512x128xf32>, vector<1x128xf32> -> vector<1x128xf32>
    %add3A_131 = arith.addf %add3A_113, %dot_general3A_130 : vector<1x128xf32>
    %convert_element_type3A_132 = arith.fptosi %sub3A_128 : vector<1x512xf32> to vector<1x512xi32>
    %slice3A_133 = vector.extract_strided_slice %convert_element_type3A_40 {offsets = [2560, 0], sizes = [512, 128], strides = [1, 1]} : vector<8192x128xbf16> to vector<512x128xbf16>
    %convert_element_type3A_134 = arith.extf %slice3A_133 : vector<512x128xbf16> to vector<512x128xf32>
    %dot_general3A_135 = arith.constant dense<0.000000e+00> : vector<512x512xf32>
    %dot_general3A_136 = tpu.matmul %slice3A_133, %slice3A_133, %dot_general3A_135 {dimension_numbers = #tpu.dot_dimension_numbers<[1], [1], [0], [0], [0, 0, 1, 0], [], []>, transpose_lhs_hint = false} : vector<512x128xbf16>, vector<512x128xbf16>, vector<512x512xf32> -> vector<512x512xf32>
    %mul3A_137 = arith.mulf %dot_general3A_136, %convert_element_type3A_12 : vector<512x512xf32>
    %dot_general3A_138 = arith.constant dense<0.000000e+00> : vector<1x512xf32>
    %dot_general3A_139 = tpu.matmul %broadcast_in_dim3A_21, %mul3A_137, %dot_general3A_138 {dimension_numbers = #tpu.dot_dimension_numbers<[1], [0], [0], [1], [0, 0, 1, 1], [], []>, transpose_lhs_hint = false} : vector<1x512xf32>, vector<512x512xf32>, vector<1x512xf32> -> vector<1x512xf32>
    %add3A_140 = arith.addf %dot_general3A_44, %add3A_131 : vector<1x128xf32>
    %dot_general3A_141 = arith.constant dense<0.000000e+00> : vector<1x512xf32>
    %dot_general3A_142 = tpu.matmul %add3A_140, %convert_element_type3A_134, %dot_general3A_141 {dimension_numbers = #tpu.dot_dimension_numbers<[1], [1], [0], [0], [0, 0, 1, 0], [], []>, transpose_lhs_hint = false} : vector<1x128xf32>, vector<512x128xf32>, vector<1x512xf32> -> vector<1x512xf32>
    %add3A_143 = arith.addf %dot_general3A_139, %dot_general3A_142 : vector<1x512xf32>
    %sub3A_144 = arith.constant 1.000000e+00 : f32
    %sub3A_145 = vector.broadcast %sub3A_144 : f32 to vector<1x512xf32>
    %sub3A_146 = arith.subf %add3A_143, %sub3A_145 : vector<1x512xf32>
    %dot_general3A_147 = arith.constant dense<0.000000e+00> : vector<1x128xf32>
    %dot_general3A_148 = tpu.matmul %broadcast_in_dim3A_21, %convert_element_type3A_134, %dot_general3A_147 {dimension_numbers = #tpu.dot_dimension_numbers<[1], [0], [0], [1], [0, 0, 1, 1], [], []>, transpose_lhs_hint = false} : vector<1x512xf32>, vector<512x128xf32>, vector<1x128xf32> -> vector<1x128xf32>
    %add3A_149 = arith.addf %add3A_131, %dot_general3A_148 : vector<1x128xf32>
    %convert_element_type3A_150 = arith.fptosi %sub3A_146 : vector<1x512xf32> to vector<1x512xi32>
    %slice3A_151 = vector.extract_strided_slice %convert_element_type3A_40 {offsets = [3072, 0], sizes = [512, 128], strides = [1, 1]} : vector<8192x128xbf16> to vector<512x128xbf16>
    %convert_element_type3A_152 = arith.extf %slice3A_151 : vector<512x128xbf16> to vector<512x128xf32>
    %dot_general3A_153 = arith.constant dense<0.000000e+00> : vector<512x512xf32>
    %dot_general3A_154 = tpu.matmul %slice3A_151, %slice3A_151, %dot_general3A_153 {dimension_numbers = #tpu.dot_dimension_numbers<[1], [1], [0], [0], [0, 0, 1, 0], [], []>, transpose_lhs_hint = false} : vector<512x128xbf16>, vector<512x128xbf16>, vector<512x512xf32> -> vector<512x512xf32>
    %mul3A_155 = arith.mulf %dot_general3A_154, %convert_element_type3A_12 : vector<512x512xf32>
    %dot_general3A_156 = arith.constant dense<0.000000e+00> : vector<1x512xf32>
    %dot_general3A_157 = tpu.matmul %broadcast_in_dim3A_21, %mul3A_155, %dot_general3A_156 {dimension_numbers = #tpu.dot_dimension_numbers<[1], [0], [0], [1], [0, 0, 1, 1], [], []>, transpose_lhs_hint = false} : vector<1x512xf32>, vector<512x512xf32>, vector<1x512xf32> -> vector<1x512xf32>
    %add3A_158 = arith.addf %dot_general3A_44, %add3A_149 : vector<1x128xf32>
    %dot_general3A_159 = arith.constant dense<0.000000e+00> : vector<1x512xf32>
    %dot_general3A_160 = tpu.matmul %add3A_158, %convert_element_type3A_152, %dot_general3A_159 {dimension_numbers = #tpu.dot_dimension_numbers<[1], [1], [0], [0], [0, 0, 1, 0], [], []>, transpose_lhs_hint = false} : vector<1x128xf32>, vector<512x128xf32>, vector<1x512xf32> -> vector<1x512xf32>
    %add3A_161 = arith.addf %dot_general3A_157, %dot_general3A_160 : vector<1x512xf32>
    %sub3A_162 = arith.constant 1.000000e+00 : f32
    %sub3A_163 = vector.broadcast %sub3A_162 : f32 to vector<1x512xf32>
    %sub3A_164 = arith.subf %add3A_161, %sub3A_163 : vector<1x512xf32>
    %dot_general3A_165 = arith.constant dense<0.000000e+00> : vector<1x128xf32>
    %dot_general3A_166 = tpu.matmul %broadcast_in_dim3A_21, %convert_element_type3A_152, %dot_general3A_165 {dimension_numbers = #tpu.dot_dimension_numbers<[1], [0], [0], [1], [0, 0, 1, 1], [], []>, transpose_lhs_hint = false} : vector<1x512xf32>, vector<512x128xf32>, vector<1x128xf32> -> vector<1x128xf32>
    %add3A_167 = arith.addf %add3A_149, %dot_general3A_166 : vector<1x128xf32>
    %convert_element_type3A_168 = arith.fptosi %sub3A_164 : vector<1x512xf32> to vector<1x512xi32>
    %slice3A_169 = vector.extract_strided_slice %convert_element_type3A_40 {offsets = [3584, 0], sizes = [512, 128], strides = [1, 1]} : vector<8192x128xbf16> to vector<512x128xbf16>
    %convert_element_type3A_170 = arith.extf %slice3A_169 : vector<512x128xbf16> to vector<512x128xf32>
    %dot_general3A_171 = arith.constant dense<0.000000e+00> : vector<512x512xf32>
    %dot_general3A_172 = tpu.matmul %slice3A_169, %slice3A_169, %dot_general3A_171 {dimension_numbers = #tpu.dot_dimension_numbers<[1], [1], [0], [0], [0, 0, 1, 0], [], []>, transpose_lhs_hint = false} : vector<512x128xbf16>, vector<512x128xbf16>, vector<512x512xf32> -> vector<512x512xf32>
    %mul3A_173 = arith.mulf %dot_general3A_172, %convert_element_type3A_12 : vector<512x512xf32>
    %dot_general3A_174 = arith.constant dense<0.000000e+00> : vector<1x512xf32>
    %dot_general3A_175 = tpu.matmul %broadcast_in_dim3A_21, %mul3A_173, %dot_general3A_174 {dimension_numbers = #tpu.dot_dimension_numbers<[1], [0], [0], [1], [0, 0, 1, 1], [], []>, transpose_lhs_hint = false} : vector<1x512xf32>, vector<512x512xf32>, vector<1x512xf32> -> vector<1x512xf32>
    %add3A_176 = arith.addf %dot_general3A_44, %add3A_167 : vector<1x128xf32>
    %dot_general3A_177 = arith.constant dense<0.000000e+00> : vector<1x512xf32>
    %dot_general3A_178 = tpu.matmul %add3A_176, %convert_element_type3A_170, %dot_general3A_177 {dimension_numbers = #tpu.dot_dimension_numbers<[1], [1], [0], [0], [0, 0, 1, 0], [], []>, transpose_lhs_hint = false} : vector<1x128xf32>, vector<512x128xf32>, vector<1x512xf32> -> vector<1x512xf32>
    %add3A_179 = arith.addf %dot_general3A_175, %dot_general3A_178 : vector<1x512xf32>
    %sub3A_180 = arith.constant 1.000000e+00 : f32
    %sub3A_181 = vector.broadcast %sub3A_180 : f32 to vector<1x512xf32>
    %sub3A_182 = arith.subf %add3A_179, %sub3A_181 : vector<1x512xf32>
    %dot_general3A_183 = arith.constant dense<0.000000e+00> : vector<1x128xf32>
    %dot_general3A_184 = tpu.matmul %broadcast_in_dim3A_21, %convert_element_type3A_170, %dot_general3A_183 {dimension_numbers = #tpu.dot_dimension_numbers<[1], [0], [0], [1], [0, 0, 1, 1], [], []>, transpose_lhs_hint = false} : vector<1x512xf32>, vector<512x128xf32>, vector<1x128xf32> -> vector<1x128xf32>
    %add3A_185 = arith.addf %add3A_167, %dot_general3A_184 : vector<1x128xf32>
    %convert_element_type3A_186 = arith.fptosi %sub3A_182 : vector<1x512xf32> to vector<1x512xi32>
    %slice3A_187 = vector.extract_strided_slice %convert_element_type3A_40 {offsets = [4096, 0], sizes = [512, 128], strides = [1, 1]} : vector<8192x128xbf16> to vector<512x128xbf16>
    %convert_element_type3A_188 = arith.extf %slice3A_187 : vector<512x128xbf16> to vector<512x128xf32>
    %dot_general3A_189 = arith.constant dense<0.000000e+00> : vector<512x512xf32>
    %dot_general3A_190 = tpu.matmul %slice3A_187, %slice3A_187, %dot_general3A_189 {dimension_numbers = #tpu.dot_dimension_numbers<[1], [1], [0], [0], [0, 0, 1, 0], [], []>, transpose_lhs_hint = false} : vector<512x128xbf16>, vector<512x128xbf16>, vector<512x512xf32> -> vector<512x512xf32>
    %mul3A_191 = arith.mulf %dot_general3A_190, %convert_element_type3A_12 : vector<512x512xf32>
    %dot_general3A_192 = arith.constant dense<0.000000e+00> : vector<1x512xf32>
    %dot_general3A_193 = tpu.matmul %broadcast_in_dim3A_21, %mul3A_191, %dot_general3A_192 {dimension_numbers = #tpu.dot_dimension_numbers<[1], [0], [0], [1], [0, 0, 1, 1], [], []>, transpose_lhs_hint = false} : vector<1x512xf32>, vector<512x512xf32>, vector<1x512xf32> -> vector<1x512xf32>
    %add3A_194 = arith.addf %dot_general3A_44, %add3A_185 : vector<1x128xf32>
    %dot_general3A_195 = arith.constant dense<0.000000e+00> : vector<1x512xf32>
    %dot_general3A_196 = tpu.matmul %add3A_194, %convert_element_type3A_188, %dot_general3A_195 {dimension_numbers = #tpu.dot_dimension_numbers<[1], [1], [0], [0], [0, 0, 1, 0], [], []>, transpose_lhs_hint = false} : vector<1x128xf32>, vector<512x128xf32>, vector<1x512xf32> -> vector<1x512xf32>
    %add3A_197 = arith.addf %dot_general3A_193, %dot_general3A_196 : vector<1x512xf32>
    %sub3A_198 = arith.constant 1.000000e+00 : f32
    %sub3A_199 = vector.broadcast %sub3A_198 : f32 to vector<1x512xf32>
    %sub3A_200 = arith.subf %add3A_197, %sub3A_199 : vector<1x512xf32>
    %dot_general3A_201 = arith.constant dense<0.000000e+00> : vector<1x128xf32>
    %dot_general3A_202 = tpu.matmul %broadcast_in_dim3A_21, %convert_element_type3A_188, %dot_general3A_201 {dimension_numbers = #tpu.dot_dimension_numbers<[1], [0], [0], [1], [0, 0, 1, 1], [], []>, transpose_lhs_hint = false} : vector<1x512xf32>, vector<512x128xf32>, vector<1x128xf32> -> vector<1x128xf32>
    %add3A_203 = arith.addf %add3A_185, %dot_general3A_202 : vector<1x128xf32>
    %convert_element_type3A_204 = arith.fptosi %sub3A_200 : vector<1x512xf32> to vector<1x512xi32>
    %slice3A_205 = vector.extract_strided_slice %convert_element_type3A_40 {offsets = [4608, 0], sizes = [512, 128], strides = [1, 1]} : vector<8192x128xbf16> to vector<512x128xbf16>
    %convert_element_type3A_206 = arith.extf %slice3A_205 : vector<512x128xbf16> to vector<512x128xf32>
    %dot_general3A_207 = arith.constant dense<0.000000e+00> : vector<512x512xf32>
    %dot_general3A_208 = tpu.matmul %slice3A_205, %slice3A_205, %dot_general3A_207 {dimension_numbers = #tpu.dot_dimension_numbers<[1], [1], [0], [0], [0, 0, 1, 0], [], []>, transpose_lhs_hint = false} : vector<512x128xbf16>, vector<512x128xbf16>, vector<512x512xf32> -> vector<512x512xf32>
    %mul3A_209 = arith.mulf %dot_general3A_208, %convert_element_type3A_12 : vector<512x512xf32>
    %dot_general3A_210 = arith.constant dense<0.000000e+00> : vector<1x512xf32>
    %dot_general3A_211 = tpu.matmul %broadcast_in_dim3A_21, %mul3A_209, %dot_general3A_210 {dimension_numbers = #tpu.dot_dimension_numbers<[1], [0], [0], [1], [0, 0, 1, 1], [], []>, transpose_lhs_hint = false} : vector<1x512xf32>, vector<512x512xf32>, vector<1x512xf32> -> vector<1x512xf32>
    %add3A_212 = arith.addf %dot_general3A_44, %add3A_203 : vector<1x128xf32>
    %dot_general3A_213 = arith.constant dense<0.000000e+00> : vector<1x512xf32>
    %dot_general3A_214 = tpu.matmul %add3A_212, %convert_element_type3A_206, %dot_general3A_213 {dimension_numbers = #tpu.dot_dimension_numbers<[1], [1], [0], [0], [0, 0, 1, 0], [], []>, transpose_lhs_hint = false} : vector<1x128xf32>, vector<512x128xf32>, vector<1x512xf32> -> vector<1x512xf32>
    %add3A_215 = arith.addf %dot_general3A_211, %dot_general3A_214 : vector<1x512xf32>
    %sub3A_216 = arith.constant 1.000000e+00 : f32
    %sub3A_217 = vector.broadcast %sub3A_216 : f32 to vector<1x512xf32>
    %sub3A_218 = arith.subf %add3A_215, %sub3A_217 : vector<1x512xf32>
    %dot_general3A_219 = arith.constant dense<0.000000e+00> : vector<1x128xf32>
    %dot_general3A_220 = tpu.matmul %broadcast_in_dim3A_21, %convert_element_type3A_206, %dot_general3A_219 {dimension_numbers = #tpu.dot_dimension_numbers<[1], [0], [0], [1], [0, 0, 1, 1], [], []>, transpose_lhs_hint = false} : vector<1x512xf32>, vector<512x128xf32>, vector<1x128xf32> -> vector<1x128xf32>
    %add3A_221 = arith.addf %add3A_203, %dot_general3A_220 : vector<1x128xf32>
    %convert_element_type3A_222 = arith.fptosi %sub3A_218 : vector<1x512xf32> to vector<1x512xi32>
    %slice3A_223 = vector.extract_strided_slice %convert_element_type3A_40 {offsets = [5120, 0], sizes = [512, 128], strides = [1, 1]} : vector<8192x128xbf16> to vector<512x128xbf16>
    %convert_element_type3A_224 = arith.extf %slice3A_223 : vector<512x128xbf16> to vector<512x128xf32>
    %dot_general3A_225 = arith.constant dense<0.000000e+00> : vector<512x512xf32>
    %dot_general3A_226 = tpu.matmul %slice3A_223, %slice3A_223, %dot_general3A_225 {dimension_numbers = #tpu.dot_dimension_numbers<[1], [1], [0], [0], [0, 0, 1, 0], [], []>, transpose_lhs_hint = false} : vector<512x128xbf16>, vector<512x128xbf16>, vector<512x512xf32> -> vector<512x512xf32>
    %mul3A_227 = arith.mulf %dot_general3A_226, %convert_element_type3A_12 : vector<512x512xf32>
    %dot_general3A_228 = arith.constant dense<0.000000e+00> : vector<1x512xf32>
    %dot_general3A_229 = tpu.matmul %broadcast_in_dim3A_21, %mul3A_227, %dot_general3A_228 {dimension_numbers = #tpu.dot_dimension_numbers<[1], [0], [0], [1], [0, 0, 1, 1], [], []>, transpose_lhs_hint = false} : vector<1x512xf32>, vector<512x512xf32>, vector<1x512xf32> -> vector<1x512xf32>
    %add3A_230 = arith.addf %dot_general3A_44, %add3A_221 : vector<1x128xf32>
    %dot_general3A_231 = arith.constant dense<0.000000e+00> : vector<1x512xf32>
    %dot_general3A_232 = tpu.matmul %add3A_230, %convert_element_type3A_224, %dot_general3A_231 {dimension_numbers = #tpu.dot_dimension_numbers<[1], [1], [0], [0], [0, 0, 1, 0], [], []>, transpose_lhs_hint = false} : vector<1x128xf32>, vector<512x128xf32>, vector<1x512xf32> -> vector<1x512xf32>
    %add3A_233 = arith.addf %dot_general3A_229, %dot_general3A_232 : vector<1x512xf32>
    %sub3A_234 = arith.constant 1.000000e+00 : f32
    %sub3A_235 = vector.broadcast %sub3A_234 : f32 to vector<1x512xf32>
    %sub3A_236 = arith.subf %add3A_233, %sub3A_235 : vector<1x512xf32>
    %dot_general3A_237 = arith.constant dense<0.000000e+00> : vector<1x128xf32>
    %dot_general3A_238 = tpu.matmul %broadcast_in_dim3A_21, %convert_element_type3A_224, %dot_general3A_237 {dimension_numbers = #tpu.dot_dimension_numbers<[1], [0], [0], [1], [0, 0, 1, 1], [], []>, transpose_lhs_hint = false} : vector<1x512xf32>, vector<512x128xf32>, vector<1x128xf32> -> vector<1x128xf32>
    %add3A_239 = arith.addf %add3A_221, %dot_general3A_238 : vector<1x128xf32>
    %convert_element_type3A_240 = arith.fptosi %sub3A_236 : vector<1x512xf32> to vector<1x512xi32>
    %slice3A_241 = vector.extract_strided_slice %convert_element_type3A_40 {offsets = [5632, 0], sizes = [512, 128], strides = [1, 1]} : vector<8192x128xbf16> to vector<512x128xbf16>
    %convert_element_type3A_242 = arith.extf %slice3A_241 : vector<512x128xbf16> to vector<512x128xf32>
    %dot_general3A_243 = arith.constant dense<0.000000e+00> : vector<512x512xf32>
    %dot_general3A_244 = tpu.matmul %slice3A_241, %slice3A_241, %dot_general3A_243 {dimension_numbers = #tpu.dot_dimension_numbers<[1], [1], [0], [0], [0, 0, 1, 0], [], []>, transpose_lhs_hint = false} : vector<512x128xbf16>, vector<512x128xbf16>, vector<512x512xf32> -> vector<512x512xf32>
    %mul3A_245 = arith.mulf %dot_general3A_244, %convert_element_type3A_12 : vector<512x512xf32>
    %dot_general3A_246 = arith.constant dense<0.000000e+00> : vector<1x512xf32>
    %dot_general3A_247 = tpu.matmul %broadcast_in_dim3A_21, %mul3A_245, %dot_general3A_246 {dimension_numbers = #tpu.dot_dimension_numbers<[1], [0], [0], [1], [0, 0, 1, 1], [], []>, transpose_lhs_hint = false} : vector<1x512xf32>, vector<512x512xf32>, vector<1x512xf32> -> vector<1x512xf32>
    %add3A_248 = arith.addf %dot_general3A_44, %add3A_239 : vector<1x128xf32>
    %dot_general3A_249 = arith.constant dense<0.000000e+00> : vector<1x512xf32>
    %dot_general3A_250 = tpu.matmul %add3A_248, %convert_element_type3A_242, %dot_general3A_249 {dimension_numbers = #tpu.dot_dimension_numbers<[1], [1], [0], [0], [0, 0, 1, 0], [], []>, transpose_lhs_hint = false} : vector<1x128xf32>, vector<512x128xf32>, vector<1x512xf32> -> vector<1x512xf32>
    %add3A_251 = arith.addf %dot_general3A_247, %dot_general3A_250 : vector<1x512xf32>
    %sub3A_252 = arith.constant 1.000000e+00 : f32
    %sub3A_253 = vector.broadcast %sub3A_252 : f32 to vector<1x512xf32>
    %sub3A_254 = arith.subf %add3A_251, %sub3A_253 : vector<1x512xf32>
    %dot_general3A_255 = arith.constant dense<0.000000e+00> : vector<1x128xf32>
    %dot_general3A_256 = tpu.matmul %broadcast_in_dim3A_21, %convert_element_type3A_242, %dot_general3A_255 {dimension_numbers = #tpu.dot_dimension_numbers<[1], [0], [0], [1], [0, 0, 1, 1], [], []>, transpose_lhs_hint = false} : vector<1x512xf32>, vector<512x128xf32>, vector<1x128xf32> -> vector<1x128xf32>
    %add3A_257 = arith.addf %add3A_239, %dot_general3A_256 : vector<1x128xf32>
    %convert_element_type3A_258 = arith.fptosi %sub3A_254 : vector<1x512xf32> to vector<1x512xi32>
    %slice3A_259 = vector.extract_strided_slice %convert_element_type3A_40 {offsets = [6144, 0], sizes = [512, 128], strides = [1, 1]} : vector<8192x128xbf16> to vector<512x128xbf16>
    %convert_element_type3A_260 = arith.extf %slice3A_259 : vector<512x128xbf16> to vector<512x128xf32>
    %dot_general3A_261 = arith.constant dense<0.000000e+00> : vector<512x512xf32>
    %dot_general3A_262 = tpu.matmul %slice3A_259, %slice3A_259, %dot_general3A_261 {dimension_numbers = #tpu.dot_dimension_numbers<[1], [1], [0], [0], [0, 0, 1, 0], [], []>, transpose_lhs_hint = false} : vector<512x128xbf16>, vector<512x128xbf16>, vector<512x512xf32> -> vector<512x512xf32>
    %mul3A_263 = arith.mulf %dot_general3A_262, %convert_element_type3A_12 : vector<512x512xf32>
    %dot_general3A_264 = arith.constant dense<0.000000e+00> : vector<1x512xf32>
    %dot_general3A_265 = tpu.matmul %broadcast_in_dim3A_21, %mul3A_263, %dot_general3A_264 {dimension_numbers = #tpu.dot_dimension_numbers<[1], [0], [0], [1], [0, 0, 1, 1], [], []>, transpose_lhs_hint = false} : vector<1x512xf32>, vector<512x512xf32>, vector<1x512xf32> -> vector<1x512xf32>
    %add3A_266 = arith.addf %dot_general3A_44, %add3A_257 : vector<1x128xf32>
    %dot_general3A_267 = arith.constant dense<0.000000e+00> : vector<1x512xf32>
    %dot_general3A_268 = tpu.matmul %add3A_266, %convert_element_type3A_260, %dot_general3A_267 {dimension_numbers = #tpu.dot_dimension_numbers<[1], [1], [0], [0], [0, 0, 1, 0], [], []>, transpose_lhs_hint = false} : vector<1x128xf32>, vector<512x128xf32>, vector<1x512xf32> -> vector<1x512xf32>
    %add3A_269 = arith.addf %dot_general3A_265, %dot_general3A_268 : vector<1x512xf32>
    %sub3A_270 = arith.constant 1.000000e+00 : f32
    %sub3A_271 = vector.broadcast %sub3A_270 : f32 to vector<1x512xf32>
    %sub3A_272 = arith.subf %add3A_269, %sub3A_271 : vector<1x512xf32>
    %dot_general3A_273 = arith.constant dense<0.000000e+00> : vector<1x128xf32>
    %dot_general3A_274 = tpu.matmul %broadcast_in_dim3A_21, %convert_element_type3A_260, %dot_general3A_273 {dimension_numbers = #tpu.dot_dimension_numbers<[1], [0], [0], [1], [0, 0, 1, 1], [], []>, transpose_lhs_hint = false} : vector<1x512xf32>, vector<512x128xf32>, vector<1x128xf32> -> vector<1x128xf32>
    %add3A_275 = arith.addf %add3A_257, %dot_general3A_274 : vector<1x128xf32>
    %convert_element_type3A_276 = arith.fptosi %sub3A_272 : vector<1x512xf32> to vector<1x512xi32>
    %slice3A_277 = vector.extract_strided_slice %convert_element_type3A_40 {offsets = [6656, 0], sizes = [512, 128], strides = [1, 1]} : vector<8192x128xbf16> to vector<512x128xbf16>
    %convert_element_type3A_278 = arith.extf %slice3A_277 : vector<512x128xbf16> to vector<512x128xf32>
    %dot_general3A_279 = arith.constant dense<0.000000e+00> : vector<512x512xf32>
    %dot_general3A_280 = tpu.matmul %slice3A_277, %slice3A_277, %dot_general3A_279 {dimension_numbers = #tpu.dot_dimension_numbers<[1], [1], [0], [0], [0, 0, 1, 0], [], []>, transpose_lhs_hint = false} : vector<512x128xbf16>, vector<512x128xbf16>, vector<512x512xf32> -> vector<512x512xf32>
    %mul3A_281 = arith.mulf %dot_general3A_280, %convert_element_type3A_12 : vector<512x512xf32>
    %dot_general3A_282 = arith.constant dense<0.000000e+00> : vector<1x512xf32>
    %dot_general3A_283 = tpu.matmul %broadcast_in_dim3A_21, %mul3A_281, %dot_general3A_282 {dimension_numbers = #tpu.dot_dimension_numbers<[1], [0], [0], [1], [0, 0, 1, 1], [], []>, transpose_lhs_hint = false} : vector<1x512xf32>, vector<512x512xf32>, vector<1x512xf32> -> vector<1x512xf32>
    %add3A_284 = arith.addf %dot_general3A_44, %add3A_275 : vector<1x128xf32>
    %dot_general3A_285 = arith.constant dense<0.000000e+00> : vector<1x512xf32>
    %dot_general3A_286 = tpu.matmul %add3A_284, %convert_element_type3A_278, %dot_general3A_285 {dimension_numbers = #tpu.dot_dimension_numbers<[1], [1], [0], [0], [0, 0, 1, 0], [], []>, transpose_lhs_hint = false} : vector<1x128xf32>, vector<512x128xf32>, vector<1x512xf32> -> vector<1x512xf32>
    %add3A_287 = arith.addf %dot_general3A_283, %dot_general3A_286 : vector<1x512xf32>
    %sub3A_288 = arith.constant 1.000000e+00 : f32
    %sub3A_289 = vector.broadcast %sub3A_288 : f32 to vector<1x512xf32>
    %sub3A_290 = arith.subf %add3A_287, %sub3A_289 : vector<1x512xf32>
    %dot_general3A_291 = arith.constant dense<0.000000e+00> : vector<1x128xf32>
    %dot_general3A_292 = tpu.matmul %broadcast_in_dim3A_21, %convert_element_type3A_278, %dot_general3A_291 {dimension_numbers = #tpu.dot_dimension_numbers<[1], [0], [0], [1], [0, 0, 1, 1], [], []>, transpose_lhs_hint = false} : vector<1x512xf32>, vector<512x128xf32>, vector<1x128xf32> -> vector<1x128xf32>
    %add3A_293 = arith.addf %add3A_275, %dot_general3A_292 : vector<1x128xf32>
    %convert_element_type3A_294 = arith.fptosi %sub3A_290 : vector<1x512xf32> to vector<1x512xi32>
    %slice3A_295 = vector.extract_strided_slice %convert_element_type3A_40 {offsets = [7168, 0], sizes = [512, 128], strides = [1, 1]} : vector<8192x128xbf16> to vector<512x128xbf16>
    %convert_element_type3A_296 = arith.extf %slice3A_295 : vector<512x128xbf16> to vector<512x128xf32>
    %dot_general3A_297 = arith.constant dense<0.000000e+00> : vector<512x512xf32>
    %dot_general3A_298 = tpu.matmul %slice3A_295, %slice3A_295, %dot_general3A_297 {dimension_numbers = #tpu.dot_dimension_numbers<[1], [1], [0], [0], [0, 0, 1, 0], [], []>, transpose_lhs_hint = false} : vector<512x128xbf16>, vector<512x128xbf16>, vector<512x512xf32> -> vector<512x512xf32>
    %mul3A_299 = arith.mulf %dot_general3A_298, %convert_element_type3A_12 : vector<512x512xf32>
    %dot_general3A_300 = arith.constant dense<0.000000e+00> : vector<1x512xf32>
    %dot_general3A_301 = tpu.matmul %broadcast_in_dim3A_21, %mul3A_299, %dot_general3A_300 {dimension_numbers = #tpu.dot_dimension_numbers<[1], [0], [0], [1], [0, 0, 1, 1], [], []>, transpose_lhs_hint = false} : vector<1x512xf32>, vector<512x512xf32>, vector<1x512xf32> -> vector<1x512xf32>
    %add3A_302 = arith.addf %dot_general3A_44, %add3A_293 : vector<1x128xf32>
    %dot_general3A_303 = arith.constant dense<0.000000e+00> : vector<1x512xf32>
    %dot_general3A_304 = tpu.matmul %add3A_302, %convert_element_type3A_296, %dot_general3A_303 {dimension_numbers = #tpu.dot_dimension_numbers<[1], [1], [0], [0], [0, 0, 1, 0], [], []>, transpose_lhs_hint = false} : vector<1x128xf32>, vector<512x128xf32>, vector<1x512xf32> -> vector<1x512xf32>
    %add3A_305 = arith.addf %dot_general3A_301, %dot_general3A_304 : vector<1x512xf32>
    %sub3A_306 = arith.constant 1.000000e+00 : f32
    %sub3A_307 = vector.broadcast %sub3A_306 : f32 to vector<1x512xf32>
    %sub3A_308 = arith.subf %add3A_305, %sub3A_307 : vector<1x512xf32>
    %dot_general3A_309 = arith.constant dense<0.000000e+00> : vector<1x128xf32>
    %dot_general3A_310 = tpu.matmul %broadcast_in_dim3A_21, %convert_element_type3A_296, %dot_general3A_309 {dimension_numbers = #tpu.dot_dimension_numbers<[1], [0], [0], [1], [0, 0, 1, 1], [], []>, transpose_lhs_hint = false} : vector<1x512xf32>, vector<512x128xf32>, vector<1x128xf32> -> vector<1x128xf32>
    %add3A_311 = arith.addf %add3A_293, %dot_general3A_310 : vector<1x128xf32>
    %convert_element_type3A_312 = arith.fptosi %sub3A_308 : vector<1x512xf32> to vector<1x512xi32>
    %slice3A_313 = vector.extract_strided_slice %convert_element_type3A_40 {offsets = [7680, 0], sizes = [512, 128], strides = [1, 1]} : vector<8192x128xbf16> to vector<512x128xbf16>
    %convert_element_type3A_314 = arith.extf %slice3A_313 : vector<512x128xbf16> to vector<512x128xf32>
    %dot_general3A_315 = arith.constant dense<0.000000e+00> : vector<512x512xf32>
    %dot_general3A_316 = tpu.matmul %slice3A_313, %slice3A_313, %dot_general3A_315 {dimension_numbers = #tpu.dot_dimension_numbers<[1], [1], [0], [0], [0, 0, 1, 0], [], []>, transpose_lhs_hint = false} : vector<512x128xbf16>, vector<512x128xbf16>, vector<512x512xf32> -> vector<512x512xf32>
    %mul3A_317 = arith.mulf %dot_general3A_316, %convert_element_type3A_12 : vector<512x512xf32>
    %dot_general3A_318 = arith.constant dense<0.000000e+00> : vector<1x512xf32>
    %dot_general3A_319 = tpu.matmul %broadcast_in_dim3A_21, %mul3A_317, %dot_general3A_318 {dimension_numbers = #tpu.dot_dimension_numbers<[1], [0], [0], [1], [0, 0, 1, 1], [], []>, transpose_lhs_hint = false} : vector<1x512xf32>, vector<512x512xf32>, vector<1x512xf32> -> vector<1x512xf32>
    %add3A_320 = arith.addf %dot_general3A_44, %add3A_311 : vector<1x128xf32>
    %dot_general3A_321 = arith.constant dense<0.000000e+00> : vector<1x512xf32>
    %dot_general3A_322 = tpu.matmul %add3A_320, %convert_element_type3A_314, %dot_general3A_321 {dimension_numbers = #tpu.dot_dimension_numbers<[1], [1], [0], [0], [0, 0, 1, 0], [], []>, transpose_lhs_hint = false} : vector<1x128xf32>, vector<512x128xf32>, vector<1x512xf32> -> vector<1x512xf32>
    %add3A_323 = arith.addf %dot_general3A_319, %dot_general3A_322 : vector<1x512xf32>
    %sub3A_324 = arith.constant 1.000000e+00 : f32
    %sub3A_325 = vector.broadcast %sub3A_324 : f32 to vector<1x512xf32>
    %sub3A_326 = arith.subf %add3A_323, %sub3A_325 : vector<1x512xf32>
    %convert_element_type3A_327 = arith.fptosi %sub3A_326 : vector<1x512xf32> to vector<1x512xi32>
    %concatenate3A = tpu.concatenate %convert_element_type3A_60, %convert_element_type3A_78, %convert_element_type3A_96, %convert_element_type3A_114, %convert_element_type3A_132, %convert_element_type3A_150, %convert_element_type3A_168, %convert_element_type3A_186, %convert_element_type3A_204, %convert_element_type3A_222, %convert_element_type3A_240, %convert_element_type3A_258, %convert_element_type3A_276, %convert_element_type3A_294, %convert_element_type3A_312, %convert_element_type3A_327 in 1 : vector<1x512xi32>, vector<1x512xi32>, vector<1x512xi32>, vector<1x512xi32>, vector<1x512xi32>, vector<1x512xi32>, vector<1x512xi32>, vector<1x512xi32>, vector<1x512xi32>, vector<1x512xi32>, vector<1x512xi32>, vector<1x512xi32>, vector<1x512xi32>, vector<1x512xi32>, vector<1x512xi32>, vector<1x512xi32> -> vector<1x8192xi32>
    %squeeze3A = vector.shape_cast %concatenate3A : vector<1x8192xi32> to vector<8192xi32>
    %mul3A_328 = arith.constant 8192 : i32
    %mul3A_329 = arith.muli %arg0, %mul3A_328 : i32
    %add3A_330 = vector.broadcast %mul3A_329 : i32 to vector<8192xi32>
    %add3A_331 = arith.addi %squeeze3A, %add3A_330 : vector<8192xi32>
    %swap3A = arith.constant 0 : index
    %swap3A_332 = arith.constant 0 : index
    %swap3A_333 = arith.constant 0 : index
    %swap3A_334 = vector.load %arg4[%swap3A, %swap3A_332, %swap3A_333] : memref<1x1x8192xi32, #tpu.memory_space<vmem>>, vector<1x1x8192xi32>
    %swap3A_335 = vector.shape_cast %swap3A_334 : vector<1x1x8192xi32> to vector<8192xi32>
    %swap3A_336 = vector.shape_cast %add3A_331 : vector<8192xi32> to vector<1x1x8192xi32>
    tpu.vector_store %arg4[%swap3A, %swap3A_332, %swap3A_333], %swap3A_336 {strides = array<i32>} : memref<1x1x8192xi32, #tpu.memory_space<vmem>>, vector<1x1x8192xi32>,
    %get3A_337 = arith.constant 0 : index
    %get3A_338 = arith.constant 0 : index
    %get3A_339 = arith.constant 0 : index
    %get3A_340 = vector.load %arg1[%get3A_337, %get3A_338, %get3A_339] : memref<1x8192x64xf32, #tpu.memory_space<vmem>>, vector<1x8192x64xf32>
    %get3A_341 = vector.shape_cast %get3A_340 : vector<1x8192x64xf32> to vector<8192x64xf32>
    %get3A_342 = arith.constant 0 : index
    %get3A_343 = arith.constant 0 : index
    %get3A_344 = arith.constant 0 : index
    %get3A_345 = vector.load %arg2[%get3A_342, %get3A_343, %get3A_344] : memref<1x8192x64xf32, #tpu.memory_space<vmem>>, vector<1x8192x64xf32>
    %get3A_346 = vector.shape_cast %get3A_345 : vector<1x8192x64xf32> to vector<8192x64xf32>
    %concatenate3A_347 = tpu.concatenate %get3A_341, %get3A_346 in 1 : vector<8192x64xf32>, vector<8192x64xf32> -> vector<8192x128xf32>
    %swap3A_348 = arith.constant 0 : index
    %swap3A_349 = arith.constant 0 : index
    %swap3A_350 = arith.constant 0 : index
    %swap3A_351 = vector.load %arg5[%swap3A_348, %swap3A_349, %swap3A_350] : memref<1x8192x128xf32, #tpu.memory_space<vmem>>, vector<1x8192x128xf32>
    %swap3A_352 = vector.shape_cast %swap3A_351 : vector<1x8192x128xf32> to vector<8192x128xf32>
    %swap3A_353 = vector.shape_cast %concatenate3A_347 : vector<8192x128xf32> to vector<1x8192x128xf32>
    tpu.vector_store %arg5[%swap3A_348, %swap3A_349, %swap3A_350], %swap3A_353 {strides = array<i32>} : memref<1x8192x128xf32, #tpu.memory_space<vmem>>, vector<1x8192x128xf32>,
    return
  }
  func.func @transform_0(%arg0: i32) -> (i32, i32, i32) {
    %c0_i32 = arith.constant 0 : i32
    %c0_i32_0 = arith.constant 0 : i32
    %c0_i32_1 = arith.constant 0 : i32
    return %arg0, %c0_i32, %c0_i32_0 : i32, i32, i32
  }
  func.func @transform_1(%arg0: i32) -> (i32, i32, i32) {
    %c0_i32 = arith.constant 0 : i32
    %c0_i32_0 = arith.constant 0 : i32
    %c0_i32_1 = arith.constant 0 : i32
    return %arg0, %c0_i32, %c0_i32_0 : i32, i32, i32
  }
  func.func @transform_2(%arg0: i32) -> (i32, i32) {
    %c0_i32 = arith.constant 0 : i32
    %c0_i32_0 = arith.constant 0 : i32
    %c0_i32_1 = arith.constant 0 : i32
    return %c0_i32, %c0_i32_0 : i32, i32
  }
  func.func @transform_3(%arg0: i32) -> (i32, i32, i32) {
    %c0_i32 = arith.constant 0 : i32
    %c0_i32_0 = arith.constant 0 : i32
    %c0_i32_1 = arith.constant 0 : i32
    return %arg0, %c0_i32, %c0_i32_0 : i32, i32, i32
  }
  func.func @transform_4(%arg0: i32) -> (i32, i32, i32) {
    %c0_i32 = arith.constant 0 : i32
    %c0_i32_0 = arith.constant 0 : i32
    %c0_i32_1 = arith.constant 0 : i32
    return %arg0, %c0_i32, %c0_i32_0 : i32, i32, i32
  }
}

module attributes {stable_mosaic.version = 14 : i64} {
  func.func @_attn_body(%arg0: i32, %arg1: i32, %arg2: memref<1x8x256x128xf32, #tpu.memory_space<vmem>>, %arg3: memref<1x8x256x128xf32, #tpu.memory_space<vmem>>, %arg4: memref<1x256x128xf32, #tpu.memory_space<vmem>>, %arg5: memref<1x1x256xi32, #tpu.memory_space<vmem>>, %arg6: memref<1x8x256x64xf32, #tpu.memory_space<vmem>>) attributes {dimension_semantics = [#tpu.dimension_semantics<arbitrary>, #tpu.dimension_semantics<arbitrary>], iteration_bounds = array<i64: 32, 4>, scalar_prefetch = 0 : i64, scratch_operands = 0 : i64, tpu.core_type = #tpu.core_type<tc>, window_params = [{transform_indices = @transform_0, window_bounds = array<i64: 1, 8, 256, 128>}, {transform_indices = @transform_1, window_bounds = array<i64: 1, 8, 256, 128>}, {transform_indices = @transform_2, window_bounds = array<i64: 1, 256, 128>}, {transform_indices = @transform_3, window_bounds = array<i64: 1, 1, 256>}, {transform_indices = @transform_4, window_bounds = array<i64: 1, 8, 256, 64>}]} {
    %get3A = arith.constant 0 : index
    %get3A_0 = arith.constant 0 : index
    %get3A_1 = arith.constant 0 : index
    %get3A_2 = vector.load %arg4[%get3A, %get3A_0, %get3A_1] : memref<1x256x128xf32, #tpu.memory_space<vmem>>, vector<1x256x128xf32>
    %get3A_3 = vector.shape_cast %get3A_2 : vector<1x256x128xf32> to vector<256x128xf32>
    %slice3A = vector.extract_strided_slice %get3A_3 {offsets = [0, 0], sizes = [256, 64], strides = [1, 1]} : vector<256x128xf32> to vector<256x64xf32>
    %slice3A_4 = vector.extract_strided_slice %get3A_3 {offsets = [0, 64], sizes = [256, 64], strides = [1, 1]} : vector<256x128xf32> to vector<256x64xf32>
    %get3A_5 = arith.constant 0 : index
    %get3A_6 = arith.constant 0 : index
    %get3A_7 = arith.constant 0 : index
    %get3A_8 = vector.load %arg5[%get3A_5, %get3A_6, %get3A_7] : memref<1x1x256xi32, #tpu.memory_space<vmem>>, vector<1x1x256xi32>
    %get3A_9 = vector.shape_cast %get3A_8 : vector<1x1x256xi32> to vector<256xi32>
    %jit3A = arith.constant 256 : i32
    %div3A = vector.broadcast %jit3A : i32 to vector<256xi32>
    %div3A_10 = arith.divsi %get3A_9, %div3A : vector<256xi32>
    %sign3A = arith.constant 0 : i32
    %sign3A_11 = vector.broadcast %sign3A : i32 to vector<256xi32>
    %sign3A_12 = arith.cmpi sgt, %get3A_9, %sign3A_11 : vector<256xi32>
    %sign3A_13 = arith.extui %sign3A_12 : vector<256xi1> to vector<256xi32>
    %sign3A_14 = arith.constant 0 : i32
    %sign3A_15 = vector.broadcast %sign3A_14 : i32 to vector<256xi32>
    %sign3A_16 = arith.cmpi slt, %get3A_9, %sign3A_15 : vector<256xi32>
    %sign3A_17 = arith.extui %sign3A_16 : vector<256xi1> to vector<256xi32>
    %sign3A_18 = arith.subi %sign3A_13, %sign3A_17 : vector<256xi32>
    %sign3A_19 = arith.constant 0 : i32
    %sign3A_20 = arith.cmpi sgt, %jit3A, %sign3A_19 : i32
    %sign3A_21 = arith.extui %sign3A_20 : i1 to i32
    %sign3A_22 = arith.constant 0 : i32
    %sign3A_23 = arith.cmpi slt, %jit3A, %sign3A_22 : i32
    %sign3A_24 = arith.extui %sign3A_23 : i1 to i32
    %sign3A_25 = arith.subi %sign3A_21, %sign3A_24 : i32
    %ne3A = vector.broadcast %sign3A_25 : i32 to vector<256xi32>
    %ne3A_26 = arith.cmpi ne, %sign3A_18, %ne3A : vector<256xi32>
    %rem3A = vector.broadcast %jit3A : i32 to vector<256xi32>
    %rem3A_27 = arith.remsi %get3A_9, %rem3A : vector<256xi32>
    %ne3A_28 = arith.constant 0 : i32
    %ne3A_29 = vector.broadcast %ne3A_28 : i32 to vector<256xi32>
    %ne3A_30 = arith.cmpi ne, %rem3A_27, %ne3A_29 : vector<256xi32>
    %and3A = arith.andi %ne3A_26, %ne3A_30 : vector<256xi1>
    %sub3A = arith.constant 1 : i32
    %sub3A_31 = vector.broadcast %sub3A : i32 to vector<256xi32>
    %sub3A_32 = arith.subi %div3A_10, %sub3A_31 : vector<256xi32>
    %select_n3A = arith.select %and3A, %sub3A_32, %div3A_10 : vector<256xi1>, vector<256xi32>
    %mul3A = arith.constant 8 : i32
    %mul3A_33 = arith.muli %arg1, %mul3A : i32
    %add3A = arith.constant 0 : i32
    %add3A_34 = arith.addi %mul3A_33, %add3A : i32
    %get3A_35 = arith.constant 0 : index
    %get3A_36 = arith.constant 0 : index
    %get3A_37 = arith.constant 0 : index
    %get3A_38 = arith.constant 0 : index
    %get3A_39 = vector.load %arg2[%get3A_35, %get3A_36, %get3A_37, %get3A_38] : memref<1x8x256x128xf32, #tpu.memory_space<vmem>>, vector<1x1x256x128xf32>
    %get3A_40 = vector.shape_cast %get3A_39 : vector<1x1x256x128xf32> to vector<256x128xf32>
    %slice3A_41 = vector.extract_strided_slice %get3A_40 {offsets = [0, 0], sizes = [256, 64], strides = [1, 1]} : vector<256x128xf32> to vector<256x64xf32>
    %get3A_42 = arith.constant 0 : index
    %get3A_43 = arith.constant 0 : index
    %get3A_44 = arith.constant 0 : index
    %get3A_45 = arith.constant 0 : index
    %get3A_46 = vector.load %arg3[%get3A_42, %get3A_43, %get3A_44, %get3A_45] : memref<1x8x256x128xf32, #tpu.memory_space<vmem>>, vector<1x1x256x128xf32>
    %get3A_47 = vector.shape_cast %get3A_46 : vector<1x1x256x128xf32> to vector<256x128xf32>
    %slice3A_48 = vector.extract_strided_slice %get3A_47 {offsets = [0, 0], sizes = [256, 64], strides = [1, 1]} : vector<256x128xf32> to vector<256x64xf32>
    %slice3A_49 = vector.extract_strided_slice %get3A_47 {offsets = [0, 64], sizes = [256, 64], strides = [1, 1]} : vector<256x128xf32> to vector<256x64xf32>
    %dot_general3A = arith.constant dense<0.000000e+00> : vector<256x256xf32>
    %dot_general3A_50 = tpu.matmul %slice3A_41, %slice3A_48, %dot_general3A {dimension_numbers = #tpu.dot_dimension_numbers<[1], [1], [0], [0], [0, 0, 1, 0], [], []>, transpose_lhs_hint = false} : vector<256x64xf32>, vector<256x64xf32>, vector<256x256xf32> -> vector<256x256xf32>
    %mul3A_51 = arith.constant 1.250000e-01 : f32
    %mul3A_52 = vector.broadcast %mul3A_51 : f32 to vector<256x256xf32>
    %mul3A_53 = arith.mulf %dot_general3A_50, %mul3A_52 : vector<256x256xf32>
    %reduce_max3A = arith.constant dense<0xFF800000> : vector<256xf32>
    %reduce_max3A_54 = vector.multi_reduction <maximumf>, %mul3A_53, %reduce_max3A [1] : vector<256x256xf32> to vector<256xf32>
    %broadcast_in_dim3A = vector.shape_cast %reduce_max3A_54 : vector<256xf32> to vector<256x1xf32>
    %sub3A_55 = vector.broadcast %broadcast_in_dim3A : vector<256x1xf32> to vector<256x256xf32>
    %sub3A_56 = arith.subf %mul3A_53, %sub3A_55 : vector<256x256xf32>
    %exp3A = math.exp %sub3A_56 : vector<256x256xf32>
    %reduce_sum3A = arith.constant dense<0.000000e+00> : vector<256xf32>
    %reduce_sum3A_57 = vector.multi_reduction <add>, %exp3A, %reduce_sum3A [1] : vector<256x256xf32> to vector<256xf32>
    %broadcast_in_dim3A_58 = vector.shape_cast %reduce_sum3A_57 : vector<256xf32> to vector<256x1xf32>
    %dot_general3A_59 = arith.constant dense<0.000000e+00> : vector<256x64xf32>
    %dot_general3A_60 = tpu.matmul %exp3A, %slice3A_49, %dot_general3A_59 {dimension_numbers = #tpu.dot_dimension_numbers<[1], [0], [0], [1], [0, 0, 1, 1], [], []>, transpose_lhs_hint = false} : vector<256x256xf32>, vector<256x64xf32>, vector<256x64xf32> -> vector<256x64xf32>
    %log3A = math.log %broadcast_in_dim3A_58 : vector<256x1xf32>
    %add3A_61 = arith.addf %broadcast_in_dim3A, %log3A : vector<256x1xf32>
    %dot_general3A_62 = arith.constant dense<0.000000e+00> : vector<256x256xf32>
    %dot_general3A_63 = tpu.matmul %slice3A_41, %slice3A, %dot_general3A_62 {dimension_numbers = #tpu.dot_dimension_numbers<[1], [1], [0], [0], [0, 0, 1, 0], [], []>, transpose_lhs_hint = false} : vector<256x64xf32>, vector<256x64xf32>, vector<256x256xf32> -> vector<256x256xf32>
    %mul3A_64 = arith.constant 1.250000e-01 : f32
    %mul3A_65 = vector.broadcast %mul3A_64 : f32 to vector<256x256xf32>
    %mul3A_66 = arith.mulf %dot_general3A_63, %mul3A_65 : vector<256x256xf32>
    %eq3A = vector.broadcast %add3A_34 : i32 to vector<256xi32>
    %eq3A_67 = arith.cmpi eq, %select_n3A, %eq3A : vector<256xi32>
    %jit3A_68 = arith.constant -3.40282347E+38 : f32
    %jit3A_69 = arith.constant 0.000000e+00 : f32
    %broadcast_in_dim3A_70 = vector.broadcast %jit3A_68 : f32 to vector<256xf32>
    %broadcast_in_dim3A_71 = vector.broadcast %jit3A_69 : f32 to vector<256xf32>
    %select_n3A_72 = arith.select %eq3A_67, %broadcast_in_dim3A_70, %broadcast_in_dim3A_71 : vector<256xi1>, vector<256xf32>
    %broadcast_in_dim3A_73 = vector.shape_cast %select_n3A_72 : vector<256xf32> to vector<1x256xf32>
    %add3A_74 = vector.broadcast %broadcast_in_dim3A_73 : vector<1x256xf32> to vector<256x256xf32>
    %add3A_75 = arith.addf %mul3A_66, %add3A_74 : vector<256x256xf32>
    %reduce_max3A_76 = arith.constant dense<0xFF800000> : vector<256xf32>
    %reduce_max3A_77 = vector.multi_reduction <maximumf>, %add3A_75, %reduce_max3A_76 [1] : vector<256x256xf32> to vector<256xf32>
    %broadcast_in_dim3A_78 = vector.shape_cast %reduce_max3A_77 : vector<256xf32> to vector<256x1xf32>
    %sub3A_79 = vector.broadcast %broadcast_in_dim3A_78 : vector<256x1xf32> to vector<256x256xf32>
    %sub3A_80 = arith.subf %add3A_75, %sub3A_79 : vector<256x256xf32>
    %exp3A_81 = math.exp %sub3A_80 : vector<256x256xf32>
    %reduce_sum3A_82 = arith.constant dense<0.000000e+00> : vector<256xf32>
    %reduce_sum3A_83 = vector.multi_reduction <add>, %exp3A_81, %reduce_sum3A_82 [1] : vector<256x256xf32> to vector<256xf32>
    %broadcast_in_dim3A_84 = vector.shape_cast %reduce_sum3A_83 : vector<256xf32> to vector<256x1xf32>
    %dot_general3A_85 = arith.constant dense<0.000000e+00> : vector<256x64xf32>
    %dot_general3A_86 = tpu.matmul %exp3A_81, %slice3A_4, %dot_general3A_85 {dimension_numbers = #tpu.dot_dimension_numbers<[1], [0], [0], [1], [0, 0, 1, 1], [], []>, transpose_lhs_hint = false} : vector<256x256xf32>, vector<256x64xf32>, vector<256x64xf32> -> vector<256x64xf32>
    %log3A_87 = math.log %broadcast_in_dim3A_84 : vector<256x1xf32>
    %add3A_88 = arith.addf %broadcast_in_dim3A_78, %log3A_87 : vector<256x1xf32>
    %add3A_89 = arith.constant 3.46573591 : f32
    %add3A_90 = vector.broadcast %add3A_89 : f32 to vector<256x1xf32>
    %add3A_91 = arith.addf %add3A_88, %add3A_90 : vector<256x1xf32>
    %sub3A_92 = arith.subf %add3A_61, %add3A_91 : vector<256x1xf32>
    %logistic3A = arith.negf %sub3A_92 : vector<256x1xf32>
    %logistic3A_93 = math.exp %logistic3A : vector<256x1xf32>
    %logistic3A_94 = arith.constant 1.000000e+00 : f32
    %logistic3A_95 = vector.broadcast %logistic3A_94 : f32 to vector<256x1xf32>
    %logistic3A_96 = arith.addf %logistic3A_95, %logistic3A_93 : vector<256x1xf32>
    %logistic3A_97 = arith.divf %logistic3A_95, %logistic3A_96 : vector<256x1xf32>
    %div3A_98 = vector.broadcast %broadcast_in_dim3A_58 : vector<256x1xf32> to vector<256x64xf32>
    %div3A_99 = arith.divf %dot_general3A_60, %div3A_98 : vector<256x64xf32>
    %mul3A_100 = vector.broadcast %logistic3A_97 : vector<256x1xf32> to vector<256x64xf32>
    %mul3A_101 = arith.mulf %mul3A_100, %div3A_99 : vector<256x64xf32>
    %sub3A_102 = arith.constant 1.000000e+00 : f32
    %sub3A_103 = vector.broadcast %sub3A_102 : f32 to vector<256x1xf32>
    %sub3A_104 = arith.subf %sub3A_103, %logistic3A_97 : vector<256x1xf32>
    %div3A_105 = vector.broadcast %broadcast_in_dim3A_84 : vector<256x1xf32> to vector<256x64xf32>
    %div3A_106 = arith.divf %dot_general3A_86, %div3A_105 : vector<256x64xf32>
    %mul3A_107 = vector.broadcast %sub3A_104 : vector<256x1xf32> to vector<256x64xf32>
    %mul3A_108 = arith.mulf %mul3A_107, %div3A_106 : vector<256x64xf32>
    %add3A_109 = arith.addf %mul3A_101, %mul3A_108 : vector<256x64xf32>
    %swap3A = arith.constant 0 : index
    %swap3A_110 = arith.constant 0 : index
    %swap3A_111 = arith.constant 0 : index
    %swap3A_112 = arith.constant 0 : index
    %swap3A_113 = vector.load %arg6[%swap3A, %swap3A_110, %swap3A_111, %swap3A_112] : memref<1x8x256x64xf32, #tpu.memory_space<vmem>>, vector<1x1x256x64xf32>
    %swap3A_114 = vector.shape_cast %swap3A_113 : vector<1x1x256x64xf32> to vector<256x64xf32>
    %swap3A_115 = vector.shape_cast %add3A_109 : vector<256x64xf32> to vector<1x1x256x64xf32>
    tpu.vector_store %arg6[%swap3A, %swap3A_110, %swap3A_111, %swap3A_112], %swap3A_115 {strides = array<i32>} : memref<1x8x256x64xf32, #tpu.memory_space<vmem>>, vector<1x1x256x64xf32>,
    %mul3A_116 = arith.constant 8 : i32
    %mul3A_117 = arith.muli %arg1, %mul3A_116 : i32
    %add3A_118 = arith.constant 1 : i32
    %add3A_119 = arith.addi %mul3A_117, %add3A_118 : i32
    %get3A_120 = arith.constant 0 : index
    %get3A_121 = arith.constant 1 : index
    %get3A_122 = arith.constant 0 : index
    %get3A_123 = arith.constant 0 : index
    %get3A_124 = vector.load %arg2[%get3A_120, %get3A_121, %get3A_122, %get3A_123] : memref<1x8x256x128xf32, #tpu.memory_space<vmem>>, vector<1x1x256x128xf32>
    %get3A_125 = vector.shape_cast %get3A_124 : vector<1x1x256x128xf32> to vector<256x128xf32>
    %slice3A_126 = vector.extract_strided_slice %get3A_125 {offsets = [0, 0], sizes = [256, 64], strides = [1, 1]} : vector<256x128xf32> to vector<256x64xf32>
    %get3A_127 = arith.constant 0 : index
    %get3A_128 = arith.constant 1 : index
    %get3A_129 = arith.constant 0 : index
    %get3A_130 = arith.constant 0 : index
    %get3A_131 = vector.load %arg3[%get3A_127, %get3A_128, %get3A_129, %get3A_130] : memref<1x8x256x128xf32, #tpu.memory_space<vmem>>, vector<1x1x256x128xf32>
    %get3A_132 = vector.shape_cast %get3A_131 : vector<1x1x256x128xf32> to vector<256x128xf32>
    %slice3A_133 = vector.extract_strided_slice %get3A_132 {offsets = [0, 0], sizes = [256, 64], strides = [1, 1]} : vector<256x128xf32> to vector<256x64xf32>
    %slice3A_134 = vector.extract_strided_slice %get3A_132 {offsets = [0, 64], sizes = [256, 64], strides = [1, 1]} : vector<256x128xf32> to vector<256x64xf32>
    %dot_general3A_135 = arith.constant dense<0.000000e+00> : vector<256x256xf32>
    %dot_general3A_136 = tpu.matmul %slice3A_126, %slice3A_133, %dot_general3A_135 {dimension_numbers = #tpu.dot_dimension_numbers<[1], [1], [0], [0], [0, 0, 1, 0], [], []>, transpose_lhs_hint = false} : vector<256x64xf32>, vector<256x64xf32>, vector<256x256xf32> -> vector<256x256xf32>
    %mul3A_137 = arith.constant 1.250000e-01 : f32
    %mul3A_138 = vector.broadcast %mul3A_137 : f32 to vector<256x256xf32>
    %mul3A_139 = arith.mulf %dot_general3A_136, %mul3A_138 : vector<256x256xf32>
    %reduce_max3A_140 = arith.constant dense<0xFF800000> : vector<256xf32>
    %reduce_max3A_141 = vector.multi_reduction <maximumf>, %mul3A_139, %reduce_max3A_140 [1] : vector<256x256xf32> to vector<256xf32>
    %broadcast_in_dim3A_142 = vector.shape_cast %reduce_max3A_141 : vector<256xf32> to vector<256x1xf32>
    %sub3A_143 = vector.broadcast %broadcast_in_dim3A_142 : vector<256x1xf32> to vector<256x256xf32>
    %sub3A_144 = arith.subf %mul3A_139, %sub3A_143 : vector<256x256xf32>
    %exp3A_145 = math.exp %sub3A_144 : vector<256x256xf32>
    %reduce_sum3A_146 = arith.constant dense<0.000000e+00> : vector<256xf32>
    %reduce_sum3A_147 = vector.multi_reduction <add>, %exp3A_145, %reduce_sum3A_146 [1] : vector<256x256xf32> to vector<256xf32>
    %broadcast_in_dim3A_148 = vector.shape_cast %reduce_sum3A_147 : vector<256xf32> to vector<256x1xf32>
    %dot_general3A_149 = arith.constant dense<0.000000e+00> : vector<256x64xf32>
    %dot_general3A_150 = tpu.matmul %exp3A_145, %slice3A_134, %dot_general3A_149 {dimension_numbers = #tpu.dot_dimension_numbers<[1], [0], [0], [1], [0, 0, 1, 1], [], []>, transpose_lhs_hint = false} : vector<256x256xf32>, vector<256x64xf32>, vector<256x64xf32> -> vector<256x64xf32>
    %log3A_151 = math.log %broadcast_in_dim3A_148 : vector<256x1xf32>
    %add3A_152 = arith.addf %broadcast_in_dim3A_142, %log3A_151 : vector<256x1xf32>
    %dot_general3A_153 = arith.constant dense<0.000000e+00> : vector<256x256xf32>
    %dot_general3A_154 = tpu.matmul %slice3A_126, %slice3A, %dot_general3A_153 {dimension_numbers = #tpu.dot_dimension_numbers<[1], [1], [0], [0], [0, 0, 1, 0], [], []>, transpose_lhs_hint = false} : vector<256x64xf32>, vector<256x64xf32>, vector<256x256xf32> -> vector<256x256xf32>
    %mul3A_155 = arith.constant 1.250000e-01 : f32
    %mul3A_156 = vector.broadcast %mul3A_155 : f32 to vector<256x256xf32>
    %mul3A_157 = arith.mulf %dot_general3A_154, %mul3A_156 : vector<256x256xf32>
    %eq3A_158 = vector.broadcast %add3A_119 : i32 to vector<256xi32>
    %eq3A_159 = arith.cmpi eq, %select_n3A, %eq3A_158 : vector<256xi32>
    %jit3A_160 = arith.constant -3.40282347E+38 : f32
    %jit3A_161 = arith.constant 0.000000e+00 : f32
    %broadcast_in_dim3A_162 = vector.broadcast %jit3A_160 : f32 to vector<256xf32>
    %broadcast_in_dim3A_163 = vector.broadcast %jit3A_161 : f32 to vector<256xf32>
    %select_n3A_164 = arith.select %eq3A_159, %broadcast_in_dim3A_162, %broadcast_in_dim3A_163 : vector<256xi1>, vector<256xf32>
    %broadcast_in_dim3A_165 = vector.shape_cast %select_n3A_164 : vector<256xf32> to vector<1x256xf32>
    %add3A_166 = vector.broadcast %broadcast_in_dim3A_165 : vector<1x256xf32> to vector<256x256xf32>
    %add3A_167 = arith.addf %mul3A_157, %add3A_166 : vector<256x256xf32>
    %reduce_max3A_168 = arith.constant dense<0xFF800000> : vector<256xf32>
    %reduce_max3A_169 = vector.multi_reduction <maximumf>, %add3A_167, %reduce_max3A_168 [1] : vector<256x256xf32> to vector<256xf32>
    %broadcast_in_dim3A_170 = vector.shape_cast %reduce_max3A_169 : vector<256xf32> to vector<256x1xf32>
    %sub3A_171 = vector.broadcast %broadcast_in_dim3A_170 : vector<256x1xf32> to vector<256x256xf32>
    %sub3A_172 = arith.subf %add3A_167, %sub3A_171 : vector<256x256xf32>
    %exp3A_173 = math.exp %sub3A_172 : vector<256x256xf32>
    %reduce_sum3A_174 = arith.constant dense<0.000000e+00> : vector<256xf32>
    %reduce_sum3A_175 = vector.multi_reduction <add>, %exp3A_173, %reduce_sum3A_174 [1] : vector<256x256xf32> to vector<256xf32>
    %broadcast_in_dim3A_176 = vector.shape_cast %reduce_sum3A_175 : vector<256xf32> to vector<256x1xf32>
    %dot_general3A_177 = arith.constant dense<0.000000e+00> : vector<256x64xf32>
    %dot_general3A_178 = tpu.matmul %exp3A_173, %slice3A_4, %dot_general3A_177 {dimension_numbers = #tpu.dot_dimension_numbers<[1], [0], [0], [1], [0, 0, 1, 1], [], []>, transpose_lhs_hint = false} : vector<256x256xf32>, vector<256x64xf32>, vector<256x64xf32> -> vector<256x64xf32>
    %log3A_179 = math.log %broadcast_in_dim3A_176 : vector<256x1xf32>
    %add3A_180 = arith.addf %broadcast_in_dim3A_170, %log3A_179 : vector<256x1xf32>
    %add3A_181 = arith.constant 3.46573591 : f32
    %add3A_182 = vector.broadcast %add3A_181 : f32 to vector<256x1xf32>
    %add3A_183 = arith.addf %add3A_180, %add3A_182 : vector<256x1xf32>
    %sub3A_184 = arith.subf %add3A_152, %add3A_183 : vector<256x1xf32>
    %logistic3A_185 = arith.negf %sub3A_184 : vector<256x1xf32>
    %logistic3A_186 = math.exp %logistic3A_185 : vector<256x1xf32>
    %logistic3A_187 = arith.constant 1.000000e+00 : f32
    %logistic3A_188 = vector.broadcast %logistic3A_187 : f32 to vector<256x1xf32>
    %logistic3A_189 = arith.addf %logistic3A_188, %logistic3A_186 : vector<256x1xf32>
    %logistic3A_190 = arith.divf %logistic3A_188, %logistic3A_189 : vector<256x1xf32>
    %div3A_191 = vector.broadcast %broadcast_in_dim3A_148 : vector<256x1xf32> to vector<256x64xf32>
    %div3A_192 = arith.divf %dot_general3A_150, %div3A_191 : vector<256x64xf32>
    %mul3A_193 = vector.broadcast %logistic3A_190 : vector<256x1xf32> to vector<256x64xf32>
    %mul3A_194 = arith.mulf %mul3A_193, %div3A_192 : vector<256x64xf32>
    %sub3A_195 = arith.constant 1.000000e+00 : f32
    %sub3A_196 = vector.broadcast %sub3A_195 : f32 to vector<256x1xf32>
    %sub3A_197 = arith.subf %sub3A_196, %logistic3A_190 : vector<256x1xf32>
    %div3A_198 = vector.broadcast %broadcast_in_dim3A_176 : vector<256x1xf32> to vector<256x64xf32>
    %div3A_199 = arith.divf %dot_general3A_178, %div3A_198 : vector<256x64xf32>
    %mul3A_200 = vector.broadcast %sub3A_197 : vector<256x1xf32> to vector<256x64xf32>
    %mul3A_201 = arith.mulf %mul3A_200, %div3A_199 : vector<256x64xf32>
    %add3A_202 = arith.addf %mul3A_194, %mul3A_201 : vector<256x64xf32>
    %swap3A_203 = arith.constant 0 : index
    %swap3A_204 = arith.constant 1 : index
    %swap3A_205 = arith.constant 0 : index
    %swap3A_206 = arith.constant 0 : index
    %swap3A_207 = vector.load %arg6[%swap3A_203, %swap3A_204, %swap3A_205, %swap3A_206] : memref<1x8x256x64xf32, #tpu.memory_space<vmem>>, vector<1x1x256x64xf32>
    %swap3A_208 = vector.shape_cast %swap3A_207 : vector<1x1x256x64xf32> to vector<256x64xf32>
    %swap3A_209 = vector.shape_cast %add3A_202 : vector<256x64xf32> to vector<1x1x256x64xf32>
    tpu.vector_store %arg6[%swap3A_203, %swap3A_204, %swap3A_205, %swap3A_206], %swap3A_209 {strides = array<i32>} : memref<1x8x256x64xf32, #tpu.memory_space<vmem>>, vector<1x1x256x64xf32>,
    %mul3A_210 = arith.constant 8 : i32
    %mul3A_211 = arith.muli %arg1, %mul3A_210 : i32
    %add3A_212 = arith.constant 2 : i32
    %add3A_213 = arith.addi %mul3A_211, %add3A_212 : i32
    %get3A_214 = arith.constant 0 : index
    %get3A_215 = arith.constant 2 : index
    %get3A_216 = arith.constant 0 : index
    %get3A_217 = arith.constant 0 : index
    %get3A_218 = vector.load %arg2[%get3A_214, %get3A_215, %get3A_216, %get3A_217] : memref<1x8x256x128xf32, #tpu.memory_space<vmem>>, vector<1x1x256x128xf32>
    %get3A_219 = vector.shape_cast %get3A_218 : vector<1x1x256x128xf32> to vector<256x128xf32>
    %slice3A_220 = vector.extract_strided_slice %get3A_219 {offsets = [0, 0], sizes = [256, 64], strides = [1, 1]} : vector<256x128xf32> to vector<256x64xf32>
    %get3A_221 = arith.constant 0 : index
    %get3A_222 = arith.constant 2 : index
    %get3A_223 = arith.constant 0 : index
    %get3A_224 = arith.constant 0 : index
    %get3A_225 = vector.load %arg3[%get3A_221, %get3A_222, %get3A_223, %get3A_224] : memref<1x8x256x128xf32, #tpu.memory_space<vmem>>, vector<1x1x256x128xf32>
    %get3A_226 = vector.shape_cast %get3A_225 : vector<1x1x256x128xf32> to vector<256x128xf32>
    %slice3A_227 = vector.extract_strided_slice %get3A_226 {offsets = [0, 0], sizes = [256, 64], strides = [1, 1]} : vector<256x128xf32> to vector<256x64xf32>
    %slice3A_228 = vector.extract_strided_slice %get3A_226 {offsets = [0, 64], sizes = [256, 64], strides = [1, 1]} : vector<256x128xf32> to vector<256x64xf32>
    %dot_general3A_229 = arith.constant dense<0.000000e+00> : vector<256x256xf32>
    %dot_general3A_230 = tpu.matmul %slice3A_220, %slice3A_227, %dot_general3A_229 {dimension_numbers = #tpu.dot_dimension_numbers<[1], [1], [0], [0], [0, 0, 1, 0], [], []>, transpose_lhs_hint = false} : vector<256x64xf32>, vector<256x64xf32>, vector<256x256xf32> -> vector<256x256xf32>
    %mul3A_231 = arith.constant 1.250000e-01 : f32
    %mul3A_232 = vector.broadcast %mul3A_231 : f32 to vector<256x256xf32>
    %mul3A_233 = arith.mulf %dot_general3A_230, %mul3A_232 : vector<256x256xf32>
    %reduce_max3A_234 = arith.constant dense<0xFF800000> : vector<256xf32>
    %reduce_max3A_235 = vector.multi_reduction <maximumf>, %mul3A_233, %reduce_max3A_234 [1] : vector<256x256xf32> to vector<256xf32>
    %broadcast_in_dim3A_236 = vector.shape_cast %reduce_max3A_235 : vector<256xf32> to vector<256x1xf32>
    %sub3A_237 = vector.broadcast %broadcast_in_dim3A_236 : vector<256x1xf32> to vector<256x256xf32>
    %sub3A_238 = arith.subf %mul3A_233, %sub3A_237 : vector<256x256xf32>
    %exp3A_239 = math.exp %sub3A_238 : vector<256x256xf32>
    %reduce_sum3A_240 = arith.constant dense<0.000000e+00> : vector<256xf32>
    %reduce_sum3A_241 = vector.multi_reduction <add>, %exp3A_239, %reduce_sum3A_240 [1] : vector<256x256xf32> to vector<256xf32>
    %broadcast_in_dim3A_242 = vector.shape_cast %reduce_sum3A_241 : vector<256xf32> to vector<256x1xf32>
    %dot_general3A_243 = arith.constant dense<0.000000e+00> : vector<256x64xf32>
    %dot_general3A_244 = tpu.matmul %exp3A_239, %slice3A_228, %dot_general3A_243 {dimension_numbers = #tpu.dot_dimension_numbers<[1], [0], [0], [1], [0, 0, 1, 1], [], []>, transpose_lhs_hint = false} : vector<256x256xf32>, vector<256x64xf32>, vector<256x64xf32> -> vector<256x64xf32>
    %log3A_245 = math.log %broadcast_in_dim3A_242 : vector<256x1xf32>
    %add3A_246 = arith.addf %broadcast_in_dim3A_236, %log3A_245 : vector<256x1xf32>
    %dot_general3A_247 = arith.constant dense<0.000000e+00> : vector<256x256xf32>
    %dot_general3A_248 = tpu.matmul %slice3A_220, %slice3A, %dot_general3A_247 {dimension_numbers = #tpu.dot_dimension_numbers<[1], [1], [0], [0], [0, 0, 1, 0], [], []>, transpose_lhs_hint = false} : vector<256x64xf32>, vector<256x64xf32>, vector<256x256xf32> -> vector<256x256xf32>
    %mul3A_249 = arith.constant 1.250000e-01 : f32
    %mul3A_250 = vector.broadcast %mul3A_249 : f32 to vector<256x256xf32>
    %mul3A_251 = arith.mulf %dot_general3A_248, %mul3A_250 : vector<256x256xf32>
    %eq3A_252 = vector.broadcast %add3A_213 : i32 to vector<256xi32>
    %eq3A_253 = arith.cmpi eq, %select_n3A, %eq3A_252 : vector<256xi32>
    %jit3A_254 = arith.constant -3.40282347E+38 : f32
    %jit3A_255 = arith.constant 0.000000e+00 : f32
    %broadcast_in_dim3A_256 = vector.broadcast %jit3A_254 : f32 to vector<256xf32>
    %broadcast_in_dim3A_257 = vector.broadcast %jit3A_255 : f32 to vector<256xf32>
    %select_n3A_258 = arith.select %eq3A_253, %broadcast_in_dim3A_256, %broadcast_in_dim3A_257 : vector<256xi1>, vector<256xf32>
    %broadcast_in_dim3A_259 = vector.shape_cast %select_n3A_258 : vector<256xf32> to vector<1x256xf32>
    %add3A_260 = vector.broadcast %broadcast_in_dim3A_259 : vector<1x256xf32> to vector<256x256xf32>
    %add3A_261 = arith.addf %mul3A_251, %add3A_260 : vector<256x256xf32>
    %reduce_max3A_262 = arith.constant dense<0xFF800000> : vector<256xf32>
    %reduce_max3A_263 = vector.multi_reduction <maximumf>, %add3A_261, %reduce_max3A_262 [1] : vector<256x256xf32> to vector<256xf32>
    %broadcast_in_dim3A_264 = vector.shape_cast %reduce_max3A_263 : vector<256xf32> to vector<256x1xf32>
    %sub3A_265 = vector.broadcast %broadcast_in_dim3A_264 : vector<256x1xf32> to vector<256x256xf32>
    %sub3A_266 = arith.subf %add3A_261, %sub3A_265 : vector<256x256xf32>
    %exp3A_267 = math.exp %sub3A_266 : vector<256x256xf32>
    %reduce_sum3A_268 = arith.constant dense<0.000000e+00> : vector<256xf32>
    %reduce_sum3A_269 = vector.multi_reduction <add>, %exp3A_267, %reduce_sum3A_268 [1] : vector<256x256xf32> to vector<256xf32>
    %broadcast_in_dim3A_270 = vector.shape_cast %reduce_sum3A_269 : vector<256xf32> to vector<256x1xf32>
    %dot_general3A_271 = arith.constant dense<0.000000e+00> : vector<256x64xf32>
    %dot_general3A_272 = tpu.matmul %exp3A_267, %slice3A_4, %dot_general3A_271 {dimension_numbers = #tpu.dot_dimension_numbers<[1], [0], [0], [1], [0, 0, 1, 1], [], []>, transpose_lhs_hint = false} : vector<256x256xf32>, vector<256x64xf32>, vector<256x64xf32> -> vector<256x64xf32>
    %log3A_273 = math.log %broadcast_in_dim3A_270 : vector<256x1xf32>
    %add3A_274 = arith.addf %broadcast_in_dim3A_264, %log3A_273 : vector<256x1xf32>
    %add3A_275 = arith.constant 3.46573591 : f32
    %add3A_276 = vector.broadcast %add3A_275 : f32 to vector<256x1xf32>
    %add3A_277 = arith.addf %add3A_274, %add3A_276 : vector<256x1xf32>
    %sub3A_278 = arith.subf %add3A_246, %add3A_277 : vector<256x1xf32>
    %logistic3A_279 = arith.negf %sub3A_278 : vector<256x1xf32>
    %logistic3A_280 = math.exp %logistic3A_279 : vector<256x1xf32>
    %logistic3A_281 = arith.constant 1.000000e+00 : f32
    %logistic3A_282 = vector.broadcast %logistic3A_281 : f32 to vector<256x1xf32>
    %logistic3A_283 = arith.addf %logistic3A_282, %logistic3A_280 : vector<256x1xf32>
    %logistic3A_284 = arith.divf %logistic3A_282, %logistic3A_283 : vector<256x1xf32>
    %div3A_285 = vector.broadcast %broadcast_in_dim3A_242 : vector<256x1xf32> to vector<256x64xf32>
    %div3A_286 = arith.divf %dot_general3A_244, %div3A_285 : vector<256x64xf32>
    %mul3A_287 = vector.broadcast %logistic3A_284 : vector<256x1xf32> to vector<256x64xf32>
    %mul3A_288 = arith.mulf %mul3A_287, %div3A_286 : vector<256x64xf32>
    %sub3A_289 = arith.constant 1.000000e+00 : f32
    %sub3A_290 = vector.broadcast %sub3A_289 : f32 to vector<256x1xf32>
    %sub3A_291 = arith.subf %sub3A_290, %logistic3A_284 : vector<256x1xf32>
    %div3A_292 = vector.broadcast %broadcast_in_dim3A_270 : vector<256x1xf32> to vector<256x64xf32>
    %div3A_293 = arith.divf %dot_general3A_272, %div3A_292 : vector<256x64xf32>
    %mul3A_294 = vector.broadcast %sub3A_291 : vector<256x1xf32> to vector<256x64xf32>
    %mul3A_295 = arith.mulf %mul3A_294, %div3A_293 : vector<256x64xf32>
    %add3A_296 = arith.addf %mul3A_288, %mul3A_295 : vector<256x64xf32>
    %swap3A_297 = arith.constant 0 : index
    %swap3A_298 = arith.constant 2 : index
    %swap3A_299 = arith.constant 0 : index
    %swap3A_300 = arith.constant 0 : index
    %swap3A_301 = vector.load %arg6[%swap3A_297, %swap3A_298, %swap3A_299, %swap3A_300] : memref<1x8x256x64xf32, #tpu.memory_space<vmem>>, vector<1x1x256x64xf32>
    %swap3A_302 = vector.shape_cast %swap3A_301 : vector<1x1x256x64xf32> to vector<256x64xf32>
    %swap3A_303 = vector.shape_cast %add3A_296 : vector<256x64xf32> to vector<1x1x256x64xf32>
    tpu.vector_store %arg6[%swap3A_297, %swap3A_298, %swap3A_299, %swap3A_300], %swap3A_303 {strides = array<i32>} : memref<1x8x256x64xf32, #tpu.memory_space<vmem>>, vector<1x1x256x64xf32>,
    %mul3A_304 = arith.constant 8 : i32
    %mul3A_305 = arith.muli %arg1, %mul3A_304 : i32
    %add3A_306 = arith.constant 3 : i32
    %add3A_307 = arith.addi %mul3A_305, %add3A_306 : i32
    %get3A_308 = arith.constant 0 : index
    %get3A_309 = arith.constant 3 : index
    %get3A_310 = arith.constant 0 : index
    %get3A_311 = arith.constant 0 : index
    %get3A_312 = vector.load %arg2[%get3A_308, %get3A_309, %get3A_310, %get3A_311] : memref<1x8x256x128xf32, #tpu.memory_space<vmem>>, vector<1x1x256x128xf32>
    %get3A_313 = vector.shape_cast %get3A_312 : vector<1x1x256x128xf32> to vector<256x128xf32>
    %slice3A_314 = vector.extract_strided_slice %get3A_313 {offsets = [0, 0], sizes = [256, 64], strides = [1, 1]} : vector<256x128xf32> to vector<256x64xf32>
    %get3A_315 = arith.constant 0 : index
    %get3A_316 = arith.constant 3 : index
    %get3A_317 = arith.constant 0 : index
    %get3A_318 = arith.constant 0 : index
    %get3A_319 = vector.load %arg3[%get3A_315, %get3A_316, %get3A_317, %get3A_318] : memref<1x8x256x128xf32, #tpu.memory_space<vmem>>, vector<1x1x256x128xf32>
    %get3A_320 = vector.shape_cast %get3A_319 : vector<1x1x256x128xf32> to vector<256x128xf32>
    %slice3A_321 = vector.extract_strided_slice %get3A_320 {offsets = [0, 0], sizes = [256, 64], strides = [1, 1]} : vector<256x128xf32> to vector<256x64xf32>
    %slice3A_322 = vector.extract_strided_slice %get3A_320 {offsets = [0, 64], sizes = [256, 64], strides = [1, 1]} : vector<256x128xf32> to vector<256x64xf32>
    %dot_general3A_323 = arith.constant dense<0.000000e+00> : vector<256x256xf32>
    %dot_general3A_324 = tpu.matmul %slice3A_314, %slice3A_321, %dot_general3A_323 {dimension_numbers = #tpu.dot_dimension_numbers<[1], [1], [0], [0], [0, 0, 1, 0], [], []>, transpose_lhs_hint = false} : vector<256x64xf32>, vector<256x64xf32>, vector<256x256xf32> -> vector<256x256xf32>
    %mul3A_325 = arith.constant 1.250000e-01 : f32
    %mul3A_326 = vector.broadcast %mul3A_325 : f32 to vector<256x256xf32>
    %mul3A_327 = arith.mulf %dot_general3A_324, %mul3A_326 : vector<256x256xf32>
    %reduce_max3A_328 = arith.constant dense<0xFF800000> : vector<256xf32>
    %reduce_max3A_329 = vector.multi_reduction <maximumf>, %mul3A_327, %reduce_max3A_328 [1] : vector<256x256xf32> to vector<256xf32>
    %broadcast_in_dim3A_330 = vector.shape_cast %reduce_max3A_329 : vector<256xf32> to vector<256x1xf32>
    %sub3A_331 = vector.broadcast %broadcast_in_dim3A_330 : vector<256x1xf32> to vector<256x256xf32>
    %sub3A_332 = arith.subf %mul3A_327, %sub3A_331 : vector<256x256xf32>
    %exp3A_333 = math.exp %sub3A_332 : vector<256x256xf32>
    %reduce_sum3A_334 = arith.constant dense<0.000000e+00> : vector<256xf32>
    %reduce_sum3A_335 = vector.multi_reduction <add>, %exp3A_333, %reduce_sum3A_334 [1] : vector<256x256xf32> to vector<256xf32>
    %broadcast_in_dim3A_336 = vector.shape_cast %reduce_sum3A_335 : vector<256xf32> to vector<256x1xf32>
    %dot_general3A_337 = arith.constant dense<0.000000e+00> : vector<256x64xf32>
    %dot_general3A_338 = tpu.matmul %exp3A_333, %slice3A_322, %dot_general3A_337 {dimension_numbers = #tpu.dot_dimension_numbers<[1], [0], [0], [1], [0, 0, 1, 1], [], []>, transpose_lhs_hint = false} : vector<256x256xf32>, vector<256x64xf32>, vector<256x64xf32> -> vector<256x64xf32>
    %log3A_339 = math.log %broadcast_in_dim3A_336 : vector<256x1xf32>
    %add3A_340 = arith.addf %broadcast_in_dim3A_330, %log3A_339 : vector<256x1xf32>
    %dot_general3A_341 = arith.constant dense<0.000000e+00> : vector<256x256xf32>
    %dot_general3A_342 = tpu.matmul %slice3A_314, %slice3A, %dot_general3A_341 {dimension_numbers = #tpu.dot_dimension_numbers<[1], [1], [0], [0], [0, 0, 1, 0], [], []>, transpose_lhs_hint = false} : vector<256x64xf32>, vector<256x64xf32>, vector<256x256xf32> -> vector<256x256xf32>
    %mul3A_343 = arith.constant 1.250000e-01 : f32
    %mul3A_344 = vector.broadcast %mul3A_343 : f32 to vector<256x256xf32>
    %mul3A_345 = arith.mulf %dot_general3A_342, %mul3A_344 : vector<256x256xf32>
    %eq3A_346 = vector.broadcast %add3A_307 : i32 to vector<256xi32>
    %eq3A_347 = arith.cmpi eq, %select_n3A, %eq3A_346 : vector<256xi32>
    %jit3A_348 = arith.constant -3.40282347E+38 : f32
    %jit3A_349 = arith.constant 0.000000e+00 : f32
    %broadcast_in_dim3A_350 = vector.broadcast %jit3A_348 : f32 to vector<256xf32>
    %broadcast_in_dim3A_351 = vector.broadcast %jit3A_349 : f32 to vector<256xf32>
    %select_n3A_352 = arith.select %eq3A_347, %broadcast_in_dim3A_350, %broadcast_in_dim3A_351 : vector<256xi1>, vector<256xf32>
    %broadcast_in_dim3A_353 = vector.shape_cast %select_n3A_352 : vector<256xf32> to vector<1x256xf32>
    %add3A_354 = vector.broadcast %broadcast_in_dim3A_353 : vector<1x256xf32> to vector<256x256xf32>
    %add3A_355 = arith.addf %mul3A_345, %add3A_354 : vector<256x256xf32>
    %reduce_max3A_356 = arith.constant dense<0xFF800000> : vector<256xf32>
    %reduce_max3A_357 = vector.multi_reduction <maximumf>, %add3A_355, %reduce_max3A_356 [1] : vector<256x256xf32> to vector<256xf32>
    %broadcast_in_dim3A_358 = vector.shape_cast %reduce_max3A_357 : vector<256xf32> to vector<256x1xf32>
    %sub3A_359 = vector.broadcast %broadcast_in_dim3A_358 : vector<256x1xf32> to vector<256x256xf32>
    %sub3A_360 = arith.subf %add3A_355, %sub3A_359 : vector<256x256xf32>
    %exp3A_361 = math.exp %sub3A_360 : vector<256x256xf32>
    %reduce_sum3A_362 = arith.constant dense<0.000000e+00> : vector<256xf32>
    %reduce_sum3A_363 = vector.multi_reduction <add>, %exp3A_361, %reduce_sum3A_362 [1] : vector<256x256xf32> to vector<256xf32>
    %broadcast_in_dim3A_364 = vector.shape_cast %reduce_sum3A_363 : vector<256xf32> to vector<256x1xf32>
    %dot_general3A_365 = arith.constant dense<0.000000e+00> : vector<256x64xf32>
    %dot_general3A_366 = tpu.matmul %exp3A_361, %slice3A_4, %dot_general3A_365 {dimension_numbers = #tpu.dot_dimension_numbers<[1], [0], [0], [1], [0, 0, 1, 1], [], []>, transpose_lhs_hint = false} : vector<256x256xf32>, vector<256x64xf32>, vector<256x64xf32> -> vector<256x64xf32>
    %log3A_367 = math.log %broadcast_in_dim3A_364 : vector<256x1xf32>
    %add3A_368 = arith.addf %broadcast_in_dim3A_358, %log3A_367 : vector<256x1xf32>
    %add3A_369 = arith.constant 3.46573591 : f32
    %add3A_370 = vector.broadcast %add3A_369 : f32 to vector<256x1xf32>
    %add3A_371 = arith.addf %add3A_368, %add3A_370 : vector<256x1xf32>
    %sub3A_372 = arith.subf %add3A_340, %add3A_371 : vector<256x1xf32>
    %logistic3A_373 = arith.negf %sub3A_372 : vector<256x1xf32>
    %logistic3A_374 = math.exp %logistic3A_373 : vector<256x1xf32>
    %logistic3A_375 = arith.constant 1.000000e+00 : f32
    %logistic3A_376 = vector.broadcast %logistic3A_375 : f32 to vector<256x1xf32>
    %logistic3A_377 = arith.addf %logistic3A_376, %logistic3A_374 : vector<256x1xf32>
    %logistic3A_378 = arith.divf %logistic3A_376, %logistic3A_377 : vector<256x1xf32>
    %div3A_379 = vector.broadcast %broadcast_in_dim3A_336 : vector<256x1xf32> to vector<256x64xf32>
    %div3A_380 = arith.divf %dot_general3A_338, %div3A_379 : vector<256x64xf32>
    %mul3A_381 = vector.broadcast %logistic3A_378 : vector<256x1xf32> to vector<256x64xf32>
    %mul3A_382 = arith.mulf %mul3A_381, %div3A_380 : vector<256x64xf32>
    %sub3A_383 = arith.constant 1.000000e+00 : f32
    %sub3A_384 = vector.broadcast %sub3A_383 : f32 to vector<256x1xf32>
    %sub3A_385 = arith.subf %sub3A_384, %logistic3A_378 : vector<256x1xf32>
    %div3A_386 = vector.broadcast %broadcast_in_dim3A_364 : vector<256x1xf32> to vector<256x64xf32>
    %div3A_387 = arith.divf %dot_general3A_366, %div3A_386 : vector<256x64xf32>
    %mul3A_388 = vector.broadcast %sub3A_385 : vector<256x1xf32> to vector<256x64xf32>
    %mul3A_389 = arith.mulf %mul3A_388, %div3A_387 : vector<256x64xf32>
    %add3A_390 = arith.addf %mul3A_382, %mul3A_389 : vector<256x64xf32>
    %swap3A_391 = arith.constant 0 : index
    %swap3A_392 = arith.constant 3 : index
    %swap3A_393 = arith.constant 0 : index
    %swap3A_394 = arith.constant 0 : index
    %swap3A_395 = vector.load %arg6[%swap3A_391, %swap3A_392, %swap3A_393, %swap3A_394] : memref<1x8x256x64xf32, #tpu.memory_space<vmem>>, vector<1x1x256x64xf32>
    %swap3A_396 = vector.shape_cast %swap3A_395 : vector<1x1x256x64xf32> to vector<256x64xf32>
    %swap3A_397 = vector.shape_cast %add3A_390 : vector<256x64xf32> to vector<1x1x256x64xf32>
    tpu.vector_store %arg6[%swap3A_391, %swap3A_392, %swap3A_393, %swap3A_394], %swap3A_397 {strides = array<i32>} : memref<1x8x256x64xf32, #tpu.memory_space<vmem>>, vector<1x1x256x64xf32>,
    %mul3A_398 = arith.constant 8 : i32
    %mul3A_399 = arith.muli %arg1, %mul3A_398 : i32
    %add3A_400 = arith.constant 4 : i32
    %add3A_401 = arith.addi %mul3A_399, %add3A_400 : i32
    %get3A_402 = arith.constant 0 : index
    %get3A_403 = arith.constant 4 : index
    %get3A_404 = arith.constant 0 : index
    %get3A_405 = arith.constant 0 : index
    %get3A_406 = vector.load %arg2[%get3A_402, %get3A_403, %get3A_404, %get3A_405] : memref<1x8x256x128xf32, #tpu.memory_space<vmem>>, vector<1x1x256x128xf32>
    %get3A_407 = vector.shape_cast %get3A_406 : vector<1x1x256x128xf32> to vector<256x128xf32>
    %slice3A_408 = vector.extract_strided_slice %get3A_407 {offsets = [0, 0], sizes = [256, 64], strides = [1, 1]} : vector<256x128xf32> to vector<256x64xf32>
    %get3A_409 = arith.constant 0 : index
    %get3A_410 = arith.constant 4 : index
    %get3A_411 = arith.constant 0 : index
    %get3A_412 = arith.constant 0 : index
    %get3A_413 = vector.load %arg3[%get3A_409, %get3A_410, %get3A_411, %get3A_412] : memref<1x8x256x128xf32, #tpu.memory_space<vmem>>, vector<1x1x256x128xf32>
    %get3A_414 = vector.shape_cast %get3A_413 : vector<1x1x256x128xf32> to vector<256x128xf32>
    %slice3A_415 = vector.extract_strided_slice %get3A_414 {offsets = [0, 0], sizes = [256, 64], strides = [1, 1]} : vector<256x128xf32> to vector<256x64xf32>
    %slice3A_416 = vector.extract_strided_slice %get3A_414 {offsets = [0, 64], sizes = [256, 64], strides = [1, 1]} : vector<256x128xf32> to vector<256x64xf32>
    %dot_general3A_417 = arith.constant dense<0.000000e+00> : vector<256x256xf32>
    %dot_general3A_418 = tpu.matmul %slice3A_408, %slice3A_415, %dot_general3A_417 {dimension_numbers = #tpu.dot_dimension_numbers<[1], [1], [0], [0], [0, 0, 1, 0], [], []>, transpose_lhs_hint = false} : vector<256x64xf32>, vector<256x64xf32>, vector<256x256xf32> -> vector<256x256xf32>
    %mul3A_419 = arith.constant 1.250000e-01 : f32
    %mul3A_420 = vector.broadcast %mul3A_419 : f32 to vector<256x256xf32>
    %mul3A_421 = arith.mulf %dot_general3A_418, %mul3A_420 : vector<256x256xf32>
    %reduce_max3A_422 = arith.constant dense<0xFF800000> : vector<256xf32>
    %reduce_max3A_423 = vector.multi_reduction <maximumf>, %mul3A_421, %reduce_max3A_422 [1] : vector<256x256xf32> to vector<256xf32>
    %broadcast_in_dim3A_424 = vector.shape_cast %reduce_max3A_423 : vector<256xf32> to vector<256x1xf32>
    %sub3A_425 = vector.broadcast %broadcast_in_dim3A_424 : vector<256x1xf32> to vector<256x256xf32>
    %sub3A_426 = arith.subf %mul3A_421, %sub3A_425 : vector<256x256xf32>
    %exp3A_427 = math.exp %sub3A_426 : vector<256x256xf32>
    %reduce_sum3A_428 = arith.constant dense<0.000000e+00> : vector<256xf32>
    %reduce_sum3A_429 = vector.multi_reduction <add>, %exp3A_427, %reduce_sum3A_428 [1] : vector<256x256xf32> to vector<256xf32>
    %broadcast_in_dim3A_430 = vector.shape_cast %reduce_sum3A_429 : vector<256xf32> to vector<256x1xf32>
    %dot_general3A_431 = arith.constant dense<0.000000e+00> : vector<256x64xf32>
    %dot_general3A_432 = tpu.matmul %exp3A_427, %slice3A_416, %dot_general3A_431 {dimension_numbers = #tpu.dot_dimension_numbers<[1], [0], [0], [1], [0, 0, 1, 1], [], []>, transpose_lhs_hint = false} : vector<256x256xf32>, vector<256x64xf32>, vector<256x64xf32> -> vector<256x64xf32>
    %log3A_433 = math.log %broadcast_in_dim3A_430 : vector<256x1xf32>
    %add3A_434 = arith.addf %broadcast_in_dim3A_424, %log3A_433 : vector<256x1xf32>
    %dot_general3A_435 = arith.constant dense<0.000000e+00> : vector<256x256xf32>
    %dot_general3A_436 = tpu.matmul %slice3A_408, %slice3A, %dot_general3A_435 {dimension_numbers = #tpu.dot_dimension_numbers<[1], [1], [0], [0], [0, 0, 1, 0], [], []>, transpose_lhs_hint = false} : vector<256x64xf32>, vector<256x64xf32>, vector<256x256xf32> -> vector<256x256xf32>
    %mul3A_437 = arith.constant 1.250000e-01 : f32
    %mul3A_438 = vector.broadcast %mul3A_437 : f32 to vector<256x256xf32>
    %mul3A_439 = arith.mulf %dot_general3A_436, %mul3A_438 : vector<256x256xf32>
    %eq3A_440 = vector.broadcast %add3A_401 : i32 to vector<256xi32>
    %eq3A_441 = arith.cmpi eq, %select_n3A, %eq3A_440 : vector<256xi32>
    %jit3A_442 = arith.constant -3.40282347E+38 : f32
    %jit3A_443 = arith.constant 0.000000e+00 : f32
    %broadcast_in_dim3A_444 = vector.broadcast %jit3A_442 : f32 to vector<256xf32>
    %broadcast_in_dim3A_445 = vector.broadcast %jit3A_443 : f32 to vector<256xf32>
    %select_n3A_446 = arith.select %eq3A_441, %broadcast_in_dim3A_444, %broadcast_in_dim3A_445 : vector<256xi1>, vector<256xf32>
    %broadcast_in_dim3A_447 = vector.shape_cast %select_n3A_446 : vector<256xf32> to vector<1x256xf32>
    %add3A_448 = vector.broadcast %broadcast_in_dim3A_447 : vector<1x256xf32> to vector<256x256xf32>
    %add3A_449 = arith.addf %mul3A_439, %add3A_448 : vector<256x256xf32>
    %reduce_max3A_450 = arith.constant dense<0xFF800000> : vector<256xf32>
    %reduce_max3A_451 = vector.multi_reduction <maximumf>, %add3A_449, %reduce_max3A_450 [1] : vector<256x256xf32> to vector<256xf32>
    %broadcast_in_dim3A_452 = vector.shape_cast %reduce_max3A_451 : vector<256xf32> to vector<256x1xf32>
    %sub3A_453 = vector.broadcast %broadcast_in_dim3A_452 : vector<256x1xf32> to vector<256x256xf32>
    %sub3A_454 = arith.subf %add3A_449, %sub3A_453 : vector<256x256xf32>
    %exp3A_455 = math.exp %sub3A_454 : vector<256x256xf32>
    %reduce_sum3A_456 = arith.constant dense<0.000000e+00> : vector<256xf32>
    %reduce_sum3A_457 = vector.multi_reduction <add>, %exp3A_455, %reduce_sum3A_456 [1] : vector<256x256xf32> to vector<256xf32>
    %broadcast_in_dim3A_458 = vector.shape_cast %reduce_sum3A_457 : vector<256xf32> to vector<256x1xf32>
    %dot_general3A_459 = arith.constant dense<0.000000e+00> : vector<256x64xf32>
    %dot_general3A_460 = tpu.matmul %exp3A_455, %slice3A_4, %dot_general3A_459 {dimension_numbers = #tpu.dot_dimension_numbers<[1], [0], [0], [1], [0, 0, 1, 1], [], []>, transpose_lhs_hint = false} : vector<256x256xf32>, vector<256x64xf32>, vector<256x64xf32> -> vector<256x64xf32>
    %log3A_461 = math.log %broadcast_in_dim3A_458 : vector<256x1xf32>
    %add3A_462 = arith.addf %broadcast_in_dim3A_452, %log3A_461 : vector<256x1xf32>
    %add3A_463 = arith.constant 3.46573591 : f32
    %add3A_464 = vector.broadcast %add3A_463 : f32 to vector<256x1xf32>
    %add3A_465 = arith.addf %add3A_462, %add3A_464 : vector<256x1xf32>
    %sub3A_466 = arith.subf %add3A_434, %add3A_465 : vector<256x1xf32>
    %logistic3A_467 = arith.negf %sub3A_466 : vector<256x1xf32>
    %logistic3A_468 = math.exp %logistic3A_467 : vector<256x1xf32>
    %logistic3A_469 = arith.constant 1.000000e+00 : f32
    %logistic3A_470 = vector.broadcast %logistic3A_469 : f32 to vector<256x1xf32>
    %logistic3A_471 = arith.addf %logistic3A_470, %logistic3A_468 : vector<256x1xf32>
    %logistic3A_472 = arith.divf %logistic3A_470, %logistic3A_471 : vector<256x1xf32>
    %div3A_473 = vector.broadcast %broadcast_in_dim3A_430 : vector<256x1xf32> to vector<256x64xf32>
    %div3A_474 = arith.divf %dot_general3A_432, %div3A_473 : vector<256x64xf32>
    %mul3A_475 = vector.broadcast %logistic3A_472 : vector<256x1xf32> to vector<256x64xf32>
    %mul3A_476 = arith.mulf %mul3A_475, %div3A_474 : vector<256x64xf32>
    %sub3A_477 = arith.constant 1.000000e+00 : f32
    %sub3A_478 = vector.broadcast %sub3A_477 : f32 to vector<256x1xf32>
    %sub3A_479 = arith.subf %sub3A_478, %logistic3A_472 : vector<256x1xf32>
    %div3A_480 = vector.broadcast %broadcast_in_dim3A_458 : vector<256x1xf32> to vector<256x64xf32>
    %div3A_481 = arith.divf %dot_general3A_460, %div3A_480 : vector<256x64xf32>
    %mul3A_482 = vector.broadcast %sub3A_479 : vector<256x1xf32> to vector<256x64xf32>
    %mul3A_483 = arith.mulf %mul3A_482, %div3A_481 : vector<256x64xf32>
    %add3A_484 = arith.addf %mul3A_476, %mul3A_483 : vector<256x64xf32>
    %swap3A_485 = arith.constant 0 : index
    %swap3A_486 = arith.constant 4 : index
    %swap3A_487 = arith.constant 0 : index
    %swap3A_488 = arith.constant 0 : index
    %swap3A_489 = vector.load %arg6[%swap3A_485, %swap3A_486, %swap3A_487, %swap3A_488] : memref<1x8x256x64xf32, #tpu.memory_space<vmem>>, vector<1x1x256x64xf32>
    %swap3A_490 = vector.shape_cast %swap3A_489 : vector<1x1x256x64xf32> to vector<256x64xf32>
    %swap3A_491 = vector.shape_cast %add3A_484 : vector<256x64xf32> to vector<1x1x256x64xf32>
    tpu.vector_store %arg6[%swap3A_485, %swap3A_486, %swap3A_487, %swap3A_488], %swap3A_491 {strides = array<i32>} : memref<1x8x256x64xf32, #tpu.memory_space<vmem>>, vector<1x1x256x64xf32>,
    %mul3A_492 = arith.constant 8 : i32
    %mul3A_493 = arith.muli %arg1, %mul3A_492 : i32
    %add3A_494 = arith.constant 5 : i32
    %add3A_495 = arith.addi %mul3A_493, %add3A_494 : i32
    %get3A_496 = arith.constant 0 : index
    %get3A_497 = arith.constant 5 : index
    %get3A_498 = arith.constant 0 : index
    %get3A_499 = arith.constant 0 : index
    %get3A_500 = vector.load %arg2[%get3A_496, %get3A_497, %get3A_498, %get3A_499] : memref<1x8x256x128xf32, #tpu.memory_space<vmem>>, vector<1x1x256x128xf32>
    %get3A_501 = vector.shape_cast %get3A_500 : vector<1x1x256x128xf32> to vector<256x128xf32>
    %slice3A_502 = vector.extract_strided_slice %get3A_501 {offsets = [0, 0], sizes = [256, 64], strides = [1, 1]} : vector<256x128xf32> to vector<256x64xf32>
    %get3A_503 = arith.constant 0 : index
    %get3A_504 = arith.constant 5 : index
    %get3A_505 = arith.constant 0 : index
    %get3A_506 = arith.constant 0 : index
    %get3A_507 = vector.load %arg3[%get3A_503, %get3A_504, %get3A_505, %get3A_506] : memref<1x8x256x128xf32, #tpu.memory_space<vmem>>, vector<1x1x256x128xf32>
    %get3A_508 = vector.shape_cast %get3A_507 : vector<1x1x256x128xf32> to vector<256x128xf32>
    %slice3A_509 = vector.extract_strided_slice %get3A_508 {offsets = [0, 0], sizes = [256, 64], strides = [1, 1]} : vector<256x128xf32> to vector<256x64xf32>
    %slice3A_510 = vector.extract_strided_slice %get3A_508 {offsets = [0, 64], sizes = [256, 64], strides = [1, 1]} : vector<256x128xf32> to vector<256x64xf32>
    %dot_general3A_511 = arith.constant dense<0.000000e+00> : vector<256x256xf32>
    %dot_general3A_512 = tpu.matmul %slice3A_502, %slice3A_509, %dot_general3A_511 {dimension_numbers = #tpu.dot_dimension_numbers<[1], [1], [0], [0], [0, 0, 1, 0], [], []>, transpose_lhs_hint = false} : vector<256x64xf32>, vector<256x64xf32>, vector<256x256xf32> -> vector<256x256xf32>
    %mul3A_513 = arith.constant 1.250000e-01 : f32
    %mul3A_514 = vector.broadcast %mul3A_513 : f32 to vector<256x256xf32>
    %mul3A_515 = arith.mulf %dot_general3A_512, %mul3A_514 : vector<256x256xf32>
    %reduce_max3A_516 = arith.constant dense<0xFF800000> : vector<256xf32>
    %reduce_max3A_517 = vector.multi_reduction <maximumf>, %mul3A_515, %reduce_max3A_516 [1] : vector<256x256xf32> to vector<256xf32>
    %broadcast_in_dim3A_518 = vector.shape_cast %reduce_max3A_517 : vector<256xf32> to vector<256x1xf32>
    %sub3A_519 = vector.broadcast %broadcast_in_dim3A_518 : vector<256x1xf32> to vector<256x256xf32>
    %sub3A_520 = arith.subf %mul3A_515, %sub3A_519 : vector<256x256xf32>
    %exp3A_521 = math.exp %sub3A_520 : vector<256x256xf32>
    %reduce_sum3A_522 = arith.constant dense<0.000000e+00> : vector<256xf32>
    %reduce_sum3A_523 = vector.multi_reduction <add>, %exp3A_521, %reduce_sum3A_522 [1] : vector<256x256xf32> to vector<256xf32>
    %broadcast_in_dim3A_524 = vector.shape_cast %reduce_sum3A_523 : vector<256xf32> to vector<256x1xf32>
    %dot_general3A_525 = arith.constant dense<0.000000e+00> : vector<256x64xf32>
    %dot_general3A_526 = tpu.matmul %exp3A_521, %slice3A_510, %dot_general3A_525 {dimension_numbers = #tpu.dot_dimension_numbers<[1], [0], [0], [1], [0, 0, 1, 1], [], []>, transpose_lhs_hint = false} : vector<256x256xf32>, vector<256x64xf32>, vector<256x64xf32> -> vector<256x64xf32>
    %log3A_527 = math.log %broadcast_in_dim3A_524 : vector<256x1xf32>
    %add3A_528 = arith.addf %broadcast_in_dim3A_518, %log3A_527 : vector<256x1xf32>
    %dot_general3A_529 = arith.constant dense<0.000000e+00> : vector<256x256xf32>
    %dot_general3A_530 = tpu.matmul %slice3A_502, %slice3A, %dot_general3A_529 {dimension_numbers = #tpu.dot_dimension_numbers<[1], [1], [0], [0], [0, 0, 1, 0], [], []>, transpose_lhs_hint = false} : vector<256x64xf32>, vector<256x64xf32>, vector<256x256xf32> -> vector<256x256xf32>
    %mul3A_531 = arith.constant 1.250000e-01 : f32
    %mul3A_532 = vector.broadcast %mul3A_531 : f32 to vector<256x256xf32>
    %mul3A_533 = arith.mulf %dot_general3A_530, %mul3A_532 : vector<256x256xf32>
    %eq3A_534 = vector.broadcast %add3A_495 : i32 to vector<256xi32>
    %eq3A_535 = arith.cmpi eq, %select_n3A, %eq3A_534 : vector<256xi32>
    %jit3A_536 = arith.constant -3.40282347E+38 : f32
    %jit3A_537 = arith.constant 0.000000e+00 : f32
    %broadcast_in_dim3A_538 = vector.broadcast %jit3A_536 : f32 to vector<256xf32>
    %broadcast_in_dim3A_539 = vector.broadcast %jit3A_537 : f32 to vector<256xf32>
    %select_n3A_540 = arith.select %eq3A_535, %broadcast_in_dim3A_538, %broadcast_in_dim3A_539 : vector<256xi1>, vector<256xf32>
    %broadcast_in_dim3A_541 = vector.shape_cast %select_n3A_540 : vector<256xf32> to vector<1x256xf32>
    %add3A_542 = vector.broadcast %broadcast_in_dim3A_541 : vector<1x256xf32> to vector<256x256xf32>
    %add3A_543 = arith.addf %mul3A_533, %add3A_542 : vector<256x256xf32>
    %reduce_max3A_544 = arith.constant dense<0xFF800000> : vector<256xf32>
    %reduce_max3A_545 = vector.multi_reduction <maximumf>, %add3A_543, %reduce_max3A_544 [1] : vector<256x256xf32> to vector<256xf32>
    %broadcast_in_dim3A_546 = vector.shape_cast %reduce_max3A_545 : vector<256xf32> to vector<256x1xf32>
    %sub3A_547 = vector.broadcast %broadcast_in_dim3A_546 : vector<256x1xf32> to vector<256x256xf32>
    %sub3A_548 = arith.subf %add3A_543, %sub3A_547 : vector<256x256xf32>
    %exp3A_549 = math.exp %sub3A_548 : vector<256x256xf32>
    %reduce_sum3A_550 = arith.constant dense<0.000000e+00> : vector<256xf32>
    %reduce_sum3A_551 = vector.multi_reduction <add>, %exp3A_549, %reduce_sum3A_550 [1] : vector<256x256xf32> to vector<256xf32>
    %broadcast_in_dim3A_552 = vector.shape_cast %reduce_sum3A_551 : vector<256xf32> to vector<256x1xf32>
    %dot_general3A_553 = arith.constant dense<0.000000e+00> : vector<256x64xf32>
    %dot_general3A_554 = tpu.matmul %exp3A_549, %slice3A_4, %dot_general3A_553 {dimension_numbers = #tpu.dot_dimension_numbers<[1], [0], [0], [1], [0, 0, 1, 1], [], []>, transpose_lhs_hint = false} : vector<256x256xf32>, vector<256x64xf32>, vector<256x64xf32> -> vector<256x64xf32>
    %log3A_555 = math.log %broadcast_in_dim3A_552 : vector<256x1xf32>
    %add3A_556 = arith.addf %broadcast_in_dim3A_546, %log3A_555 : vector<256x1xf32>
    %add3A_557 = arith.constant 3.46573591 : f32
    %add3A_558 = vector.broadcast %add3A_557 : f32 to vector<256x1xf32>
    %add3A_559 = arith.addf %add3A_556, %add3A_558 : vector<256x1xf32>
    %sub3A_560 = arith.subf %add3A_528, %add3A_559 : vector<256x1xf32>
    %logistic3A_561 = arith.negf %sub3A_560 : vector<256x1xf32>
    %logistic3A_562 = math.exp %logistic3A_561 : vector<256x1xf32>
    %logistic3A_563 = arith.constant 1.000000e+00 : f32
    %logistic3A_564 = vector.broadcast %logistic3A_563 : f32 to vector<256x1xf32>
    %logistic3A_565 = arith.addf %logistic3A_564, %logistic3A_562 : vector<256x1xf32>
    %logistic3A_566 = arith.divf %logistic3A_564, %logistic3A_565 : vector<256x1xf32>
    %div3A_567 = vector.broadcast %broadcast_in_dim3A_524 : vector<256x1xf32> to vector<256x64xf32>
    %div3A_568 = arith.divf %dot_general3A_526, %div3A_567 : vector<256x64xf32>
    %mul3A_569 = vector.broadcast %logistic3A_566 : vector<256x1xf32> to vector<256x64xf32>
    %mul3A_570 = arith.mulf %mul3A_569, %div3A_568 : vector<256x64xf32>
    %sub3A_571 = arith.constant 1.000000e+00 : f32
    %sub3A_572 = vector.broadcast %sub3A_571 : f32 to vector<256x1xf32>
    %sub3A_573 = arith.subf %sub3A_572, %logistic3A_566 : vector<256x1xf32>
    %div3A_574 = vector.broadcast %broadcast_in_dim3A_552 : vector<256x1xf32> to vector<256x64xf32>
    %div3A_575 = arith.divf %dot_general3A_554, %div3A_574 : vector<256x64xf32>
    %mul3A_576 = vector.broadcast %sub3A_573 : vector<256x1xf32> to vector<256x64xf32>
    %mul3A_577 = arith.mulf %mul3A_576, %div3A_575 : vector<256x64xf32>
    %add3A_578 = arith.addf %mul3A_570, %mul3A_577 : vector<256x64xf32>
    %swap3A_579 = arith.constant 0 : index
    %swap3A_580 = arith.constant 5 : index
    %swap3A_581 = arith.constant 0 : index
    %swap3A_582 = arith.constant 0 : index
    %swap3A_583 = vector.load %arg6[%swap3A_579, %swap3A_580, %swap3A_581, %swap3A_582] : memref<1x8x256x64xf32, #tpu.memory_space<vmem>>, vector<1x1x256x64xf32>
    %swap3A_584 = vector.shape_cast %swap3A_583 : vector<1x1x256x64xf32> to vector<256x64xf32>
    %swap3A_585 = vector.shape_cast %add3A_578 : vector<256x64xf32> to vector<1x1x256x64xf32>
    tpu.vector_store %arg6[%swap3A_579, %swap3A_580, %swap3A_581, %swap3A_582], %swap3A_585 {strides = array<i32>} : memref<1x8x256x64xf32, #tpu.memory_space<vmem>>, vector<1x1x256x64xf32>,
    %mul3A_586 = arith.constant 8 : i32
    %mul3A_587 = arith.muli %arg1, %mul3A_586 : i32
    %add3A_588 = arith.constant 6 : i32
    %add3A_589 = arith.addi %mul3A_587, %add3A_588 : i32
    %get3A_590 = arith.constant 0 : index
    %get3A_591 = arith.constant 6 : index
    %get3A_592 = arith.constant 0 : index
    %get3A_593 = arith.constant 0 : index
    %get3A_594 = vector.load %arg2[%get3A_590, %get3A_591, %get3A_592, %get3A_593] : memref<1x8x256x128xf32, #tpu.memory_space<vmem>>, vector<1x1x256x128xf32>
    %get3A_595 = vector.shape_cast %get3A_594 : vector<1x1x256x128xf32> to vector<256x128xf32>
    %slice3A_596 = vector.extract_strided_slice %get3A_595 {offsets = [0, 0], sizes = [256, 64], strides = [1, 1]} : vector<256x128xf32> to vector<256x64xf32>
    %get3A_597 = arith.constant 0 : index
    %get3A_598 = arith.constant 6 : index
    %get3A_599 = arith.constant 0 : index
    %get3A_600 = arith.constant 0 : index
    %get3A_601 = vector.load %arg3[%get3A_597, %get3A_598, %get3A_599, %get3A_600] : memref<1x8x256x128xf32, #tpu.memory_space<vmem>>, vector<1x1x256x128xf32>
    %get3A_602 = vector.shape_cast %get3A_601 : vector<1x1x256x128xf32> to vector<256x128xf32>
    %slice3A_603 = vector.extract_strided_slice %get3A_602 {offsets = [0, 0], sizes = [256, 64], strides = [1, 1]} : vector<256x128xf32> to vector<256x64xf32>
    %slice3A_604 = vector.extract_strided_slice %get3A_602 {offsets = [0, 64], sizes = [256, 64], strides = [1, 1]} : vector<256x128xf32> to vector<256x64xf32>
    %dot_general3A_605 = arith.constant dense<0.000000e+00> : vector<256x256xf32>
    %dot_general3A_606 = tpu.matmul %slice3A_596, %slice3A_603, %dot_general3A_605 {dimension_numbers = #tpu.dot_dimension_numbers<[1], [1], [0], [0], [0, 0, 1, 0], [], []>, transpose_lhs_hint = false} : vector<256x64xf32>, vector<256x64xf32>, vector<256x256xf32> -> vector<256x256xf32>
    %mul3A_607 = arith.constant 1.250000e-01 : f32
    %mul3A_608 = vector.broadcast %mul3A_607 : f32 to vector<256x256xf32>
    %mul3A_609 = arith.mulf %dot_general3A_606, %mul3A_608 : vector<256x256xf32>
    %reduce_max3A_610 = arith.constant dense<0xFF800000> : vector<256xf32>
    %reduce_max3A_611 = vector.multi_reduction <maximumf>, %mul3A_609, %reduce_max3A_610 [1] : vector<256x256xf32> to vector<256xf32>
    %broadcast_in_dim3A_612 = vector.shape_cast %reduce_max3A_611 : vector<256xf32> to vector<256x1xf32>
    %sub3A_613 = vector.broadcast %broadcast_in_dim3A_612 : vector<256x1xf32> to vector<256x256xf32>
    %sub3A_614 = arith.subf %mul3A_609, %sub3A_613 : vector<256x256xf32>
    %exp3A_615 = math.exp %sub3A_614 : vector<256x256xf32>
    %reduce_sum3A_616 = arith.constant dense<0.000000e+00> : vector<256xf32>
    %reduce_sum3A_617 = vector.multi_reduction <add>, %exp3A_615, %reduce_sum3A_616 [1] : vector<256x256xf32> to vector<256xf32>
    %broadcast_in_dim3A_618 = vector.shape_cast %reduce_sum3A_617 : vector<256xf32> to vector<256x1xf32>
    %dot_general3A_619 = arith.constant dense<0.000000e+00> : vector<256x64xf32>
    %dot_general3A_620 = tpu.matmul %exp3A_615, %slice3A_604, %dot_general3A_619 {dimension_numbers = #tpu.dot_dimension_numbers<[1], [0], [0], [1], [0, 0, 1, 1], [], []>, transpose_lhs_hint = false} : vector<256x256xf32>, vector<256x64xf32>, vector<256x64xf32> -> vector<256x64xf32>
    %log3A_621 = math.log %broadcast_in_dim3A_618 : vector<256x1xf32>
    %add3A_622 = arith.addf %broadcast_in_dim3A_612, %log3A_621 : vector<256x1xf32>
    %dot_general3A_623 = arith.constant dense<0.000000e+00> : vector<256x256xf32>
    %dot_general3A_624 = tpu.matmul %slice3A_596, %slice3A, %dot_general3A_623 {dimension_numbers = #tpu.dot_dimension_numbers<[1], [1], [0], [0], [0, 0, 1, 0], [], []>, transpose_lhs_hint = false} : vector<256x64xf32>, vector<256x64xf32>, vector<256x256xf32> -> vector<256x256xf32>
    %mul3A_625 = arith.constant 1.250000e-01 : f32
    %mul3A_626 = vector.broadcast %mul3A_625 : f32 to vector<256x256xf32>
    %mul3A_627 = arith.mulf %dot_general3A_624, %mul3A_626 : vector<256x256xf32>
    %eq3A_628 = vector.broadcast %add3A_589 : i32 to vector<256xi32>
    %eq3A_629 = arith.cmpi eq, %select_n3A, %eq3A_628 : vector<256xi32>
    %jit3A_630 = arith.constant -3.40282347E+38 : f32
    %jit3A_631 = arith.constant 0.000000e+00 : f32
    %broadcast_in_dim3A_632 = vector.broadcast %jit3A_630 : f32 to vector<256xf32>
    %broadcast_in_dim3A_633 = vector.broadcast %jit3A_631 : f32 to vector<256xf32>
    %select_n3A_634 = arith.select %eq3A_629, %broadcast_in_dim3A_632, %broadcast_in_dim3A_633 : vector<256xi1>, vector<256xf32>
    %broadcast_in_dim3A_635 = vector.shape_cast %select_n3A_634 : vector<256xf32> to vector<1x256xf32>
    %add3A_636 = vector.broadcast %broadcast_in_dim3A_635 : vector<1x256xf32> to vector<256x256xf32>
    %add3A_637 = arith.addf %mul3A_627, %add3A_636 : vector<256x256xf32>
    %reduce_max3A_638 = arith.constant dense<0xFF800000> : vector<256xf32>
    %reduce_max3A_639 = vector.multi_reduction <maximumf>, %add3A_637, %reduce_max3A_638 [1] : vector<256x256xf32> to vector<256xf32>
    %broadcast_in_dim3A_640 = vector.shape_cast %reduce_max3A_639 : vector<256xf32> to vector<256x1xf32>
    %sub3A_641 = vector.broadcast %broadcast_in_dim3A_640 : vector<256x1xf32> to vector<256x256xf32>
    %sub3A_642 = arith.subf %add3A_637, %sub3A_641 : vector<256x256xf32>
    %exp3A_643 = math.exp %sub3A_642 : vector<256x256xf32>
    %reduce_sum3A_644 = arith.constant dense<0.000000e+00> : vector<256xf32>
    %reduce_sum3A_645 = vector.multi_reduction <add>, %exp3A_643, %reduce_sum3A_644 [1] : vector<256x256xf32> to vector<256xf32>
    %broadcast_in_dim3A_646 = vector.shape_cast %reduce_sum3A_645 : vector<256xf32> to vector<256x1xf32>
    %dot_general3A_647 = arith.constant dense<0.000000e+00> : vector<256x64xf32>
    %dot_general3A_648 = tpu.matmul %exp3A_643, %slice3A_4, %dot_general3A_647 {dimension_numbers = #tpu.dot_dimension_numbers<[1], [0], [0], [1], [0, 0, 1, 1], [], []>, transpose_lhs_hint = false} : vector<256x256xf32>, vector<256x64xf32>, vector<256x64xf32> -> vector<256x64xf32>
    %log3A_649 = math.log %broadcast_in_dim3A_646 : vector<256x1xf32>
    %add3A_650 = arith.addf %broadcast_in_dim3A_640, %log3A_649 : vector<256x1xf32>
    %add3A_651 = arith.constant 3.46573591 : f32
    %add3A_652 = vector.broadcast %add3A_651 : f32 to vector<256x1xf32>
    %add3A_653 = arith.addf %add3A_650, %add3A_652 : vector<256x1xf32>
    %sub3A_654 = arith.subf %add3A_622, %add3A_653 : vector<256x1xf32>
    %logistic3A_655 = arith.negf %sub3A_654 : vector<256x1xf32>
    %logistic3A_656 = math.exp %logistic3A_655 : vector<256x1xf32>
    %logistic3A_657 = arith.constant 1.000000e+00 : f32
    %logistic3A_658 = vector.broadcast %logistic3A_657 : f32 to vector<256x1xf32>
    %logistic3A_659 = arith.addf %logistic3A_658, %logistic3A_656 : vector<256x1xf32>
    %logistic3A_660 = arith.divf %logistic3A_658, %logistic3A_659 : vector<256x1xf32>
    %div3A_661 = vector.broadcast %broadcast_in_dim3A_618 : vector<256x1xf32> to vector<256x64xf32>
    %div3A_662 = arith.divf %dot_general3A_620, %div3A_661 : vector<256x64xf32>
    %mul3A_663 = vector.broadcast %logistic3A_660 : vector<256x1xf32> to vector<256x64xf32>
    %mul3A_664 = arith.mulf %mul3A_663, %div3A_662 : vector<256x64xf32>
    %sub3A_665 = arith.constant 1.000000e+00 : f32
    %sub3A_666 = vector.broadcast %sub3A_665 : f32 to vector<256x1xf32>
    %sub3A_667 = arith.subf %sub3A_666, %logistic3A_660 : vector<256x1xf32>
    %div3A_668 = vector.broadcast %broadcast_in_dim3A_646 : vector<256x1xf32> to vector<256x64xf32>
    %div3A_669 = arith.divf %dot_general3A_648, %div3A_668 : vector<256x64xf32>
    %mul3A_670 = vector.broadcast %sub3A_667 : vector<256x1xf32> to vector<256x64xf32>
    %mul3A_671 = arith.mulf %mul3A_670, %div3A_669 : vector<256x64xf32>
    %add3A_672 = arith.addf %mul3A_664, %mul3A_671 : vector<256x64xf32>
    %swap3A_673 = arith.constant 0 : index
    %swap3A_674 = arith.constant 6 : index
    %swap3A_675 = arith.constant 0 : index
    %swap3A_676 = arith.constant 0 : index
    %swap3A_677 = vector.load %arg6[%swap3A_673, %swap3A_674, %swap3A_675, %swap3A_676] : memref<1x8x256x64xf32, #tpu.memory_space<vmem>>, vector<1x1x256x64xf32>
    %swap3A_678 = vector.shape_cast %swap3A_677 : vector<1x1x256x64xf32> to vector<256x64xf32>
    %swap3A_679 = vector.shape_cast %add3A_672 : vector<256x64xf32> to vector<1x1x256x64xf32>
    tpu.vector_store %arg6[%swap3A_673, %swap3A_674, %swap3A_675, %swap3A_676], %swap3A_679 {strides = array<i32>} : memref<1x8x256x64xf32, #tpu.memory_space<vmem>>, vector<1x1x256x64xf32>,
    %mul3A_680 = arith.constant 8 : i32
    %mul3A_681 = arith.muli %arg1, %mul3A_680 : i32
    %add3A_682 = arith.constant 7 : i32
    %add3A_683 = arith.addi %mul3A_681, %add3A_682 : i32
    %get3A_684 = arith.constant 0 : index
    %get3A_685 = arith.constant 7 : index
    %get3A_686 = arith.constant 0 : index
    %get3A_687 = arith.constant 0 : index
    %get3A_688 = vector.load %arg2[%get3A_684, %get3A_685, %get3A_686, %get3A_687] : memref<1x8x256x128xf32, #tpu.memory_space<vmem>>, vector<1x1x256x128xf32>
    %get3A_689 = vector.shape_cast %get3A_688 : vector<1x1x256x128xf32> to vector<256x128xf32>
    %slice3A_690 = vector.extract_strided_slice %get3A_689 {offsets = [0, 0], sizes = [256, 64], strides = [1, 1]} : vector<256x128xf32> to vector<256x64xf32>
    %get3A_691 = arith.constant 0 : index
    %get3A_692 = arith.constant 7 : index
    %get3A_693 = arith.constant 0 : index
    %get3A_694 = arith.constant 0 : index
    %get3A_695 = vector.load %arg3[%get3A_691, %get3A_692, %get3A_693, %get3A_694] : memref<1x8x256x128xf32, #tpu.memory_space<vmem>>, vector<1x1x256x128xf32>
    %get3A_696 = vector.shape_cast %get3A_695 : vector<1x1x256x128xf32> to vector<256x128xf32>
    %slice3A_697 = vector.extract_strided_slice %get3A_696 {offsets = [0, 0], sizes = [256, 64], strides = [1, 1]} : vector<256x128xf32> to vector<256x64xf32>
    %slice3A_698 = vector.extract_strided_slice %get3A_696 {offsets = [0, 64], sizes = [256, 64], strides = [1, 1]} : vector<256x128xf32> to vector<256x64xf32>
    %dot_general3A_699 = arith.constant dense<0.000000e+00> : vector<256x256xf32>
    %dot_general3A_700 = tpu.matmul %slice3A_690, %slice3A_697, %dot_general3A_699 {dimension_numbers = #tpu.dot_dimension_numbers<[1], [1], [0], [0], [0, 0, 1, 0], [], []>, transpose_lhs_hint = false} : vector<256x64xf32>, vector<256x64xf32>, vector<256x256xf32> -> vector<256x256xf32>
    %mul3A_701 = arith.constant 1.250000e-01 : f32
    %mul3A_702 = vector.broadcast %mul3A_701 : f32 to vector<256x256xf32>
    %mul3A_703 = arith.mulf %dot_general3A_700, %mul3A_702 : vector<256x256xf32>
    %reduce_max3A_704 = arith.constant dense<0xFF800000> : vector<256xf32>
    %reduce_max3A_705 = vector.multi_reduction <maximumf>, %mul3A_703, %reduce_max3A_704 [1] : vector<256x256xf32> to vector<256xf32>
    %broadcast_in_dim3A_706 = vector.shape_cast %reduce_max3A_705 : vector<256xf32> to vector<256x1xf32>
    %sub3A_707 = vector.broadcast %broadcast_in_dim3A_706 : vector<256x1xf32> to vector<256x256xf32>
    %sub3A_708 = arith.subf %mul3A_703, %sub3A_707 : vector<256x256xf32>
    %exp3A_709 = math.exp %sub3A_708 : vector<256x256xf32>
    %reduce_sum3A_710 = arith.constant dense<0.000000e+00> : vector<256xf32>
    %reduce_sum3A_711 = vector.multi_reduction <add>, %exp3A_709, %reduce_sum3A_710 [1] : vector<256x256xf32> to vector<256xf32>
    %broadcast_in_dim3A_712 = vector.shape_cast %reduce_sum3A_711 : vector<256xf32> to vector<256x1xf32>
    %dot_general3A_713 = arith.constant dense<0.000000e+00> : vector<256x64xf32>
    %dot_general3A_714 = tpu.matmul %exp3A_709, %slice3A_698, %dot_general3A_713 {dimension_numbers = #tpu.dot_dimension_numbers<[1], [0], [0], [1], [0, 0, 1, 1], [], []>, transpose_lhs_hint = false} : vector<256x256xf32>, vector<256x64xf32>, vector<256x64xf32> -> vector<256x64xf32>
    %log3A_715 = math.log %broadcast_in_dim3A_712 : vector<256x1xf32>
    %add3A_716 = arith.addf %broadcast_in_dim3A_706, %log3A_715 : vector<256x1xf32>
    %dot_general3A_717 = arith.constant dense<0.000000e+00> : vector<256x256xf32>
    %dot_general3A_718 = tpu.matmul %slice3A_690, %slice3A, %dot_general3A_717 {dimension_numbers = #tpu.dot_dimension_numbers<[1], [1], [0], [0], [0, 0, 1, 0], [], []>, transpose_lhs_hint = false} : vector<256x64xf32>, vector<256x64xf32>, vector<256x256xf32> -> vector<256x256xf32>
    %mul3A_719 = arith.constant 1.250000e-01 : f32
    %mul3A_720 = vector.broadcast %mul3A_719 : f32 to vector<256x256xf32>
    %mul3A_721 = arith.mulf %dot_general3A_718, %mul3A_720 : vector<256x256xf32>
    %eq3A_722 = vector.broadcast %add3A_683 : i32 to vector<256xi32>
    %eq3A_723 = arith.cmpi eq, %select_n3A, %eq3A_722 : vector<256xi32>
    %jit3A_724 = arith.constant -3.40282347E+38 : f32
    %jit3A_725 = arith.constant 0.000000e+00 : f32
    %broadcast_in_dim3A_726 = vector.broadcast %jit3A_724 : f32 to vector<256xf32>
    %broadcast_in_dim3A_727 = vector.broadcast %jit3A_725 : f32 to vector<256xf32>
    %select_n3A_728 = arith.select %eq3A_723, %broadcast_in_dim3A_726, %broadcast_in_dim3A_727 : vector<256xi1>, vector<256xf32>
    %broadcast_in_dim3A_729 = vector.shape_cast %select_n3A_728 : vector<256xf32> to vector<1x256xf32>
    %add3A_730 = vector.broadcast %broadcast_in_dim3A_729 : vector<1x256xf32> to vector<256x256xf32>
    %add3A_731 = arith.addf %mul3A_721, %add3A_730 : vector<256x256xf32>
    %reduce_max3A_732 = arith.constant dense<0xFF800000> : vector<256xf32>
    %reduce_max3A_733 = vector.multi_reduction <maximumf>, %add3A_731, %reduce_max3A_732 [1] : vector<256x256xf32> to vector<256xf32>
    %broadcast_in_dim3A_734 = vector.shape_cast %reduce_max3A_733 : vector<256xf32> to vector<256x1xf32>
    %sub3A_735 = vector.broadcast %broadcast_in_dim3A_734 : vector<256x1xf32> to vector<256x256xf32>
    %sub3A_736 = arith.subf %add3A_731, %sub3A_735 : vector<256x256xf32>
    %exp3A_737 = math.exp %sub3A_736 : vector<256x256xf32>
    %reduce_sum3A_738 = arith.constant dense<0.000000e+00> : vector<256xf32>
    %reduce_sum3A_739 = vector.multi_reduction <add>, %exp3A_737, %reduce_sum3A_738 [1] : vector<256x256xf32> to vector<256xf32>
    %broadcast_in_dim3A_740 = vector.shape_cast %reduce_sum3A_739 : vector<256xf32> to vector<256x1xf32>
    %dot_general3A_741 = arith.constant dense<0.000000e+00> : vector<256x64xf32>
    %dot_general3A_742 = tpu.matmul %exp3A_737, %slice3A_4, %dot_general3A_741 {dimension_numbers = #tpu.dot_dimension_numbers<[1], [0], [0], [1], [0, 0, 1, 1], [], []>, transpose_lhs_hint = false} : vector<256x256xf32>, vector<256x64xf32>, vector<256x64xf32> -> vector<256x64xf32>
    %log3A_743 = math.log %broadcast_in_dim3A_740 : vector<256x1xf32>
    %add3A_744 = arith.addf %broadcast_in_dim3A_734, %log3A_743 : vector<256x1xf32>
    %add3A_745 = arith.constant 3.46573591 : f32
    %add3A_746 = vector.broadcast %add3A_745 : f32 to vector<256x1xf32>
    %add3A_747 = arith.addf %add3A_744, %add3A_746 : vector<256x1xf32>
    %sub3A_748 = arith.subf %add3A_716, %add3A_747 : vector<256x1xf32>
    %logistic3A_749 = arith.negf %sub3A_748 : vector<256x1xf32>
    %logistic3A_750 = math.exp %logistic3A_749 : vector<256x1xf32>
    %logistic3A_751 = arith.constant 1.000000e+00 : f32
    %logistic3A_752 = vector.broadcast %logistic3A_751 : f32 to vector<256x1xf32>
    %logistic3A_753 = arith.addf %logistic3A_752, %logistic3A_750 : vector<256x1xf32>
    %logistic3A_754 = arith.divf %logistic3A_752, %logistic3A_753 : vector<256x1xf32>
    %div3A_755 = vector.broadcast %broadcast_in_dim3A_712 : vector<256x1xf32> to vector<256x64xf32>
    %div3A_756 = arith.divf %dot_general3A_714, %div3A_755 : vector<256x64xf32>
    %mul3A_757 = vector.broadcast %logistic3A_754 : vector<256x1xf32> to vector<256x64xf32>
    %mul3A_758 = arith.mulf %mul3A_757, %div3A_756 : vector<256x64xf32>
    %sub3A_759 = arith.constant 1.000000e+00 : f32
    %sub3A_760 = vector.broadcast %sub3A_759 : f32 to vector<256x1xf32>
    %sub3A_761 = arith.subf %sub3A_760, %logistic3A_754 : vector<256x1xf32>
    %div3A_762 = vector.broadcast %broadcast_in_dim3A_740 : vector<256x1xf32> to vector<256x64xf32>
    %div3A_763 = arith.divf %dot_general3A_742, %div3A_762 : vector<256x64xf32>
    %mul3A_764 = vector.broadcast %sub3A_761 : vector<256x1xf32> to vector<256x64xf32>
    %mul3A_765 = arith.mulf %mul3A_764, %div3A_763 : vector<256x64xf32>
    %add3A_766 = arith.addf %mul3A_758, %mul3A_765 : vector<256x64xf32>
    %swap3A_767 = arith.constant 0 : index
    %swap3A_768 = arith.constant 7 : index
    %swap3A_769 = arith.constant 0 : index
    %swap3A_770 = arith.constant 0 : index
    %swap3A_771 = vector.load %arg6[%swap3A_767, %swap3A_768, %swap3A_769, %swap3A_770] : memref<1x8x256x64xf32, #tpu.memory_space<vmem>>, vector<1x1x256x64xf32>
    %swap3A_772 = vector.shape_cast %swap3A_771 : vector<1x1x256x64xf32> to vector<256x64xf32>
    %swap3A_773 = vector.shape_cast %add3A_766 : vector<256x64xf32> to vector<1x1x256x64xf32>
    tpu.vector_store %arg6[%swap3A_767, %swap3A_768, %swap3A_769, %swap3A_770], %swap3A_773 {strides = array<i32>} : memref<1x8x256x64xf32, #tpu.memory_space<vmem>>, vector<1x1x256x64xf32>,
    return
  }
  func.func @transform_0(%arg0: i32, %arg1: i32) -> (i32, i32, i32, i32) {
    %c0_i32 = arith.constant 0 : i32
    %c0_i32_0 = arith.constant 0 : i32
    %c0_i32_1 = arith.constant 0 : i32
    return %arg0, %arg1, %c0_i32, %c0_i32_0 : i32, i32, i32, i32
  }
  func.func @transform_1(%arg0: i32, %arg1: i32) -> (i32, i32, i32, i32) {
    %c0_i32 = arith.constant 0 : i32
    %c0_i32_0 = arith.constant 0 : i32
    %c0_i32_1 = arith.constant 0 : i32
    return %arg0, %arg1, %c0_i32, %c0_i32_0 : i32, i32, i32, i32
  }
  func.func @transform_2(%arg0: i32, %arg1: i32) -> (i32, i32, i32) {
    %c0_i32 = arith.constant 0 : i32
    %c0_i32_0 = arith.constant 0 : i32
    %c0_i32_1 = arith.constant 0 : i32
    return %arg0, %c0_i32, %c0_i32_0 : i32, i32, i32
  }
  func.func @transform_3(%arg0: i32, %arg1: i32) -> (i32, i32, i32) {
    %c0_i32 = arith.constant 0 : i32
    %c0_i32_0 = arith.constant 0 : i32
    %c0_i32_1 = arith.constant 0 : i32
    return %arg0, %c0_i32, %c0_i32_0 : i32, i32, i32
  }
  func.func @transform_4(%arg0: i32, %arg1: i32) -> (i32, i32, i32, i32) {
    %c0_i32 = arith.constant 0 : i32
    %c0_i32_0 = arith.constant 0 : i32
    %c0_i32_1 = arith.constant 0 : i32
    return %arg0, %arg1, %c0_i32, %c0_i32_0 : i32, i32, i32, i32
  }
}

</mosaic_0001>

<sc_bundles>
// kernel: gather_offload_async_start
scs
__scs_entry_jumppad:
0x0: {  	(pc) =	sbr.rel $0x88, $3  }
0x1: {  	(tag) =	ssettag $0x0;
	lr =	simm.s32 $0x1  }
0x2: {  	[smem:$0x3F9C] =	sst lr;
	_ =	strace $0xD0000000  }
0x3: {  	_ = 	snop  }
0x4: {  	_ = 	snop  }
0x5: {  	_ = 	snop  }
0x6: {  	_ = 	snop  }
0x7: {  	_ = 	snop  }
__scs_overlays_trampoline_lowered:
0x8: {  	[smem:$0x3FAB] =	sst s0  }
0x9: {  	[smem:$0x3FAC] =	sst s1  }
0xa: {  	[smem:$0x3FAD] =	sst s2  }
0xb: {  	[smem:$0x3FAE] =	sst s3  }
0xc: {  	[smem:$0x3FAF] =	sst s4  }
0xd: {  	[smem:$0x3FB0] =	sst s5  }
0xe: {  	[smem:$0x3FB1] =	sst s6  }
0xf: {  	[smem:$0x3FB2] =	sst s7  }
0x10: {  	[smem:$0x3FB3] =	sst s8  }
0x11: {  	[smem:$0x3FB4] =	sst s9;
	s0 =	simm.s32 @!p0 $0x0  }
0x12: {  	s1 =	sld [smem:$0x3F9A];
	s0 =	simm.s32 @p0 $0x1  }
0x13: {  	[smem:$0x3FB5] =	sst s0;
	s0 =	simm.s32 @!p1 $0x0  }
0x14: {  	s2 =	sld [smem:$0x3F99];
	s0 =	simm.s32 @p1 $0x1  }
0x15: {  	[smem:$0x3FB6] =	sst s0;
	s0 =	simm.s32 @!p2 $0x0  }
0x16: {  	s3 =	sld [smem:$0x3FDB];
	s0 =	simm.s32 @p2 $0x1  }
0x17: {  	s4 =	simm.s32 $0x1BF5;
	[smem:$0x3FB8] =	sst s0  }
0x18: {  	s0 =	sld [smem:$0x3F9B];
	_ =	swait.ge [sflag:s4], $0x0  }
0x19: {  	s7 =	sld [smem:$0x3F9C]  }
0x1a: {  	s8 =	sadd.s32 $0xFFFFE003, lr  }
0x1b: {  	s9 =	sadd.s32 $0xFFFFFEF7, lr;
	s5 =	simm.s32 $0xFFFFFFFF;
	p2 =	slt.u32 s8, $0xFFFFF086  }
0x1c: {  	p1 =	slt.u32 s9, $0xF7A;
	s5 =	simm.s32 @!p2 $0x0  }
0x1d: {  	s5 =	simm.s32 @p1 $0x1;
	p0 =	seq.s32 s7, s2  }
0x1e: {  	s7 =	smul.u32 @!p0 $0xF7A, s2;
	p2 =	seq.s32 @!p0 s5, $0x0  }
0x1f: {  	s9 =	smul.u32 $0xF7A, s1;
	s8 =	simm.s32 @!p0 $0x1BF5;
	p2 =	por !p2, p0  }
0x20: {  	[sflag:s8] =	ssyncset.s32 @!p0 $0xFFFFF086;
	s6 =	sadd.s32 @!p0 s3, s7;
	s7 =	simm.s32 @!p0 $0x108  }
0x21: {  	s3 =	sadd.s32 s3, s9;
	s6 =	sadd.s32 @!p0 $0x88, s6;
	s7 =	simm.s32 @p2 $0x1082  }
0x22: {  	[simem:s7], [sflag:s8] =	dma.local @!p0 [hbm:s6], $0xF7A  }
0x23: {  	s9 =	sor.u32 $0xD0000000, s2;
	s6 =	simm.s32 $0x108;
	_ =	swait.ge @!p0 [sflag:s8], $0x0  }
0x24: {  	s3 =	sadd.s32 $0x88, s3;
	s6 =	simm.s32 @!p1 $0x1082;
	[sflag:s4] =	ssyncset.s32 $0xFFFFF086  }
0x25: {  	[simem:s6], [sflag:s4] =	dma.local [hbm:s3], $0xF7A  }
0x26: {  	[smem:$0x3F9C] =	sst s1;
	(tag) =	ssettag s2;
	_ =	strace s9  }
0x27: {  	s1 =	sld [smem:$0x3FAC]  }
0x28: {  	s2 =	sld [smem:$0x3FAD]  }
0x29: {  	s4 =	sld [smem:$0x3FAF]  }
0x2a: {  	p0 =	seq.s32 s5, $0x0;
	s5 =	sld [smem:$0x3FB0]  }
0x2b: {  	s6 =	sld [smem:$0x3FB1]  }
0x2c: {  	s7 =	sld [smem:$0x3FB2]  }
0x2d: {  	s3 =	simm.s32 $0x108;
	s8 =	sld [smem:$0x3FB3]  }
0x2e: {  	s3 =	simm.s32 @!p0 $0x1082;
	s9 =	sld [smem:$0x3FB4]  }
0x2f: {  	lr =	sadd.s32 s0, s3;
	s0 =	sld [smem:$0x3FAB]  }
0x30: {  	s3 =	sld [smem:$0x3FAE]  }
0x31: {  	[smem:$0x3FB7] =	sst s10  }
0x32: {  	s10 =	sld [smem:$0x3FB5];
	_ =	sdelay $0x3  }
0x33: {  	p0 =	seq.s32 s10, $0x1;
	s10 =	sld [smem:$0x3FB7];
	_ =	sdelay $0x3  }
0x34: {  	[smem:$0x3FB7] =	sst s10  }
0x35: {  	s10 =	sld [smem:$0x3FB6];
	_ =	sdelay $0x3  }
0x36: {  	p1 =	seq.s32 s10, $0x1;
	s10 =	sld [smem:$0x3FB7];
	_ =	sdelay $0x3  }
0x37: {  	[smem:$0x3FB7] =	sst s10  }
0x38: {  	s10 =	sld [smem:$0x3FB8]  }
0x39: {  	_ = 	snop;
	(pc) =	sbr.ind lr, $3  }
0x3a: {  	_ = 	snop  }
0x3b: {  	_ = 	snop  }
0x3c: {  	p2 =	seq.s32 s10, $0x1;
	s10 =	sld [smem:$0x3FB7]  }
0x3d: {  	_ =	shalt  }
0x3e: {  	_ =	shalt  }
0x3f: {  	_ =	shalt  }
0x40: {  	_ =	shalt  }
0x41: {  	_ =	shalt  }
0x42: {  	_ =	shalt  }
0x43: {  	_ =	shalt  }
0x44: {  	_ =	shalt  }
0x45: {  	_ =	shalt  }
0x46: {  	_ =	shalt  }
0x47: {  	_ =	shalt  }
0x48: {  	_ =	shalt  }
0x49: {  	_ =	shalt  }
0x4a: {  	_ =	shalt  }
0x4b: {  	_ =	shalt  }
0x4c: {  	_ =	shalt  }
0x4d: {  	_ =	shalt  }
0x4e: {  	_ =	shalt  }
0x4f: {  	_ =	shalt  }
0x50: {  	_ =	shalt  }
0x51: {  	_ =	shalt  }
0x52: {  	_ =	shalt  }
0x53: {  	_ =	shalt  }
0x54: {  	_ =	shalt  }
0x55: {  	_ =	shalt  }
0x56: {  	_ =	shalt  }
0x57: {  	_ =	shalt  }
0x58: {  	_ =	shalt  }
0x59: {  	_ =	shalt  }
0x5a: {  	_ =	shalt  }
0x5b: {  	_ =	shalt  }
0x5c: {  	_ =	shalt  }
0x5d: {  	_ =	shalt  }
0x5e: {  	_ =	shalt  }
0x5f: {  	_ =	shalt  }
0x60: {  	_ =	shalt  }
0x61: {  	_ =	shalt  }
0x62: {  	_ =	shalt  }
0x63: {  	_ =	shalt  }
0x64: {  	_ =	shalt  }
0x65: {  	_ =	shalt  }
0x66: {  	_ =	shalt  }
0x67: {  	_ =	shalt  }
0x68: {  	_ =	shalt  }
0x69: {  	_ =	shalt  }
0x6a: {  	_ =	shalt  }
0x6b: {  	_ =	shalt  }
0x6c: {  	_ =	shalt  }
0x6d: {  	_ =	shalt  }
0x6e: {  	_ =	shalt  }
0x6f: {  	_ =	shalt  }
0x70: {  	_ =	shalt  }
0x71: {  	_ =	shalt  }
0x72: {  	_ =	shalt  }
0x73: {  	_ =	shalt  }
0x74: {  	_ =	shalt  }
0x75: {  	_ =	shalt  }
0x76: {  	_ =	shalt  }
0x77: {  	_ =	shalt  }
0x78: {  	_ =	shalt  }
0x79: {  	_ =	shalt  }
0x7a: {  	_ =	shalt  }
0x7b: {  	_ =	shalt  }
0x7c: {  	_ =	shalt  }
0x7d: {  	_ =	shalt  }
0x7e: {  	_ =	shalt  }
0x7f: {  	_ =	shalt  }
0x80: {  	_ =	shalt  }
0x81: {  	_ =	shalt  }
0x82: {  	_ =	shalt  }
0x83: {  	_ =	shalt  }
0x84: {  	_ =	shalt  }
0x85: {  	_ =	shalt  }
0x86: {  	_ =	shalt  }
0x87: {  	_ =	shalt  }
.Lfunc_end0:
.L_simem_size_0:
called_computation.1_lowered:
.L_overlay_start_0:
0x88: {  	s2 =	sld [smem:$0x3FD9]  }
0x89: {  	s3 =	sld [smem:$0x3FFE];
	_ =	sdelay $0x1  }
0x8a: {  	s1 =	srdreg.scid  }
0x8b: {  	s0 =	sand.u32 $0x1, s1  }
0x8c: {  	s16 =	sshll.u32 s0, $0xA;
	s2 =	sadd.s32 s3, s2  }
0x8d: {  	s2 =	sadd.s32 s2, s16  }
0x8e: {  	[smem:$0x3FC3] =	sst s2  }
0x8f: {  	_ = 	snop  }
0x90: {  	(tm) =	ssettm $0x1  }
0x91: {  	s17 =	sld [smem:$0x3FFB];
	_ =	sdelay $0x3  }
0x92: {  	_ =	strace s17  }
0x93: {  	s2 =	sld [smem:$0x3FFC];
	_ =	sdelay $0x3  }
0x94: {  	_ =	strace s2  }
0x95: {  	s2 =	sld [smem:$0x3FFD];
	_ =	sdelay $0x3  }
0x96: {  	_ =	strace s2  }
0x97: {  	_ =	strace $0x8FFFFFFF  }
0x98: {  	s18 =	sld [smem:$0x3FDB];
	_ =	sdelay $0x1  }
0x99: {  	s19 =	simm.s32 $_scs_section_size  }
0x9a: {  	s4 =	simm.s32 $_size__tile_overlayer_lowered;
	s5 =	simm.s32 $_tile_overlayer_lowered  }
0x9b: {  	s22 =	simm.s32 $0x1BFF;
	s21 =	sshll.u32 s5, $0x1;
	s2 =	sadd.s32 s19, s18  }
0x9c: {  	s6 =	simm.s32 $0x0;
	s20 =	sshll.u32 s4, $0x1;
	s4 =	sadd.s32 s21, s2  }
0x9d: {  	[timem:s6], [sflag:s22] =	dma.local [hbm:s4], s20  }
0x9e: {  	_ =	swait.ge [sflag:s22], s20  }
0x9f: {  	s3 =	ssub.s32 $0x0, s20;
	[sflag:s22] =	ssyncset.done $0x0  }
0xa0: {  	[sflag:s22] =	ssyncadd.s32 s3;
	_ =	sdelay $0x1  }
0xa1: {  	s23 =	simm.s32 $0x1B8B  }
0xa2: {  	_ =	swait.ge [sflag:s23], $0x1  }
0xa3: {  	[sflag:s23] =	ssyncset.done $0x0  }
0xa4: {  	s25 =	simm.s32 $0x1B8E;
	s24 =	sld [smem:$0x3FFE];
	[sflag:s23] =	ssyncadd.s32 $0xFFFFFFFF  }
0xa5: {  	s26 =	simm.s32 $execute0_lowered;
	[smem:$0x3FD2] =	sst s25  }
0xa6: {  	s4 =	sshll.u32 s26, $0x1;
	_ =	strace $0x8000004C;
	[dreg:$0x1] =	wrdreg $0xFFFFFFFF  }
0xa7: {  	s28 =	simm.s32 $_size_execute0_lowered;
	s2 =	sadd.s32 s2, s4;
	[dreg:$0x0] =	wrdreg $0x0  }
0xa8: {  	s4 =	sshll.u32 s28, $0x1;
	[dreg:$0x2] =	wrdreg s2  }
0xa9: {  	[dreg:$0x3] =	wrdreg s4  }
0xaa: {  	[dreg:$0x4] =	wrdreg $0xC0  }
0xab: {  	_ =	task [dreg:s6], $0x5FFFF  }
0xac: {  	[dreg:$0x1] =	wrdreg $0xFFFFFFFF  }
0xad: {  	[dreg:$0x0] =	wrdreg $0x60  }
0xae: {  	[dreg:$0x2] =	wrdreg s24  }
0xaf: {  	[dreg:$0x3] =	wrdreg $0x9  }
0xb0: {  	_ =	task.clear_ibuf [dreg:s6], $0x4FFFF;
	_ =	strace $0x9000004C  }
0xb1: {  	s29 =	simm.s32 $0x9;
	_ =	strace $0x8000004E  }
0xb2: {  	_ =	swait.ge [sflag:s29], $0x1  }
0xb3: {  	[sflag:s29] =	ssyncadd.s32 $0xFFFFFFFF  }
0xb4: {  	_ =	strace $0x9000004E  }
0xb5: {  	_ =	sfence  }
0xb6: {  	s30 =	sld [smem:$0x0];
	_ =	sdelay $0x2  }
0xb7: {  	s31 =	sshll.u32 s1, $0xD;
	s1 =	sshrl.u32 s1, $0x2  }
0xb8: {  	s3 =	sand.u32 $0x4000, s31;
	s1 =	sadd.s32 s1, s30  }
0xb9: {  	s0 =	sor.u32 s3, s0;
	s1 =	sshll.u32 s1, $0x11  }
0xba: {  	s0 =	sor.u32 s1, s0  }
0xbb: {  	s0 =	sadd.s32 $0x8F2B, s0  }
0xbc: {  	[sflag:s0] =	ssyncadd.remote.s32 $0x1  }
0xbd: {  	_ =	sfence.sel $0xFFFF  }
0xbe: {  	[dreg:$0x0] =	wrdreg $0xFFFFFFFF;
	(pc) =	sbr.abs _section_cstart, $3  }
0xbf: {  	[dreg:$0x1] =	wrdreg $0xFFFFFFFF  }
0xc0: {  	_ =	task.clear_ibuf [dreg:s6], $0x2FFFF;
	_ =	strace $0x9FFFFFFF  }
0xc1: {  	(tm) =	ssettm $0x7FFFFFFF  }
tec
execute0_lowered:
.L_overlay_start_1:
0x0: {  	(tag) =	ssettag $0x1  }
0x1: {  	s7 =	rddreg [dreg:$0x0]  }
0x2: {  	s0 =	rddreg [dreg:$0x1];
	_ =	strace $0x8000004D  }
0x3: {  	s1 =	srdreg.scid;
	s4 =	simm.s32 $0x1;
	s9 =	simm.s32 $0x3  }
0x4: {  	s11 =	simm.s32 $0x0;
	p0 =	por $0x0, $0x0;
	s5 =	sshll.u32 s1, $0x4  }
.Ltmp0:
0x5: {  	s1 =	stileid.u32;
	s5 =	sand.u32 $0x10, s5;
	(pc) =	sbr.rel .LBB2_1-.Ltmp0, $4  }
0x6: {  	s2 =	sadd.s32 $0x1AA00, s7;
	s3 =	sadd.s32 $0x12A00, s7;
	s6 =	sor.u32 s1, s5  }
0x7: {  	[sflag:s4] =	ssyncpa.u1 $0x0;
	s5 =	simm.s32 $0x2;
	s6 =	sshll.u32 s6, $0xD  }
0x8: {  	s7 =	sadd.s32 $0x41AA00, s7;
	[sflag:s5] =	ssyncpa.u1 $0x0;
	s8 =	sadd.s32 $0x2000, s6  }
0x9: {  	vm0 =	vmmov $0xff;
	vm1 =	vcmask $0x3F20;
	[sflag:s9] =	ssyncpa.u1 $0x0;
	s10 =	smov.u32 s6;
	s9 =	simm.s32 $0x0  }
.LBB2_7:
0xa: {  	p1 =	slt.u32 s9, $0x2;
	s11 =	sadd.s32 $0x100, s10  }
0xb: {  	s13 =	smov.u32 s6;
	s9 =	sadd.s32 $0x1, s9;
	p2 =	slt.s32 s11, s8  }
0xc: {  	s13 =	smov.u32 @p2 s11;
	p2 =	sne.s32 s9, $0x22  }
.Ltmp1:
0xd: {  	_ = 	snop;
	(pc) =	sbr.rel @!p2 .LBB2_8-.Ltmp1, $4  }
0xe: {  	s12 =	simm.s32 @!p1 $0x3  }
0xf: {  	_ =	swait.ge @!p1 [sflag:s12], $0x8000  }
0x10: {  	p0 =	por !p0, !p0;
	[sflag:s12] =	ssyncset.done @!p1 $0x0  }
0x11: {  	s11 =	smov.u32 s10;
	s10 =	smov.u32 s13;
	[sflag:s12] =	ssyncadd.s32 @!p1 $0xFFFF8000  }
.LBB2_1:
0x12: {  	p1 =	sgt.u32 s9, $0x1F  }
0x13: {  	s12 =	sxor.u32 @!p1 $0xFFFFFFFF, s9  }
0x14: {  	s13 =	sshrl.u32 @!p1 s10, $0x3;
	s12 =	sshll.u32 @!p1 s12, $0x8  }
0x15: {  	s14 =	sand.u32 @!p1 $0x7, s10;
	s13 =	sadd.s32 @!p1 s3, s13;
	s12 =	sand.u32 @!p1 $0x100, s12  }
0x16: {  	[tilespmem:s12], [sflag:$0x2] =	stream.linear.gather @!p1 [hbm4b:s13+s14], $0x100, $0x38;
	[tilespmem:$0x10200] =	vst v63  }
0x17: {  	p1 =	seq.s32 s9, $0x0  }
0x18: {  	p2 =	seq.s32 @!p1 s9, $0x21  }
0x19: {  	p1 =	por p1, p2  }
.Ltmp2:
0x1a: {  	_ = 	snop;
	(pc) =	sbr.rel @p1 .LBB2_7-.Ltmp2, $1  }
0x1b: {  	_ =	sdelay $0x3  }
0x1c: {  	s12 =	simm.s32 $0x1  }
0x1d: {  	_ =	swait.ge [sflag:s5], $0x100;
	s12 =	simm.s32 @!p0 $0x0  }
0x1e: {  	[sflag:s5] =	ssyncset.done $0x0;
	s14 =	sshll.u32 s12, $0x8  }
0x1f: {  	[sflag:s5] =	ssyncadd.s32 $0xFFFFFF00;
	s13 =	sadd.s32 $0x0, s14  }
0x20: {  	v0 =	vld.msk [tilespmem:s13+$0x0 ss:$0x1], $0xffff;
	_ =	sdelay $0x4  }
0x21: {  	vm2 =	vgt.s32 v0, $0x0  }
0x22: {  	v0 =	vnsel vm2, $0x0, v0  }
0x23: {  	v0 =	vmin.u32 v0, $0x3FFFF  }
0x24: {  	v0 =	vshll.u32 v0, $0x4;
	_ =	sdelay $0x2  }
0x25: {  	s12 =	sshll.u32 s12, $0xF  }
0x26: {  	s12 =	sor.u32 $0x200, s12  }
0x27: {  	[tilespmem:s12], [sflag:$0x1] =	stream.indirect_vreg.gather [hbm:s2], $0x80, v0, vm0, $0x38;
	[tilespmem:$0x10200] =	vst v63  }
0x28: {  	s15 =	sadd.s32 $0x10, s14;
	s13 =	sadd.s32 $0x400, s12  }
0x29: {  	[tilespmem:s13], [sflag:$0x1] =	stream.indirect_vreg.gather [hbm:s2], $0x80, v0, vm1, $0x38;
	[tilespmem:$0x10200] =	vst v63  }
0x2a: {  	s16 =	simm.s32 $0x80;
	v0 =	vld.msk [tilespmem:s15+$0x0 ss:$0x1], $0xffff;
	s15 =	smov.u32 s12  }
.LBB2_3:
0x2b: {  	p1 =	sne.s32 s16, $0x3C0;
	_ =	sdelay $0x4  }
0x2c: {  	vm2 =	vgt.s32 v0, $0x0  }
0x2d: {  	v0 =	vnsel vm2, $0x0, v0  }
0x2e: {  	v0 =	vmin.u32 v0, $0x3FFFF  }
0x2f: {  	v0 =	vshll.u32 v0, $0x4;
	_ =	sdelay $0x3  }
.Ltmp3:
0x30: {  	s17 =	sshra.s32 s16, $0x2;
	s15 =	sadd.s32 $0x800, s15;
	(pc) =	sbr.rel @p1 .LBB2_3-.Ltmp3, $4  }
0x31: {  	[tilespmem:s15], [sflag:$0x1] =	stream.indirect_vreg.gather [hbm:s2], $0x80, v0, vm0, $0x38;
	[tilespmem:$0x10200] =	vst v63  }
0x32: {  	s17 =	sadd.s32 s17, s14;
	s18 =	sadd.s32 $0x400, s15  }
0x33: {  	[tilespmem:s18], [sflag:$0x1] =	stream.indirect_vreg.gather [hbm:s2], $0x80, v0, vm1, $0x38;
	[tilespmem:$0x10200] =	vst v63  }
0x34: {  	s16 =	sadd.s32 $0x40, s16;
	v0 =	vld.msk [tilespmem:s17+$0x0 ss:$0x1], $0xffff  }
0x35: {  	_ =	sdelay $0x3  }
0x36: {  	vm2 =	vgt.s32 v0, $0x0  }
0x37: {  	v0 =	vnsel vm2, $0x0, v0  }
0x38: {  	v0 =	vmin.u32 v0, $0x3FFFF  }
0x39: {  	v0 =	vshll.u32 v0, $0x4;
	_ =	sdelay $0x3  }
0x3a: {  	s14 =	sadd.s32 $0x800, s15  }
0x3b: {  	[tilespmem:s14], [sflag:$0x1] =	stream.indirect_vreg.gather [hbm:s2], $0x80, v0, vm0, $0x38;
	[tilespmem:$0x10200] =	vst v63  }
0x3c: {  	s14 =	sadd.s32 $0x400, s14  }
0x3d: {  	[tilespmem:s14], [sflag:$0x1] =	stream.indirect_vreg.gather [hbm:s2], $0x80, v0, vm1, $0x38;
	[tilespmem:$0x10200] =	vst v63  }
0x3e: {  	s11 =	sshll.u32 s11, $0x4;
	_ =	swait.ge [sflag:s4], $0x8000  }
0x3f: {  	s11 =	sadd.s32 s11, s7;
	[sflag:s4] =	ssyncset.done $0x0  }
0x40: {  	s15 =	sadd.s32 $0x0, s11;
	s14 =	simm.s32 $0x80;
	[sflag:s4] =	ssyncadd.s32 $0xFFFF8000  }
.LBB2_5:
0x41: {  	[hbm:s15] =	stream.linear.scatter [tilespmem:s12], [sflag:$0x3], $0x400, $0x38;
	[tilespmem:$0x10200] =	vst v63  }
0x42: {  	s15 =	smov.u32 s14;
	s12 =	smov.u32 s13;
	p1 =	sne.s32 s14, $0xF80  }
.Ltmp4:
0x43: {  	s14 =	sadd.s32 $0x80, s14;
	(pc) =	sbr.rel @p1 .LBB2_5-.Ltmp4, $2  }
0x44: {  	_ =	sdelay $0x2  }
0x45: {  	s13 =	sadd.s32 $0x400, s13;
	s15 =	sadd.s32 s15, s11  }
.Ltmp5:
0x46: {  	(pc) =	sbr.rel .LBB2_7-.Ltmp5, $2  }
0x47: {  	_ =	sdelay $0x2  }
0x48: {  	[hbm:s15] =	stream.linear.scatter [tilespmem:s12], [sflag:$0x3], $0x400, $0x38;
	[tilespmem:$0x10200] =	vst v63  }
.LBB2_8:
0x49: {  	_ =	sfence.sel $0x180000  }
0x4a: {  	s2 =	simm.s32 $0x2;
	[bflag:$0x0] =	sbarrier.arrive $0xFFFF  }
0x4b: {  	s30 =	simm.s32 $0x3;
	[sflag:s2] =	ssyncpa.u1 $0x1  }
0x4c: {  	s31 =	simm.s32 $0x1;
	[sflag:s30] =	ssyncpa.u1 $0x1  }
0x4d: {  	[sflag:s31] =	ssyncpa.u1 $0x1  }
0x4e: {  	p0 =	sne.s32 s1, $0x0;
	_ =	strace $0x9000004D  }
0x4f: {  	s0 =	sadd.s32 @!p0 $0x100000, s0;
	[bflag:$0x2] =	sbarrier.arrive $0xFFFF  }
0x50: {  	[sflag:s0] =	ssyncadd.tile.s32 @!p0 $0x1;
	_ =	shalt  }
.Lfunc_end2:
_tile_overlayer_lowered:
.L_overlay_start_2:
0x51: {  	(tag) =	ssettag $0x2  }
0x52: {  	s0 =	rddreg [dreg:$0x0];
	s2 =	stileid.u32  }
0x53: {  	s1 =	rddreg [dreg:$0x1];
	p0 =	sne.s32 s2, $0x0  }
0x54: {  	s3 =	rddreg [dreg:$0x2];
	[bflag:$0x3] =	sbarrier.arrive $0xFFFF;
	s2 =	simm.s32 @!p0 $0x1C01  }
0x55: {  	[timem:s3], [sflag:s2] =	dma.local @!p0 [hbm:s0], s1  }
0x56: {  	s0 =	simm.s32 @!p0 $0x1  }
0x57: {  	_ =	swait.ge @!p0 [sflag:s0], s1  }
0x58: {  	s1 =	ssub.s32 @!p0 $0x0, s1;
	[sflag:s0] =	ssyncset.done @!p0 $0x0  }
0x59: {  	[sflag:s0] =	ssyncadd.s32 @!p0 s1  }
0x5a: {  	[bflag:$0x3] =	sbarrier.arrive $0xFFFF  }
0x5b: {  	_ =	shalt  }

// kernel: kernel.10.cloned.1.call-start
scs
__scs_entry_jumppad:
0x0: {  	(pc) =	sbr.rel $0x88, $3  }
0x1: {  	(tag) =	ssettag $0x0;
	lr =	simm.s32 $0x1  }
0x2: {  	[smem:$0x3F9C] =	sst lr;
	_ =	strace $0xD0000000  }
0x3: {  	_ = 	snop  }
0x4: {  	_ = 	snop  }
0x5: {  	_ = 	snop  }
0x6: {  	_ = 	snop  }
0x7: {  	_ = 	snop  }
__scs_overlays_trampoline_lowered:
0x8: {  	[smem:$0x3FAB] =	sst s0  }
0x9: {  	[smem:$0x3FAC] =	sst s1  }
0xa: {  	[smem:$0x3FAD] =	sst s2  }
0xb: {  	[smem:$0x3FAE] =	sst s3  }
0xc: {  	[smem:$0x3FAF] =	sst s4  }
0xd: {  	[smem:$0x3FB0] =	sst s5  }
0xe: {  	[smem:$0x3FB1] =	sst s6  }
0xf: {  	[smem:$0x3FB2] =	sst s7  }
0x10: {  	[smem:$0x3FB3] =	sst s8  }
0x11: {  	[smem:$0x3FB4] =	sst s9;
	s0 =	simm.s32 @!p0 $0x0  }
0x12: {  	s1 =	sld [smem:$0x3F9A];
	s0 =	simm.s32 @p0 $0x1  }
0x13: {  	[smem:$0x3FB5] =	sst s0;
	s0 =	simm.s32 @!p1 $0x0  }
0x14: {  	s2 =	sld [smem:$0x3F99];
	s0 =	simm.s32 @p1 $0x1  }
0x15: {  	[smem:$0x3FB6] =	sst s0;
	s0 =	simm.s32 @!p2 $0x0  }
0x16: {  	s3 =	sld [smem:$0x3FDB];
	s0 =	simm.s32 @p2 $0x1  }
0x17: {  	s4 =	simm.s32 $0x1BF5;
	[smem:$0x3FB8] =	sst s0  }
0x18: {  	s0 =	sld [smem:$0x3F9B];
	_ =	swait.ge [sflag:s4], $0x0  }
0x19: {  	s7 =	sld [smem:$0x3F9C]  }
0x1a: {  	s8 =	sadd.s32 $0xFFFFE003, lr  }
0x1b: {  	s9 =	sadd.s32 $0xFFFFFEF7, lr;
	s5 =	simm.s32 $0xFFFFFFFF;
	p2 =	slt.u32 s8, $0xFFFFF086  }
0x1c: {  	p1 =	slt.u32 s9, $0xF7A;
	s5 =	simm.s32 @!p2 $0x0  }
0x1d: {  	s5 =	simm.s32 @p1 $0x1;
	p0 =	seq.s32 s7, s2  }
0x1e: {  	s7 =	smul.u32 @!p0 $0xF7A, s2;
	p2 =	seq.s32 @!p0 s5, $0x0  }
0x1f: {  	s9 =	smul.u32 $0xF7A, s1;
	s8 =	simm.s32 @!p0 $0x1BF5;
	p2 =	por !p2, p0  }
0x20: {  	[sflag:s8] =	ssyncset.s32 @!p0 $0xFFFFF086;
	s6 =	sadd.s32 @!p0 s3, s7;
	s7 =	simm.s32 @!p0 $0x108  }
0x21: {  	s3 =	sadd.s32 s3, s9;
	s6 =	sadd.s32 @!p0 $0x88, s6;
	s7 =	simm.s32 @p2 $0x1082  }
0x22: {  	[simem:s7], [sflag:s8] =	dma.local @!p0 [hbm:s6], $0xF7A  }
0x23: {  	s9 =	sor.u32 $0xD0000000, s2;
	s6 =	simm.s32 $0x108;
	_ =	swait.ge @!p0 [sflag:s8], $0x0  }
0x24: {  	s3 =	sadd.s32 $0x88, s3;
	s6 =	simm.s32 @!p1 $0x1082;
	[sflag:s4] =	ssyncset.s32 $0xFFFFF086  }
0x25: {  	[simem:s6], [sflag:s4] =	dma.local [hbm:s3], $0xF7A  }
0x26: {  	[smem:$0x3F9C] =	sst s1;
	(tag) =	ssettag s2;
	_ =	strace s9  }
0x27: {  	s1 =	sld [smem:$0x3FAC]  }
0x28: {  	s2 =	sld [smem:$0x3FAD]  }
0x29: {  	s4 =	sld [smem:$0x3FAF]  }
0x2a: {  	p0 =	seq.s32 s5, $0x0;
	s5 =	sld [smem:$0x3FB0]  }
0x2b: {  	s6 =	sld [smem:$0x3FB1]  }
0x2c: {  	s7 =	sld [smem:$0x3FB2]  }
0x2d: {  	s3 =	simm.s32 $0x108;
	s8 =	sld [smem:$0x3FB3]  }
0x2e: {  	s3 =	simm.s32 @!p0 $0x1082;
	s9 =	sld [smem:$0x3FB4]  }
0x2f: {  	lr =	sadd.s32 s0, s3;
	s0 =	sld [smem:$0x3FAB]  }
0x30: {  	s3 =	sld [smem:$0x3FAE]  }
0x31: {  	[smem:$0x3FB7] =	sst s10  }
0x32: {  	s10 =	sld [smem:$0x3FB5];
	_ =	sdelay $0x3  }
0x33: {  	p0 =	seq.s32 s10, $0x1;
	s10 =	sld [smem:$0x3FB7];
	_ =	sdelay $0x3  }
0x34: {  	[smem:$0x3FB7] =	sst s10  }
0x35: {  	s10 =	sld [smem:$0x3FB6];
	_ =	sdelay $0x3  }
0x36: {  	p1 =	seq.s32 s10, $0x1;
	s10 =	sld [smem:$0x3FB7];
	_ =	sdelay $0x3  }
0x37: {  	[smem:$0x3FB7] =	sst s10  }
0x38: {  	s10 =	sld [smem:$0x3FB8]  }
0x39: {  	_ = 	snop;
	(pc) =	sbr.ind lr, $3  }
0x3a: {  	_ = 	snop  }
0x3b: {  	_ = 	snop  }
0x3c: {  	p2 =	seq.s32 s10, $0x1;
	s10 =	sld [smem:$0x3FB7]  }
0x3d: {  	_ =	shalt  }
0x3e: {  	_ =	shalt  }
0x3f: {  	_ =	shalt  }
0x40: {  	_ =	shalt  }
0x41: {  	_ =	shalt  }
0x42: {  	_ =	shalt  }
0x43: {  	_ =	shalt  }
0x44: {  	_ =	shalt  }
0x45: {  	_ =	shalt  }
0x46: {  	_ =	shalt  }
0x47: {  	_ =	shalt  }
0x48: {  	_ =	shalt  }
0x49: {  	_ =	shalt  }
0x4a: {  	_ =	shalt  }
0x4b: {  	_ =	shalt  }
0x4c: {  	_ =	shalt  }
0x4d: {  	_ =	shalt  }
0x4e: {  	_ =	shalt  }
0x4f: {  	_ =	shalt  }
0x50: {  	_ =	shalt  }
0x51: {  	_ =	shalt  }
0x52: {  	_ =	shalt  }
0x53: {  	_ =	shalt  }
0x54: {  	_ =	shalt  }
0x55: {  	_ =	shalt  }
0x56: {  	_ =	shalt  }
0x57: {  	_ =	shalt  }
0x58: {  	_ =	shalt  }
0x59: {  	_ =	shalt  }
0x5a: {  	_ =	shalt  }
0x5b: {  	_ =	shalt  }
0x5c: {  	_ =	shalt  }
0x5d: {  	_ =	shalt  }
0x5e: {  	_ =	shalt  }
0x5f: {  	_ =	shalt  }
0x60: {  	_ =	shalt  }
0x61: {  	_ =	shalt  }
0x62: {  	_ =	shalt  }
0x63: {  	_ =	shalt  }
0x64: {  	_ =	shalt  }
0x65: {  	_ =	shalt  }
0x66: {  	_ =	shalt  }
0x67: {  	_ =	shalt  }
0x68: {  	_ =	shalt  }
0x69: {  	_ =	shalt  }
0x6a: {  	_ =	shalt  }
0x6b: {  	_ =	shalt  }
0x6c: {  	_ =	shalt  }
0x6d: {  	_ =	shalt  }
0x6e: {  	_ =	shalt  }
0x6f: {  	_ =	shalt  }
0x70: {  	_ =	shalt  }
0x71: {  	_ =	shalt  }
0x72: {  	_ =	shalt  }
0x73: {  	_ =	shalt  }
0x74: {  	_ =	shalt  }
0x75: {  	_ =	shalt  }
0x76: {  	_ =	shalt  }
0x77: {  	_ =	shalt  }
0x78: {  	_ =	shalt  }
0x79: {  	_ =	shalt  }
0x7a: {  	_ =	shalt  }
0x7b: {  	_ =	shalt  }
0x7c: {  	_ =	shalt  }
0x7d: {  	_ =	shalt  }
0x7e: {  	_ =	shalt  }
0x7f: {  	_ =	shalt  }
0x80: {  	_ =	shalt  }
0x81: {  	_ =	shalt  }
0x82: {  	_ =	shalt  }
0x83: {  	_ =	shalt  }
0x84: {  	_ =	shalt  }
0x85: {  	_ =	shalt  }
0x86: {  	_ =	shalt  }
0x87: {  	_ =	shalt  }
.Lfunc_end0:
.L_simem_size_0:
called_computation.3_lowered:
.L_overlay_start_0:
0x88: {  	s2 =	sld [smem:$0x3FD9]  }
0x89: {  	s3 =	sld [smem:$0x3FFE];
	_ =	sdelay $0x1  }
0x8a: {  	s1 =	srdreg.scid  }
0x8b: {  	s0 =	sand.u32 $0x1, s1  }
0x8c: {  	s17 =	sshll.u32 s0, $0xA;
	s2 =	sadd.s32 s3, s2  }
0x8d: {  	s2 =	sadd.s32 s2, s17  }
0x8e: {  	[smem:$0x3FC3] =	sst s2  }
0x8f: {  	_ = 	snop  }
0x90: {  	s18 =	sld [smem:$0x3FD0];
	(tm) =	ssettm $0x1  }
0x91: {  	s19 =	sld [smem:$0x3FFB];
	_ =	sdelay $0x3  }
0x92: {  	_ =	strace s19  }
0x93: {  	s2 =	sld [smem:$0x3FFC];
	_ =	sdelay $0x3  }
0x94: {  	_ =	strace s2  }
0x95: {  	s2 =	sld [smem:$0x3FFD];
	_ =	sdelay $0x3  }
0x96: {  	_ =	strace s2  }
0x97: {  	_ =	strace $0x8FFFFFFF  }
0x98: {  	s20 =	sld [smem:$0x3FDB];
	_ =	sdelay $0x1  }
0x99: {  	s4 =	simm.s32 $_scs_section_size  }
0x9a: {  	s5 =	simm.s32 $_size__tile_overlayer_lowered;
	s6 =	simm.s32 $_tile_overlayer_lowered  }
0x9b: {  	s7 =	simm.s32 $0x1BFF;
	s21 =	sshll.u32 s6, $0x1;
	s4 =	sadd.s32 s4, s20  }
0x9c: {  	s22 =	simm.s32 $0x0;
	s5 =	sshll.u32 s5, $0x1;
	s6 =	sadd.s32 s21, s4  }
0x9d: {  	[timem:s22], [sflag:s7] =	dma.local [hbm:s6], s5  }
0x9e: {  	_ =	swait.ge [sflag:s7], s5  }
0x9f: {  	s5 =	ssub.s32 $0x0, s5;
	[sflag:s7] =	ssyncset.done $0x0  }
0xa0: {  	[sflag:s7] =	ssyncadd.s32 s5;
	_ =	sdelay $0x1  }
0xa1: {  	s23 =	simm.s32 $0x1B8B  }
0xa2: {  	_ =	swait.ge [sflag:s23], $0x1  }
0xa3: {  	[sflag:s23] =	ssyncset.done $0x0  }
0xa4: {  	[sflag:s23] =	ssyncadd.s32 $0xFFFFFFFF  }
0xa5: {  	s5 =	sld [smem:$0x0]  }
0xa6: {  	s6 =	sand.u32 $0xFFFFFFFE, s1  }
0xa7: {  	p0 =	sne.s32 s1, s6  }
0xa8: {  	s6 =	sshll.u32 @p0 s6, $0xE  }
0xa9: {  	s6 =	sadd.s32 @p0 $0x11B8D, s6;
	s7 =	sshll.u32 @p0 s5, $0x11  }
0xaa: {  	s6 =	sor.u32 @p0 s7, s6  }
0xab: {  	[sflag:s6] =	ssyncadd.remote.s32 @p0 $0x1;
	_ =	sdelay $0x1  }
0xac: {  	s6 =	simm.s32 @p0 $0x1B8D  }
0xad: {  	_ =	swait.eq @p0 [sflag:s6], $0x1  }
0xae: {  	[sflag:s6] =	ssyncadd.s32 @p0 $0xFFFFFFFF  }
0xaf: {  	s7 =	sshll.u32 @!p0 s1, $0xE  }
0xb0: {  	s7 =	sor.u32 @!p0 $0x4000, s7;
	s6 =	simm.s32 @!p0 $0x1B8D  }
0xb1: {  	s5 =	sshll.u32 @!p0 s5, $0x11;
	s7 =	sadd.s32 @!p0 $0x11B8D, s7;
	_ =	swait.eq @!p0 [sflag:s6], $0x1  }
0xb2: {  	s5 =	sor.u32 @!p0 s5, s7;
	[sflag:s6] =	ssyncadd.s32 @!p0 $0xFFFFFFFF  }
0xb3: {  	s25 =	simm.s32 $0x1B8E;
	s24 =	sld [smem:$0x3FFE];
	[sflag:s5] =	ssyncadd.remote.s32 @!p0 $0x1  }
0xb4: {  	s26 =	simm.s32 $execute0_lowered;
	[smem:$0x3FD2] =	sst s25  }
0xb5: {  	s6 =	sshll.u32 s26, $0x1;
	_ =	strace $0x80000049;
	[dreg:$0x1] =	wrdreg $0xFFFFFFFF  }
0xb6: {  	s28 =	simm.s32 $_size_execute0_lowered;
	s4 =	sadd.s32 s4, s6;
	[dreg:$0x0] =	wrdreg $0x0  }
0xb7: {  	s6 =	sshll.u32 s28, $0x1;
	[dreg:$0x2] =	wrdreg s4  }
0xb8: {  	[dreg:$0x3] =	wrdreg s6  }
0xb9: {  	[dreg:$0x4] =	wrdreg $0xC0  }
0xba: {  	_ =	task [dreg:s22], $0x5FFFF  }
0xbb: {  	[dreg:$0x1] =	wrdreg $0xFFFFFFFF  }
0xbc: {  	[dreg:$0x0] =	wrdreg $0x60  }
0xbd: {  	[dreg:$0x2] =	wrdreg s24  }
0xbe: {  	[dreg:$0x3] =	wrdreg s18  }
0xbf: {  	[dreg:$0x4] =	wrdreg $0xA  }
0xc0: {  	_ =	task.clear_ibuf [dreg:s22], $0x5FFFF;
	_ =	strace $0x90000049  }
0xc1: {  	s29 =	simm.s32 $0xA;
	_ =	strace $0x8000004B  }
0xc2: {  	_ =	swait.ge [sflag:s29], $0x1  }
0xc3: {  	[sflag:s29] =	ssyncadd.s32 $0xFFFFFFFF  }
0xc4: {  	_ =	strace $0x9000004B  }
0xc5: {  	_ =	sfence  }
0xc6: {  	s30 =	sld [smem:$0x0];
	_ =	sdelay $0x2  }
0xc7: {  	s31 =	sshll.u32 s1, $0xD;
	s1 =	sshrl.u32 s1, $0x2  }
0xc8: {  	s4 =	sand.u32 $0x4000, s31;
	s1 =	sadd.s32 s1, s30  }
0xc9: {  	s0 =	sor.u32 s4, s0;
	s1 =	sshll.u32 s1, $0x11  }
0xca: {  	s0 =	sor.u32 s1, s0  }
0xcb: {  	s0 =	sadd.s32 $0x8F2B, s0  }
0xcc: {  	[sflag:s0] =	ssyncadd.remote.s32 $0x1  }
0xcd: {  	_ =	sfence.sel $0xFFFF  }
0xce: {  	[dreg:$0x0] =	wrdreg $0xFFFFFFFF;
	(pc) =	sbr.abs _section_cstart, $3  }
0xcf: {  	[dreg:$0x1] =	wrdreg $0xFFFFFFFF  }
0xd0: {  	_ =	task.clear_ibuf [dreg:s22], $0x2FFFF;
	_ =	strace $0x9FFFFFFF  }
0xd1: {  	(tm) =	ssettm $0x7FFFFFFF  }
tec
execute0_lowered:
.L_overlay_start_1:
0x0: {  	(tag) =	ssettag $0x1  }
0x1: {  	s3 =	rddreg [dreg:$0x0]  }
0x2: {  	s6 =	rddreg [dreg:$0x1]  }
0x3: {  	s0 =	rddreg [dreg:$0x2]  }
0x4: {  	s2 =	simm.s32 $0x0;
	s1 =	stileid.u32;
	s4 =	srdreg.scid  }
0x5: {  	s12 =	simm.s32 $0x1;
	s13 =	simm.s32 $0x6000;
	s14 =	simm.s32 $0xA000  }
0x6: {  	s15 =	simm.s32 $0xA100;
	s16 =	simm.s32 $0xA080;
	s17 =	simm.s32 $0xE100  }
0x7: {  	s18 =	simm.s32 $0x0;
	[smem:$0x7FF] =	sst s2;
	s5 =	sand.u32 $0x1, s4  }
0x8: {  	s29 =	sshll.u32 s1, $0x1;
	s7 =	sshll.u32 s1, $0x12;
	_ =	strace $0x8000004A  }
0x9: {  	s8 =	sor.u32 s5, s29;
	s7 =	sadd.s32 s7, s3;
	s9 =	ssub.s32 $0x2, s5  }
0xa: {  	s30 =	sshll.u32 s5, $0x11;
	s4 =	sshll.u32 s8, $0xA;
	s10 =	sshll.u32 s8, $0x5  }
0xb: {  	s11 =	sshrl.u32 s9, $0x1;
	s8 =	sshll.u32 s8, $0xC;
	s31 =	sadd.s32 s30, s7  }
0xc: {  	s4 =	sadd.s32 s4, s3;
	s10 =	sadd.s32 s10, s3;
	s3 =	sadd.s32 $0xC02600, s3  }
0xd: {  	s9 =	ssub.s32 s9, s11;
	s6 =	sadd.s32 s6, s8;
	s8 =	sadd.s32 $0x1402600, s31  }
0xe: {  	s11 =	simm.s32 $0x80;
	s4 =	sadd.s32 $0xA600, s4;
	s5 =	sadd.s32 $0x12600, s10  }
0xf: {  	s7 =	smax.u32 s9, $0x1;
	s9 =	simm.s32 $0x2;
	s10 =	simm.s32 $0x2000  }
.LBB2_1:
0x10: {  	[tilespmem:s2], [sflag:$0x2] =	stream.linear.gather [hbm4b:s4+s2], $0x2000, $0x38;
	[tilespmem:$0x12100] =	vst v63  }
0x11: {  	_ =	swait.ge [sflag:s9], $0x2000  }
0x12: {  	[sflag:s9] =	ssyncset.done $0x0  }
0x13: {  	s19 =	sadd.s32 $0x0, s8;
	[sflag:s9] =	ssyncadd.s32 $0xFFFFE000  }
0x14: {  	[tilespmem:s10], [sflag:$0x2] =	stream.linear.gather [hbm4b:s19+s2], $0x8000, $0x38;
	[tilespmem:$0x12100] =	vst v63  }
0x15: {  	_ =	swait.ge [sflag:s9], $0x8000  }
0x16: {  	[sflag:s9] =	ssyncset.done $0x0  }
0x17: {  	s31 =	simm.s32 $0x0;
	[sflag:s9] =	ssyncadd.s32 $0xFFFF8000  }
0x18: {  	[hbm4b:s3+s11] =	stream.indirect.scatter [tilespmem:s10], [sflag:$0x1], $0x80, s31, s11, $0xb8;
	[tilespmem:$0x12100] =	vst v63  }
0x19: {  	_ =	swait.ge [sflag:s12], $0x4000  }
0x1a: {  	[sflag:s12] =	ssyncset.done $0x0  }
0x1b: {  	[sflag:s12] =	ssyncadd.s32 $0xFFFFC000  }
0x1c: {  	[hbm4b:s3+s11] =	stream.indirect.scatter [tilespmem:s13], [sflag:$0x1], $0x80, s11, s11, $0xb8;
	[tilespmem:$0x12100] =	vst v63  }
0x1d: {  	s20 =	simm.s32 $0x1000;
	_ =	swait.ge [sflag:s12], $0x4000  }
0x1e: {  	s21 =	simm.s32 $0x2000;
	s19 =	simm.s32 $0x180;
	[sflag:s12] =	ssyncset.done $0x0  }
.LBB2_2:
0x1f: {  	s22 =	sadd.s32 s20, s8  }
0x20: {  	[sflag:s12] =	ssyncadd.s32 $0xFFFFC000;
	s20 =	smov.u32 s21;
	s23 =	sadd.s32 $0x1000, s21  }
0x21: {  	[tilespmem:s10], [sflag:$0x2] =	stream.linear.gather [hbm4b:s22+s2], $0x8000, $0x38;
	[tilespmem:$0x12100] =	vst v63  }
0x22: {  	p0 =	sne.s32 s21, $0x1F000;
	_ =	swait.ge [sflag:s9], $0x8000  }
0x23: {  	[sflag:s9] =	ssyncset.done $0x0  }
0x24: {  	s21 =	sadd.s32 $0xFFFFFF80, s19;
	[sflag:s9] =	ssyncadd.s32 $0xFFFF8000  }
0x25: {  	[hbm4b:s3+s11] =	stream.indirect.scatter [tilespmem:s10], [sflag:$0x1], $0x80, s21, s11, $0xb8;
	[tilespmem:$0x12100] =	vst v63  }
0x26: {  	_ =	swait.ge [sflag:s12], $0x4000  }
.Ltmp0:
0x27: {  	[sflag:s12] =	ssyncset.done $0x0;
	(pc) =	sbr.rel @p0 .LBB2_2-.Ltmp0, $4  }
0x28: {  	[sflag:s12] =	ssyncadd.s32 $0xFFFFC000  }
0x29: {  	[hbm4b:s3+s11] =	stream.indirect.scatter [tilespmem:s13], [sflag:$0x1], $0x80, s19, s11, $0xb8;
	[tilespmem:$0x12100] =	vst v63  }
0x2a: {  	_ =	swait.ge [sflag:s12], $0x4000  }
0x2b: {  	s21 =	smov.u32 s23;
	s19 =	sadd.s32 $0x100, s19;
	[sflag:s12] =	ssyncset.done $0x0  }
0x2c: {  	s20 =	sadd.s32 s20, s8;
	[sflag:s12] =	ssyncadd.s32 $0xFFFFC000  }
0x2d: {  	[tilespmem:s10], [sflag:$0x2] =	stream.linear.gather [hbm4b:s20+s2], $0x8000, $0x38;
	[tilespmem:$0x12100] =	vst v63  }
0x2e: {  	_ =	swait.ge [sflag:s9], $0x8000  }
0x2f: {  	[sflag:s9] =	ssyncset.done $0x0  }
0x30: {  	s31 =	sadd.s32 $0xFFFFFF80, s19;
	[sflag:s9] =	ssyncadd.s32 $0xFFFF8000  }
0x31: {  	[hbm4b:s3+s11] =	stream.indirect.scatter [tilespmem:s10], [sflag:$0x1], $0x80, s31, s11, $0xb8;
	[tilespmem:$0x12100] =	vst v63  }
0x32: {  	_ =	swait.ge [sflag:s12], $0x4000  }
0x33: {  	[sflag:s12] =	ssyncset.done $0x0  }
0x34: {  	[sflag:s12] =	ssyncadd.s32 $0xFFFFC000  }
0x35: {  	[hbm4b:s3+s11] =	stream.indirect.scatter [tilespmem:s13], [sflag:$0x1], $0x80, s19, s11, $0xb8;
	[tilespmem:$0x12100] =	vst v63  }
0x36: {  	_ =	swait.ge [sflag:s12], $0x4000  }
0x37: {  	[sflag:s12] =	ssyncset.done $0x0  }
0x38: {  	[sflag:s12] =	ssyncadd.s32 $0xFFFFC000  }
0x39: {  	[tilespmem:s14], [sflag:$0x2] =	stream.linear.gather [hbm4b:s5+s2], $0x100, $0x38;
	[tilespmem:$0x12100] =	vst v63  }
0x3a: {  	_ =	swait.ge [sflag:s9], $0x100  }
0x3b: {  	[sflag:s9] =	ssyncset.done $0x0  }
0x3c: {  	[sflag:s9] =	ssyncadd.s32 $0xFFFFFF00  }
0x3d: {  	[tilespmem:s15], [sflag:$0x1] =	stream.indirect.gather [hbm4b:s3+s11], $0x80, s14, s11, $0xb8;
	[tilespmem:$0x12100] =	vst v63  }
0x3e: {  	_ =	swait.ge [sflag:s12], $0x4000  }
0x3f: {  	[sflag:s12] =	ssyncset.done $0x0  }
0x40: {  	[sflag:s12] =	ssyncadd.s32 $0xFFFFC000  }
0x41: {  	[tilespmem:s17], [sflag:$0x1] =	stream.indirect.gather [hbm4b:s3+s11], $0x80, s16, s11, $0xb8;
	[tilespmem:$0x12100] =	vst v63  }
0x42: {  	s18 =	sadd.s32 $0x1, s18;
	_ =	swait.ge [sflag:s12], $0x4000  }
0x43: {  	p0 =	sne.s32 s18, s7;
	[sflag:s12] =	ssyncset.done $0x0  }
.Ltmp1:
0x44: {  	[sflag:s12] =	ssyncadd.s32 $0xFFFFC000;
	(pc) =	sbr.rel @p0 .LBB2_1-.Ltmp1, $4  }
0x45: {  	[hbm4b:s6+s2] =	stream.linear.scatter [tilespmem:s15], [sflag:$0x2], $0x8000, $0x38;
	[tilespmem:$0x12100] =	vst v63  }
0x46: {  	_ =	swait.ge [sflag:s9], $0x8000  }
0x47: {  	[sflag:s9] =	ssyncset.done $0x0  }
0x48: {  	[sflag:s9] =	ssyncadd.s32 $0xFFFF8000  }
0x49: {  	_ =	sfence.sel $0x180000  }
0x4a: {  	[bflag:$0x0] =	sbarrier.arrive $0xFFFF  }
0x4b: {  	p0 =	sne.s32 s1, $0x0;
	_ =	strace $0x9000004A  }
0x4c: {  	s0 =	sadd.s32 @!p0 $0x100000, s0;
	[bflag:$0x2] =	sbarrier.arrive $0xFFFF  }
0x4d: {  	[sflag:s0] =	ssyncadd.tile.s32 @!p0 $0x1;
	_ =	shalt  }
.Lfunc_end2:
_tile_overlayer_lowered:
.L_overlay_start_2:
0x4e: {  	(tag) =	ssettag $0x2  }
0x4f: {  	s0 =	rddreg [dreg:$0x0];
	s2 =	stileid.u32  }
0x50: {  	s1 =	rddreg [dreg:$0x1];
	p0 =	sne.s32 s2, $0x0  }
0x51: {  	s3 =	rddreg [dreg:$0x2];
	[bflag:$0x3] =	sbarrier.arrive $0xFFFF;
	s2 =	simm.s32 @!p0 $0x1C02  }
0x52: {  	[timem:s3], [sflag:s2] =	dma.local @!p0 [hbm:s0], s1  }
0x53: {  	s0 =	simm.s32 @!p0 $0x2  }
0x54: {  	_ =	swait.ge @!p0 [sflag:s0], s1  }
0x55: {  	s1 =	ssub.s32 @!p0 $0x0, s1;
	[sflag:s0] =	ssyncset.done @!p0 $0x0  }
0x56: {  	[sflag:s0] =	ssyncadd.s32 @!p0 s1  }
0x57: {  	[bflag:$0x3] =	sbarrier.arrive $0xFFFF  }
0x58: {  	_ =	shalt  }

// kernel: kernel.7.cloned.1.call-start
scs
__scs_entry_jumppad:
0x0: {  	(pc) =	sbr.rel $0x88, $3  }
0x1: {  	(tag) =	ssettag $0x0;
	lr =	simm.s32 $0x1  }
0x2: {  	[smem:$0x3F9C] =	sst lr;
	_ =	strace $0xD0000000  }
0x3: {  	_ = 	snop  }
0x4: {  	_ = 	snop  }
0x5: {  	_ = 	snop  }
0x6: {  	_ = 	snop  }
0x7: {  	_ = 	snop  }
__scs_overlays_trampoline_lowered:
0x8: {  	[smem:$0x3FAB] =	sst s0  }
0x9: {  	[smem:$0x3FAC] =	sst s1  }
0xa: {  	[smem:$0x3FAD] =	sst s2  }
0xb: {  	[smem:$0x3FAE] =	sst s3  }
0xc: {  	[smem:$0x3FAF] =	sst s4  }
0xd: {  	[smem:$0x3FB0] =	sst s5  }
0xe: {  	[smem:$0x3FB1] =	sst s6  }
0xf: {  	[smem:$0x3FB2] =	sst s7  }
0x10: {  	[smem:$0x3FB3] =	sst s8  }
0x11: {  	[smem:$0x3FB4] =	sst s9;
	s0 =	simm.s32 @!p0 $0x0  }
0x12: {  	s1 =	sld [smem:$0x3F9A];
	s0 =	simm.s32 @p0 $0x1  }
0x13: {  	[smem:$0x3FB5] =	sst s0;
	s0 =	simm.s32 @!p1 $0x0  }
0x14: {  	s2 =	sld [smem:$0x3F99];
	s0 =	simm.s32 @p1 $0x1  }
0x15: {  	[smem:$0x3FB6] =	sst s0;
	s0 =	simm.s32 @!p2 $0x0  }
0x16: {  	s3 =	sld [smem:$0x3FDB];
	s0 =	simm.s32 @p2 $0x1  }
0x17: {  	s4 =	simm.s32 $0x1BF5;
	[smem:$0x3FB8] =	sst s0  }
0x18: {  	s0 =	sld [smem:$0x3F9B];
	_ =	swait.ge [sflag:s4], $0x0  }
0x19: {  	s7 =	sld [smem:$0x3F9C]  }
0x1a: {  	s8 =	sadd.s32 $0xFFFFE003, lr  }
0x1b: {  	s9 =	sadd.s32 $0xFFFFFEF7, lr;
	s5 =	simm.s32 $0xFFFFFFFF;
	p2 =	slt.u32 s8, $0xFFFFF086  }
0x1c: {  	p1 =	slt.u32 s9, $0xF7A;
	s5 =	simm.s32 @!p2 $0x0  }
0x1d: {  	s5 =	simm.s32 @p1 $0x1;
	p0 =	seq.s32 s7, s2  }
0x1e: {  	s7 =	smul.u32 @!p0 $0xF7A, s2;
	p2 =	seq.s32 @!p0 s5, $0x0  }
0x1f: {  	s9 =	smul.u32 $0xF7A, s1;
	s8 =	simm.s32 @!p0 $0x1BF5;
	p2 =	por !p2, p0  }
0x20: {  	[sflag:s8] =	ssyncset.s32 @!p0 $0xFFFFF086;
	s6 =	sadd.s32 @!p0 s3, s7;
	s7 =	simm.s32 @!p0 $0x108  }
0x21: {  	s3 =	sadd.s32 s3, s9;
	s6 =	sadd.s32 @!p0 $0x88, s6;
	s7 =	simm.s32 @p2 $0x1082  }
0x22: {  	[simem:s7], [sflag:s8] =	dma.local @!p0 [hbm:s6], $0xF7A  }
0x23: {  	s9 =	sor.u32 $0xD0000000, s2;
	s6 =	simm.s32 $0x108;
	_ =	swait.ge @!p0 [sflag:s8], $0x0  }
0x24: {  	s3 =	sadd.s32 $0x88, s3;
	s6 =	simm.s32 @!p1 $0x1082;
	[sflag:s4] =	ssyncset.s32 $0xFFFFF086  }
0x25: {  	[simem:s6], [sflag:s4] =	dma.local [hbm:s3], $0xF7A  }
0x26: {  	[smem:$0x3F9C] =	sst s1;
	(tag) =	ssettag s2;
	_ =	strace s9  }
0x27: {  	s1 =	sld [smem:$0x3FAC]  }
0x28: {  	s2 =	sld [smem:$0x3FAD]  }
0x29: {  	s4 =	sld [smem:$0x3FAF]  }
0x2a: {  	p0 =	seq.s32 s5, $0x0;
	s5 =	sld [smem:$0x3FB0]  }
0x2b: {  	s6 =	sld [smem:$0x3FB1]  }
0x2c: {  	s7 =	sld [smem:$0x3FB2]  }
0x2d: {  	s3 =	simm.s32 $0x108;
	s8 =	sld [smem:$0x3FB3]  }
0x2e: {  	s3 =	simm.s32 @!p0 $0x1082;
	s9 =	sld [smem:$0x3FB4]  }
0x2f: {  	lr =	sadd.s32 s0, s3;
	s0 =	sld [smem:$0x3FAB]  }
0x30: {  	s3 =	sld [smem:$0x3FAE]  }
0x31: {  	[smem:$0x3FB7] =	sst s10  }
0x32: {  	s10 =	sld [smem:$0x3FB5];
	_ =	sdelay $0x3  }
0x33: {  	p0 =	seq.s32 s10, $0x1;
	s10 =	sld [smem:$0x3FB7];
	_ =	sdelay $0x3  }
0x34: {  	[smem:$0x3FB7] =	sst s10  }
0x35: {  	s10 =	sld [smem:$0x3FB6];
	_ =	sdelay $0x3  }
0x36: {  	p1 =	seq.s32 s10, $0x1;
	s10 =	sld [smem:$0x3FB7];
	_ =	sdelay $0x3  }
0x37: {  	[smem:$0x3FB7] =	sst s10  }
0x38: {  	s10 =	sld [smem:$0x3FB8]  }
0x39: {  	_ = 	snop;
	(pc) =	sbr.ind lr, $3  }
0x3a: {  	_ = 	snop  }
0x3b: {  	_ = 	snop  }
0x3c: {  	p2 =	seq.s32 s10, $0x1;
	s10 =	sld [smem:$0x3FB7]  }
0x3d: {  	_ =	shalt  }
0x3e: {  	_ =	shalt  }
0x3f: {  	_ =	shalt  }
0x40: {  	_ =	shalt  }
0x41: {  	_ =	shalt  }
0x42: {  	_ =	shalt  }
0x43: {  	_ =	shalt  }
0x44: {  	_ =	shalt  }
0x45: {  	_ =	shalt  }
0x46: {  	_ =	shalt  }
0x47: {  	_ =	shalt  }
0x48: {  	_ =	shalt  }
0x49: {  	_ =	shalt  }
0x4a: {  	_ =	shalt  }
0x4b: {  	_ =	shalt  }
0x4c: {  	_ =	shalt  }
0x4d: {  	_ =	shalt  }
0x4e: {  	_ =	shalt  }
0x4f: {  	_ =	shalt  }
0x50: {  	_ =	shalt  }
0x51: {  	_ =	shalt  }
0x52: {  	_ =	shalt  }
0x53: {  	_ =	shalt  }
0x54: {  	_ =	shalt  }
0x55: {  	_ =	shalt  }
0x56: {  	_ =	shalt  }
0x57: {  	_ =	shalt  }
0x58: {  	_ =	shalt  }
0x59: {  	_ =	shalt  }
0x5a: {  	_ =	shalt  }
0x5b: {  	_ =	shalt  }
0x5c: {  	_ =	shalt  }
0x5d: {  	_ =	shalt  }
0x5e: {  	_ =	shalt  }
0x5f: {  	_ =	shalt  }
0x60: {  	_ =	shalt  }
0x61: {  	_ =	shalt  }
0x62: {  	_ =	shalt  }
0x63: {  	_ =	shalt  }
0x64: {  	_ =	shalt  }
0x65: {  	_ =	shalt  }
0x66: {  	_ =	shalt  }
0x67: {  	_ =	shalt  }
0x68: {  	_ =	shalt  }
0x69: {  	_ =	shalt  }
0x6a: {  	_ =	shalt  }
0x6b: {  	_ =	shalt  }
0x6c: {  	_ =	shalt  }
0x6d: {  	_ =	shalt  }
0x6e: {  	_ =	shalt  }
0x6f: {  	_ =	shalt  }
0x70: {  	_ =	shalt  }
0x71: {  	_ =	shalt  }
0x72: {  	_ =	shalt  }
0x73: {  	_ =	shalt  }
0x74: {  	_ =	shalt  }
0x75: {  	_ =	shalt  }
0x76: {  	_ =	shalt  }
0x77: {  	_ =	shalt  }
0x78: {  	_ =	shalt  }
0x79: {  	_ =	shalt  }
0x7a: {  	_ =	shalt  }
0x7b: {  	_ =	shalt  }
0x7c: {  	_ =	shalt  }
0x7d: {  	_ =	shalt  }
0x7e: {  	_ =	shalt  }
0x7f: {  	_ =	shalt  }
0x80: {  	_ =	shalt  }
0x81: {  	_ =	shalt  }
0x82: {  	_ =	shalt  }
0x83: {  	_ =	shalt  }
0x84: {  	_ =	shalt  }
0x85: {  	_ =	shalt  }
0x86: {  	_ =	shalt  }
0x87: {  	_ =	shalt  }
.Lfunc_end0:
.L_simem_size_0:
called_computation.2_lowered:
.L_overlay_start_0:
0x88: {  	s2 =	sld [smem:$0x3FD9]  }
0x89: {  	s3 =	sld [smem:$0x3FFE];
	_ =	sdelay $0x1  }
0x8a: {  	s1 =	srdreg.scid  }
0x8b: {  	s0 =	sand.u32 $0x1, s1  }
0x8c: {  	s16 =	sshll.u32 s0, $0xA;
	s2 =	sadd.s32 s3, s2  }
0x8d: {  	s2 =	sadd.s32 s2, s16  }
0x8e: {  	[smem:$0x3FC3] =	sst s2  }
0x8f: {  	_ = 	snop  }
0x90: {  	(tm) =	ssettm $0x1  }
0x91: {  	s17 =	sld [smem:$0x3FFB];
	_ =	sdelay $0x3  }
0x92: {  	_ =	strace s17  }
0x93: {  	s2 =	sld [smem:$0x3FFC];
	_ =	sdelay $0x3  }
0x94: {  	_ =	strace s2  }
0x95: {  	s2 =	sld [smem:$0x3FFD];
	_ =	sdelay $0x3  }
0x96: {  	_ =	strace s2  }
0x97: {  	_ =	strace $0x8FFFFFFF  }
0x98: {  	s18 =	sld [smem:$0x3FDB];
	_ =	sdelay $0x1  }
0x99: {  	s19 =	simm.s32 $_scs_section_size  }
0x9a: {  	s4 =	simm.s32 $_size__tile_overlayer_lowered;
	s5 =	simm.s32 $_tile_overlayer_lowered  }
0x9b: {  	s22 =	simm.s32 $0x1BFF;
	s21 =	sshll.u32 s5, $0x1;
	s2 =	sadd.s32 s19, s18  }
0x9c: {  	s6 =	simm.s32 $0x0;
	s20 =	sshll.u32 s4, $0x1;
	s4 =	sadd.s32 s21, s2  }
0x9d: {  	[timem:s6], [sflag:s22] =	dma.local [hbm:s4], s20  }
0x9e: {  	_ =	swait.ge [sflag:s22], s20  }
0x9f: {  	s3 =	ssub.s32 $0x0, s20;
	[sflag:s22] =	ssyncset.done $0x0  }
0xa0: {  	[sflag:s22] =	ssyncadd.s32 s3;
	_ =	sdelay $0x1  }
0xa1: {  	s23 =	simm.s32 $0x1B8B  }
0xa2: {  	_ =	swait.ge [sflag:s23], $0x1  }
0xa3: {  	[sflag:s23] =	ssyncset.done $0x0  }
0xa4: {  	s25 =	simm.s32 $0x1B8E;
	s24 =	sld [smem:$0x3FFE];
	[sflag:s23] =	ssyncadd.s32 $0xFFFFFFFF  }
0xa5: {  	s26 =	simm.s32 $execute0_lowered;
	[smem:$0x3FD2] =	sst s25  }
0xa6: {  	s4 =	sshll.u32 s26, $0x1;
	_ =	strace $0x80000046;
	[dreg:$0x1] =	wrdreg $0xFFFFFFFF  }
0xa7: {  	s28 =	simm.s32 $_size_execute0_lowered;
	s2 =	sadd.s32 s2, s4;
	[dreg:$0x0] =	wrdreg $0x0  }
0xa8: {  	s4 =	sshll.u32 s28, $0x1;
	[dreg:$0x2] =	wrdreg s2  }
0xa9: {  	[dreg:$0x3] =	wrdreg s4  }
0xaa: {  	[dreg:$0x4] =	wrdreg $0xC0  }
0xab: {  	_ =	task [dreg:s6], $0x5FFFF  }
0xac: {  	[dreg:$0x1] =	wrdreg $0xFFFFFFFF  }
0xad: {  	[dreg:$0x0] =	wrdreg $0x60  }
0xae: {  	[dreg:$0x2] =	wrdreg s24  }
0xaf: {  	[dreg:$0x3] =	wrdreg $0x9  }
0xb0: {  	_ =	task.clear_ibuf [dreg:s6], $0x4FFFF;
	_ =	strace $0x90000046  }
0xb1: {  	s29 =	simm.s32 $0x9;
	_ =	strace $0x80000048  }
0xb2: {  	_ =	swait.ge [sflag:s29], $0x1  }
0xb3: {  	[sflag:s29] =	ssyncadd.s32 $0xFFFFFFFF  }
0xb4: {  	_ =	strace $0x90000048  }
0xb5: {  	_ =	sfence  }
0xb6: {  	s30 =	sld [smem:$0x0];
	_ =	sdelay $0x2  }
0xb7: {  	s31 =	sshll.u32 s1, $0xD;
	s1 =	sshrl.u32 s1, $0x2  }
0xb8: {  	s3 =	sand.u32 $0x4000, s31;
	s1 =	sadd.s32 s1, s30  }
0xb9: {  	s0 =	sor.u32 s3, s0;
	s1 =	sshll.u32 s1, $0x11  }
0xba: {  	s0 =	sor.u32 s1, s0  }
0xbb: {  	s0 =	sadd.s32 $0x8F2B, s0  }
0xbc: {  	[sflag:s0] =	ssyncadd.remote.s32 $0x1  }
0xbd: {  	_ =	sfence.sel $0xFFFF  }
0xbe: {  	[dreg:$0x0] =	wrdreg $0xFFFFFFFF;
	(pc) =	sbr.abs _section_cstart, $3  }
0xbf: {  	[dreg:$0x1] =	wrdreg $0xFFFFFFFF  }
0xc0: {  	_ =	task.clear_ibuf [dreg:s6], $0x2FFFF;
	_ =	strace $0x9FFFFFFF  }
0xc1: {  	(tm) =	ssettm $0x7FFFFFFF  }
tec
execute0_lowered:
.L_overlay_start_1:
0x0: {  	(tag) =	ssettag $0x1  }
0x1: {  	s3 =	rddreg [dreg:$0x0]  }
0x2: {  	s0 =	rddreg [dreg:$0x1];
	s4 =	srdreg.scid  }
0x3: {  	s2 =	simm.s32 $0x0;
	s1 =	stileid.u32;
	s9 =	simm.s32 $0x80  }
0x4: {  	s10 =	simm.s32 $0x1;
	s11 =	simm.s32 $0x6000;
	s12 =	simm.s32 $0x0  }
0x5: {  	s4 =	sand.u32 $0x1, s4;
	[smem:$0x7FF] =	sst s2;
	s5 =	sshll.u32 s1, $0xE  }
0x6: {  	s7 =	sshll.u32 s1, $0x12;
	s6 =	sshll.u32 s4, $0xD;
	_ =	strace $0x80000047  }
0x7: {  	s30 =	sadd.s32 s7, s3;
	s31 =	ssub.s32 $0x2, s4;
	s4 =	sshll.u32 s4, $0x11  }
0x8: {  	s5 =	sor.u32 s6, s5;
	s8 =	sshrl.u32 s31, $0x1;
	s6 =	sadd.s32 s4, s30  }
0x9: {  	s5 =	sshrl.u32 s5, $0x3;
	s7 =	ssub.s32 s31, s8;
	s6 =	sadd.s32 $0x402600, s6  }
0xa: {  	s8 =	simm.s32 $0x2000;
	s5 =	sadd.s32 s5, s3;
	s3 =	sadd.s32 $0x802600, s3  }
0xb: {  	s4 =	sadd.s32 $0x2600, s5;
	s5 =	smax.u32 s7, $0x1;
	s7 =	simm.s32 $0x2  }
.LBB2_1:
0xc: {  	[tilespmem:s2], [sflag:$0x2] =	stream.linear.gather [hbm4b:s4+s2], $0x2000, $0x38;
	[tilespmem:$0xA000] =	vst v63  }
0xd: {  	_ =	swait.ge [sflag:s7], $0x2000  }
0xe: {  	[sflag:s7] =	ssyncset.done $0x0  }
0xf: {  	s13 =	sadd.s32 $0x0, s6;
	[sflag:s7] =	ssyncadd.s32 $0xFFFFE000  }
0x10: {  	[tilespmem:s8], [sflag:$0x2] =	stream.linear.gather [hbm4b:s13+s2], $0x8000, $0x38;
	[tilespmem:$0xA000] =	vst v63  }
0x11: {  	_ =	swait.ge [sflag:s7], $0x8000  }
0x12: {  	[sflag:s7] =	ssyncset.done $0x0  }
0x13: {  	s31 =	simm.s32 $0x0;
	[sflag:s7] =	ssyncadd.s32 $0xFFFF8000  }
0x14: {  	[hbm4b:s3+s9] =	stream.indirect.scatter [tilespmem:s8], [sflag:$0x1], $0x80, s31, s9, $0xb8;
	[tilespmem:$0xA000] =	vst v63  }
0x15: {  	_ =	swait.ge [sflag:s10], $0x4000  }
0x16: {  	[sflag:s10] =	ssyncset.done $0x0  }
0x17: {  	[sflag:s10] =	ssyncadd.s32 $0xFFFFC000  }
0x18: {  	[hbm4b:s3+s9] =	stream.indirect.scatter [tilespmem:s11], [sflag:$0x1], $0x80, s9, s9, $0xb8;
	[tilespmem:$0xA000] =	vst v63  }
0x19: {  	s14 =	simm.s32 $0x1000;
	_ =	swait.ge [sflag:s10], $0x4000  }
0x1a: {  	s15 =	simm.s32 $0x2000;
	s13 =	simm.s32 $0x180;
	[sflag:s10] =	ssyncset.done $0x0  }
.LBB2_2:
0x1b: {  	s16 =	sadd.s32 s14, s6  }
0x1c: {  	[sflag:s10] =	ssyncadd.s32 $0xFFFFC000;
	s14 =	smov.u32 s15;
	s17 =	sadd.s32 $0x1000, s15  }
0x1d: {  	[tilespmem:s8], [sflag:$0x2] =	stream.linear.gather [hbm4b:s16+s2], $0x8000, $0x38;
	[tilespmem:$0xA000] =	vst v63  }
0x1e: {  	p0 =	sne.s32 s15, $0x1F000;
	_ =	swait.ge [sflag:s7], $0x8000  }
0x1f: {  	[sflag:s7] =	ssyncset.done $0x0  }
0x20: {  	s15 =	sadd.s32 $0xFFFFFF80, s13;
	[sflag:s7] =	ssyncadd.s32 $0xFFFF8000  }
0x21: {  	[hbm4b:s3+s9] =	stream.indirect.scatter [tilespmem:s8], [sflag:$0x1], $0x80, s15, s9, $0xb8;
	[tilespmem:$0xA000] =	vst v63  }
0x22: {  	_ =	swait.ge [sflag:s10], $0x4000  }
.Ltmp0:
0x23: {  	[sflag:s10] =	ssyncset.done $0x0;
	(pc) =	sbr.rel @p0 .LBB2_2-.Ltmp0, $4  }
0x24: {  	[sflag:s10] =	ssyncadd.s32 $0xFFFFC000  }
0x25: {  	[hbm4b:s3+s9] =	stream.indirect.scatter [tilespmem:s11], [sflag:$0x1], $0x80, s13, s9, $0xb8;
	[tilespmem:$0xA000] =	vst v63  }
0x26: {  	_ =	swait.ge [sflag:s10], $0x4000  }
0x27: {  	s15 =	smov.u32 s17;
	s13 =	sadd.s32 $0x100, s13;
	[sflag:s10] =	ssyncset.done $0x0  }
0x28: {  	s14 =	sadd.s32 s14, s6;
	[sflag:s10] =	ssyncadd.s32 $0xFFFFC000  }
0x29: {  	[tilespmem:s8], [sflag:$0x2] =	stream.linear.gather [hbm4b:s14+s2], $0x8000, $0x38;
	[tilespmem:$0xA000] =	vst v63  }
0x2a: {  	_ =	swait.ge [sflag:s7], $0x8000  }
0x2b: {  	[sflag:s7] =	ssyncset.done $0x0  }
0x2c: {  	s31 =	sadd.s32 $0xFFFFFF80, s13;
	[sflag:s7] =	ssyncadd.s32 $0xFFFF8000  }
0x2d: {  	[hbm4b:s3+s9] =	stream.indirect.scatter [tilespmem:s8], [sflag:$0x1], $0x80, s31, s9, $0xb8;
	[tilespmem:$0xA000] =	vst v63  }
0x2e: {  	s12 =	sadd.s32 $0x1, s12;
	_ =	swait.ge [sflag:s10], $0x4000  }
0x2f: {  	p0 =	sne.s32 s12, s5;
	[sflag:s10] =	ssyncset.done $0x0  }
.Ltmp1:
0x30: {  	[sflag:s10] =	ssyncadd.s32 $0xFFFFC000;
	(pc) =	sbr.rel @p0 .LBB2_1-.Ltmp1, $4  }
0x31: {  	[hbm4b:s3+s9] =	stream.indirect.scatter [tilespmem:s11], [sflag:$0x1], $0x80, s13, s9, $0xb8;
	[tilespmem:$0xA000] =	vst v63  }
0x32: {  	_ =	swait.ge [sflag:s10], $0x4000  }
0x33: {  	[sflag:s10] =	ssyncset.done $0x0  }
0x34: {  	[sflag:s10] =	ssyncadd.s32 $0xFFFFC000  }
0x35: {  	_ =	sfence.sel $0x180000  }
0x36: {  	[bflag:$0x0] =	sbarrier.arrive $0xFFFF  }
0x37: {  	p0 =	sne.s32 s1, $0x0;
	_ =	strace $0x90000047  }
0x38: {  	s0 =	sadd.s32 @!p0 $0x100000, s0;
	[bflag:$0x2] =	sbarrier.arrive $0xFFFF  }
0x39: {  	[sflag:s0] =	ssyncadd.tile.s32 @!p0 $0x1;
	_ =	shalt  }
.Lfunc_end2:
_tile_overlayer_lowered:
.L_overlay_start_2:
0x3a: {  	(tag) =	ssettag $0x2  }
0x3b: {  	s0 =	rddreg [dreg:$0x0];
	s2 =	stileid.u32  }
0x3c: {  	s1 =	rddreg [dreg:$0x1];
	p0 =	sne.s32 s2, $0x0  }
0x3d: {  	s3 =	rddreg [dreg:$0x2];
	[bflag:$0x3] =	sbarrier.arrive $0xFFFF;
	s2 =	simm.s32 @!p0 $0x1C02  }
0x3e: {  	[timem:s3], [sflag:s2] =	dma.local @!p0 [hbm:s0], s1  }
0x3f: {  	s0 =	simm.s32 @!p0 $0x2  }
0x40: {  	_ =	swait.ge @!p0 [sflag:s0], s1  }
0x41: {  	s1 =	ssub.s32 @!p0 $0x0, s1;
	[sflag:s0] =	ssyncset.done @!p0 $0x0  }
0x42: {  	[sflag:s0] =	ssyncadd.s32 @!p0 s1  }
0x43: {  	[bflag:$0x3] =	sbarrier.arrive $0xFFFF  }
0x44: {  	_ =	shalt  }

// kernel: sparse-core-data-format-call.cloned.1.call-start
scs
called_computation_lowered:
.L_overlay_start_0:
0x0: {  	s2 =	sld [smem:$0x3FD9]  }
0x1: {  	s3 =	sld [smem:$0x3FFE];
	_ =	sdelay $0x1  }
0x2: {  	s1 =	srdreg.scid  }
0x3: {  	s0 =	sand.u32 $0x1, s1  }
0x4: {  	s18 =	sshll.u32 s0, $0xA;
	s2 =	sadd.s32 s3, s2  }
0x5: {  	s2 =	sadd.s32 s2, s18  }
0x6: {  	[smem:$0x3FC3] =	sst s2  }
0x7: {  	_ = 	snop  }
0x8: {  	s2 =	sld [smem:$0x3FD0];
	(tm) =	ssettm $0x1  }
0x9: {  	s19 =	sld [smem:$0x3FFB];
	_ =	sdelay $0x3  }
0xa: {  	_ =	strace s19  }
0xb: {  	s3 =	sld [smem:$0x3FFC];
	_ =	sdelay $0x3  }
0xc: {  	_ =	strace s3  }
0xd: {  	s3 =	sld [smem:$0x3FFD];
	_ =	sdelay $0x3  }
0xe: {  	_ =	strace s3  }
0xf: {  	_ =	strace $0x8FFFFFFF  }
0x10: {  	s20 =	sld [smem:$0x3FDB];
	_ =	sdelay $0x1  }
0x11: {  	s4 =	simm.s32 $_scs_section_size  }
0x12: {  	s5 =	simm.s32 $_size__tile_overlayer_lowered;
	s6 =	simm.s32 $_tile_overlayer_lowered  }
0x13: {  	s23 =	simm.s32 $0x1BFF;
	s22 =	sshll.u32 s6, $0x1;
	s3 =	sadd.s32 s4, s20  }
0x14: {  	s7 =	simm.s32 $0x0;
	s21 =	sshll.u32 s5, $0x1;
	s5 =	sadd.s32 s22, s3  }
0x15: {  	[timem:s7], [sflag:s23] =	dma.local [hbm:s5], s21  }
0x16: {  	_ =	swait.ge [sflag:s23], s21  }
0x17: {  	s4 =	ssub.s32 $0x0, s21;
	[sflag:s23] =	ssyncset.done $0x0  }
0x18: {  	[sflag:s23] =	ssyncadd.s32 s4;
	_ =	sdelay $0x1  }
0x19: {  	s24 =	simm.s32 $0x1B8B  }
0x1a: {  	_ =	swait.ge [sflag:s24], $0x1  }
0x1b: {  	[sflag:s24] =	ssyncset.done $0x0  }
0x1c: {  	s26 =	simm.s32 $0x1B8E;
	s25 =	sld [smem:$0x3FFE];
	[sflag:s24] =	ssyncadd.s32 $0xFFFFFFFF  }
0x1d: {  	s27 =	simm.s32 $execute0_lowered;
	[smem:$0x3FD2] =	sst s26  }
0x1e: {  	s5 =	sshll.u32 s27, $0x1;
	_ =	strace $0x8000004F;
	[dreg:$0x1] =	wrdreg $0xFFFFFFFF  }
0x1f: {  	s28 =	simm.s32 $_size_execute0_lowered;
	s3 =	sadd.s32 s3, s5;
	[dreg:$0x0] =	wrdreg $0x0  }
0x20: {  	s5 =	sshll.u32 s28, $0x1;
	[dreg:$0x2] =	wrdreg s3  }
0x21: {  	[dreg:$0x3] =	wrdreg s5  }
0x22: {  	[dreg:$0x4] =	wrdreg $0xC0  }
0x23: {  	_ =	task [dreg:s7], $0x5FFFF  }
0x24: {  	[dreg:$0x1] =	wrdreg $0xFFFFFFFF  }
0x25: {  	[dreg:$0x0] =	wrdreg $0x60  }
0x26: {  	[dreg:$0x2] =	wrdreg s25  }
0x27: {  	[dreg:$0x3] =	wrdreg s2  }
0x28: {  	[dreg:$0x4] =	wrdreg $0x9  }
0x29: {  	_ =	task.clear_ibuf [dreg:s7], $0x5FFFF;
	_ =	strace $0x9000004F  }
0x2a: {  	s29 =	simm.s32 $0x9;
	_ =	strace $0x80000051  }
0x2b: {  	_ =	swait.ge [sflag:s29], $0x1  }
0x2c: {  	[sflag:s29] =	ssyncadd.s32 $0xFFFFFFFF  }
0x2d: {  	_ =	strace $0x90000051  }
0x2e: {  	_ =	sfence  }
0x2f: {  	s30 =	sld [smem:$0x0];
	_ =	sdelay $0x2  }
0x30: {  	s31 =	sshll.u32 s1, $0xD;
	s1 =	sshrl.u32 s1, $0x2  }
0x31: {  	s3 =	sand.u32 $0x4000, s31;
	s1 =	sadd.s32 s1, s30  }
0x32: {  	s0 =	sor.u32 s3, s0;
	s1 =	sshll.u32 s1, $0x11  }
0x33: {  	s0 =	sor.u32 s1, s0  }
0x34: {  	s0 =	sadd.s32 $0x8F2B, s0  }
0x35: {  	[sflag:s0] =	ssyncadd.remote.s32 $0x1  }
0x36: {  	_ =	sfence.sel $0xFFFF  }
0x37: {  	[dreg:$0x0] =	wrdreg $0xFFFFFFFF;
	(pc) =	sbr.abs _section_cstart, $3  }
0x38: {  	[dreg:$0x1] =	wrdreg $0xFFFFFFFF  }
0x39: {  	_ =	task.clear_ibuf [dreg:s7], $0x2FFFF;
	_ =	strace $0x9FFFFFFF  }
0x3a: {  	(tm) =	ssettm $0x7FFFFFFF  }
0x3b: {  	_ =	shalt  }
tec
execute0_lowered:
.L_overlay_start_1:
0x0: {  	(tag) =	ssettag $0x1  }
0x1: {  	s9 =	rddreg [dreg:$0x0]  }
0x2: {  	s1 =	rddreg [dreg:$0x1];
	s0 =	stileid.u32  }
0x3: {  	s4 =	srdreg.scid;
	s31 =	simm.s32 $0x2;
	s16 =	simm.s32 $0x0  }
0x4: {  	s11 =	simm.s32 $0x10000;
	s17 =	simm.s32 $0x0;
	s18 =	simm.s32 $0x0  }
0x5: {  	s15 =	simm.s32 $0x0;
	s2 =	sand.u32 $0x1, s0;
	s3 =	sand.u32 $0xE, s0  }
0x6: {  	s4 =	sshll.u32 s4, $0x7;
	s5 =	ssub.s32 $0x2, s2;
	s6 =	ssub.s32 $0x10, s3  }
0x7: {  	s4 =	sand.u32 $0x80, s4;
	s13 =	smov.u32 s3;
	s8 =	sand.u32 $0xE, s6  }
0x8: {  	s7 =	sshrl.u32 s5, $0x1;
	p0 =	sne.s32 s8, $0x0;
	s8 =	simm.s32 $0x1  }
0x9: {  	s5 =	sand.u32 $0x1, s5;
	s6 =	sshrl.u32 s6, $0x4;
	s8 =	simm.s32 @!p0 $0x0  }
0xa: {  	s10 =	ssub.s32 $0x2000, s4;
	s5 =	sadd.s32 s5, s7;
	s6 =	sadd.s32 s8, s6  }
0xb: {  	s14 =	smov.u32 s2;
	s28 =	sshrl.u32 s10, $0x7;
	s30 =	smul.u32 s5, s6  }
.Ltmp0:
0xc: {  	s29 =	sshrl.u32 s10, $0x8;
	s7 =	sand.u32 $0x1, s28;
	(pc) =	sbr.rel .LBB1_1-.Ltmp0, $4  }
0xd: {  	s12 =	smov.u32 s4;
	s7 =	sadd.s32 s29, s7;
	s5 =	rddreg [dreg:$0x2]  }
0xe: {  	_ =	strace $0x80000050;
	s6 =	simm.s32 $0x1;
	s7 =	smul.u32 s7, s30  }
0xf: {  	p0 =	por $0x0, $0x0;
	s8 =	sadd.s32 $0x41AA00, s9;
	[sflag:s6] =	ssyncpa.u1 $0x0  }
0x10: {  	s9 =	sadd.s32 $0x43AA00, s9;
	[sflag:s31] =	ssyncpa.u1 $0x0;
	s10 =	sadd.s32 $0x1, s7  }
.LBB1_7:
0x11: {  	s19 =	sadd.s32 $0x100, s12  }
0x12: {  	s16 =	sadd.s32 $0x10, s13;
	s20 =	smov.u32 s13;
	p2 =	sgt.s32 s19, $0x1FFF  }
0x13: {  	s20 =	smov.u32 @p2 s16  }
0x14: {  	s22 =	smov.u32 s14;
	s16 =	sadd.s32 $0x2, s14;
	p3 =	sgt.s32 s20, $0xF  }
0x15: {  	s22 =	smov.u32 @p3 s16  }
0x16: {  	s19 =	smov.u32 @p2 s4;
	p2 =	sgt.s32 s22, $0x1  }
0x17: {  	p1 =	slt.u32 s15, $0x2;
	s22 =	smov.u32 @p2 s2;
	p2 =	sne.s32 s15, s10  }
.Ltmp1:
0x18: {  	s21 =	simm.s32 @!p1 $0x2;
	(pc) =	sbr.rel @!p2 .LBB1_8-.Ltmp1, $4  }
0x19: {  	s17 =	smov.u32 s13;
	s18 =	smov.u32 s14;
	_ =	swait.ge @!p1 [sflag:s21], $0x4000  }
0x1a: {  	p0 =	por !p0, !p0;
	[sflag:s21] =	ssyncset.done @!p1 $0x0;
	s20 =	smov.u32 @p3 s3  }
0x1b: {  	s16 =	smov.u32 s12;
	[sflag:s21] =	ssyncadd.s32 @!p1 $0xFFFFC000;
	s12 =	smov.u32 s19  }
0x1c: {  	s13 =	smov.u32 s20;
	s15 =	sadd.s32 $0x1, s15;
	s14 =	smov.u32 s22  }
.LBB1_1:
0x1d: {  	p1 =	sge.u32 s15, s7  }
0x1e: {  	s19 =	sxor.u32 @!p1 $0xFFFFFFFF, s15;
	s20 =	sshll.u32 @!p1 s14, $0x15  }
0x1f: {  	s21 =	sshll.u32 @!p1 s13, $0x11;
	s23 =	sshll.u32 @!p1 s12, $0x4;
	s24 =	simm.s32 @!p1 $0x40  }
0x20: {  	s25 =	simm.s32 @!p1 $0x80;
	s19 =	sshll.u32 @!p1 s19, $0xE;
	s22 =	sadd.s32 @!p1 s20, s21  }
0x21: {  	s23 =	sand.u32 @!p1 $0x1FFF0, s23;
	s20 =	sadd.s32 @!p1 s20, s9;
	s22 =	sadd.s32 @!p1 s8, s22  }
0x22: {  	s19 =	sand.u32 @!p1 $0x4000, s19;
	s20 =	sadd.s32 @!p1 s21, s20;
	s22 =	sadd.s32 @!p1 s23, s22  }
0x23: {  	[tilespmem:s19], [sflag:$0x1] =	stream.strided.gather @!p1 [hbm4b:s22+s24], $0x2000, s25, s24, $0x38;
	[tilespmem:$0x10100] =	vst v63  }
0x24: {  	s31 =	sadd.s32 $0xFFFFFFFF, s15;
	s20 =	sadd.s32 @!p1 s23, s20;
	s19 =	sor.u32 @!p1 $0x2000, s19  }
0x25: {  	[tilespmem:s19], [sflag:$0x1] =	stream.strided.gather @!p1 [hbm4b:s20+s24], $0x2000, s25, s24, $0x38;
	[tilespmem:$0x10100] =	vst v63  }
0x26: {  	p1 =	sge.u32 s31, s7  }
.Ltmp2:
0x27: {  	_ = 	snop;
	(pc) =	sbr.rel @p1 .LBB1_7-.Ltmp2, $1  }
0x28: {  	_ =	sdelay $0x3  }
0x29: {  	s19 =	simm.s32 $0x1;
	s21 =	sand.u32 $0x1, s15  }
0x2a: {  	_ =	swait.ge [sflag:s6], $0x4000;
	s19 =	simm.s32 @!p0 $0x0;
	s21 =	smul.u32 $0x10200, s21  }
0x2b: {  	p2 =	por $0x1, $0x1;
	[sflag:s6] =	ssyncset.done $0x0;
	s20 =	smul.u32 $0x10200, s19  }
0x2c: {  	s22 =	sshll.u32 s19, $0x10;
	[sflag:s6] =	ssyncadd.s32 $0xFFFFC000;
	s30 =	sshrl.u32 s21, $0x2  }
0x2d: {  	s31 =	sshrl.u32 s22, $0x2;
	s22 =	simm.s32 $0x0;
	s20 =	sshrl.u32 s20, $0x2  }
0x2e: {  	s19 =	sor.u32 $0x8000, s30;
	s21 =	sadd.s32 $0x20, s31;
	s20 =	sor.u32 $0x8000, s20  }
.LBB1_3:
0x2f: {  	s23 =	sshll.u32 s22, $0xD  }
0x30: {  	s23 =	sand.u32 $0x3FFFE000, s23  }
0x31: {  	s25 =	sadd.s32 s23, s21  }
0x32: {  	s31 =	smul.u32 $0x8100, s22;
	v3 =	vld [tilespmem:s25+$0x10]  }
0x33: {  	v1 =	vld [tilespmem:s25+$0xFFFFFFF0]  }
0x34: {  	s22 =	sshra.s32 s31, $0x2;
	v0 =	vld [tilespmem:s25+$0x0]  }
0x35: {  	s22 =	sadd.s32 s22, s20;
	v2 =	vld [tilespmem:s25+$0xFFFFFFE0]  }
0x36: {  	s23 =	sadd.s32 $0x0, s22  }
0x37: {  	p1 =	por p2, p2;
	s24 =	simm.s32 $0x4;
	s25 =	sadd.s32 $0x40, s25;
	[tilespmem:s23+$0x1830 ss:$0x81] =	vst.msk $0xffff, v3  }
.LBB1_4:
0x38: {  	v3 =	vld [tilespmem:s25+$0x10];
	p2 =	sne.s32 s24, $0x1FC;
	[tilespmem:s23+$0x810 ss:$0x81] =	vst.msk $0xffff, v1;
	s26 =	smov.u32 s24;
	s24 =	sadd.s32 $0x4, s24  }
.Ltmp3:
0x39: {  	v1 =	vld [tilespmem:s25+$0xFFFFFFF0];
	[tilespmem:s23+$0x1020 ss:$0x81] =	vst.msk $0xffff, v0;
	(pc) =	sbr.rel @p2 .LBB1_4-.Ltmp3, $4  }
0x3a: {  	v0 =	vld [tilespmem:s25+$0x0];
	[tilespmem:s23+$0x0 ss:$0x81] =	vst.msk $0xffff, v2  }
0x3b: {  	s23 =	sshra.s32 s26, $0x2;
	v2 =	vld [tilespmem:s25+$0xFFFFFFE0]  }
0x3c: {  	s23 =	sadd.s32 s23, s22  }
0x3d: {  	s25 =	sadd.s32 $0x40, s25;
	[tilespmem:s23+$0x1830 ss:$0x81] =	vst.msk $0xffff, v3  }
.Ltmp4:
0x3e: {  	(pc) =	sbr.rel @p1 .LBB1_3-.Ltmp4, $4  }
0x3f: {  	_ = 	snop  }
0x40: {  	[tilespmem:s23+$0x810 ss:$0x81] =	vst.msk $0xffff, v1  }
0x41: {  	[tilespmem:s23+$0x1020 ss:$0x81] =	vst.msk $0xffff, v0  }
0x42: {  	s22 =	simm.s32 $0x1;
	p2 =	por $0x0, $0x0;
	[tilespmem:s23+$0x0 ss:$0x81] =	vst.msk $0xffff, v2  }
0x43: {  	s20 =	sshll.u32 s16, $0x3;
	s21 =	sand.u32 $0x78, s16  }
0x44: {  	s18 =	sshll.u32 s18, $0x14;
	s17 =	sshll.u32 s17, $0x10;
	s29 =	sand.u32 $0xFC00, s16  }
.Ltmp5:
0x45: {  	s20 =	sand.u32 $0x1C00, s20;
	s18 =	sadd.s32 s1, s18;
	(pc) =	sbr.rel .LBB1_7-.Ltmp5, $4  }
0x46: {  	s30 =	sand.u32 $0x7, s16;
	s20 =	sor.u32 s21, s20;
	s17 =	sadd.s32 s17, s18  }
0x47: {  	s16 =	sshll.u32 s30, $0x12;
	s31 =	sshrl.u32 s20, $0x3;
	s17 =	sadd.s32 s29, s17  }
0x48: {  	s16 =	sor.u32 $0x400, s16;
	s17 =	sadd.s32 s31, s17  }
0x49: {  	[hbm4b:s17+s16] =	stream.strided.scatter [tilespmem:s19], [sflag:$0x2], $0x4000, s11, s16, $0x20;
	[tilespmem:$0x10100] =	vst v63  }
.LBB1_8:
0x4a: {  	_ =	sfence.sel $0x180000  }
0x4b: {  	s1 =	simm.s32 $0x1;
	[bflag:$0x0] =	sbarrier.arrive $0xFFFF  }
0x4c: {  	s31 =	simm.s32 $0x2;
	[sflag:s1] =	ssyncpa.u1 $0x1  }
0x4d: {  	[sflag:s31] =	ssyncpa.u1 $0x1  }
0x4e: {  	p0 =	sne.s32 s0, $0x0;
	_ =	strace $0x90000050  }
0x4f: {  	s0 =	sadd.s32 @!p0 $0x100000, s5;
	[bflag:$0x2] =	sbarrier.arrive $0xFFFF  }
0x50: {  	[sflag:s0] =	ssyncadd.tile.s32 @!p0 $0x1;
	_ =	shalt  }
.Lfunc_end1:
_tile_overlayer_lowered:
.L_overlay_start_2:
0x51: {  	(tag) =	ssettag $0x2  }
0x52: {  	s0 =	rddreg [dreg:$0x0];
	s2 =	stileid.u32  }
0x53: {  	s1 =	rddreg [dreg:$0x1];
	p0 =	sne.s32 s2, $0x0  }
0x54: {  	s3 =	rddreg [dreg:$0x2];
	[bflag:$0x3] =	sbarrier.arrive $0xFFFF;
	s2 =	simm.s32 @!p0 $0x1C01  }
0x55: {  	[timem:s3], [sflag:s2] =	dma.local @!p0 [hbm:s0], s1  }
0x56: {  	s0 =	simm.s32 @!p0 $0x1  }
0x57: {  	_ =	swait.ge @!p0 [sflag:s0], s1  }
0x58: {  	s1 =	ssub.s32 @!p0 $0x0, s1;
	[sflag:s0] =	ssyncset.done @!p0 $0x0  }
0x59: {  	[sflag:s0] =	ssyncadd.s32 @!p0 s1  }
0x5a: {  	[bflag:$0x3] =	sbarrier.arrive $0xFFFF  }
0x5b: {  	_ =	shalt  }

</sc_bundles>
